<compile_context>
chip_gen: v7x
topology: tpu7x:2x2x1
jax: 0.10.2.dev20260603
libtpu: 0.0.44.dev20260713+nightly
codegen_flags: <defaults>
</compile_context>

<pallas_src>
import functools
import math

import jax
import jax.numpy as jnp
from jax import lax
from jax.experimental import pallas as pl
from jax.experimental.pallas import tpu as pltpu
from jax.experimental.pallas import tpu_sc as plsc

EMB = 64
NC = 2
NS = 16
NW = NC * NS
LANES = 16
CHUNK = 128
SCALE = math.sqrt(EMB)


def kernel(tokens, weight):
    batch, hist = tokens.shape
    b_per_w = batch // NW
    n_bchunk = b_per_w // CHUNK
    assert b_per_w * NW == batch and n_bchunk * CHUNK == b_per_w
    eb = EMB // 8
    bb = batch // CHUNK

    tokens_t = tokens.T.astype(jnp.int32)

    mesh = plsc.VectorSubcoreMesh(core_axis_name="c", subcore_axis_name="s")

    stage_sz = eb * n_bchunk * 8 * CHUNK
    espan = n_bchunk * 8 * CHUNK

    @functools.partial(
        pl.kernel,
        mesh=mesh,
        out_type=jax.ShapeDtypeStruct((hist * eb * bb * 8 * CHUNK,),
                                      jnp.float32),
        scratch_types=[
            pltpu.VMEM((hist, b_per_w), jnp.int32),
            pltpu.VMEM((2, CHUNK, 2 * EMB), jnp.float32),
            pltpu.VMEM((2, stage_sz), jnp.float32),
            pltpu.SemaphoreType.DMA((2,)),
            pltpu.SemaphoreType.DMA,
            pltpu.SemaphoreType.DMA,
        ],
        compiler_params=pltpu.CompilerParams(use_tc_tiling_on_sc=False,
                                             needs_layout_passes=False),
    )
    def emb_kernel(tok_hbm, table_hbm, out_hbm, tok_v, rows_v, stage_v,
                   gsem, osem0, osem1):
        wid = lax.axis_index("s") * NC + lax.axis_index("c")
        base_b = wid * b_per_w
        pltpu.sync_copy(tok_hbm.at[:, pl.ds(base_b, b_per_w)], tok_v)

        iota = lax.iota(jnp.int32, LANES)
        addr_m = [(iota // 8 + 2 * m) * espan + (iota % 8) * CHUNK
                  for m in range(EMB // LANES)]

        def gather(h, c):
            pltpu.async_copy(
                table_hbm.at[tok_v.at[h, pl.ds(CHUNK * c, CHUNK)]],
                rows_v.at[c % 2], gsem.at[c % 2])

        def wait_gather(h, c):
            pltpu.make_async_copy(
                table_hbm.at[tok_v.at[h, pl.ds(CHUNK * c, CHUNK)]],
                rows_v.at[c % 2], gsem.at[c % 2]).wait()

        def out_pieces(h, par):
            base = h * (eb * bb * 8 * CHUNK) + wid * (n_bchunk * 8 * CHUNK)
            for e0 in range(eb):
                yield (stage_v.at[par, pl.ds(e0 * espan, espan)],
                       out_hbm.at[pl.ds(base + e0 * (bb * 8 * CHUNK), espan)])

        def write_out(h, par, sem):
            for src, dst in out_pieces(h, par):
                pltpu.async_copy(src, dst, sem)

        def wait_out(h, par, sem):
            for src, dst in out_pieces(h, par):
                pltpu.make_async_copy(src, dst, sem).wait()

        def transpose_chunk(h2, c):
            src = rows_v.at[c % 2]
            dst = stage_v.at[h2]
            coff = c * (8 * CHUNK)

            @plsc.parallel_loop(0, CHUNK, unroll=4)
            def rbody(r):
                off = lax.broadcast(coff + r, (LANES,))
                for m in range(EMB // LANES):
                    vec = src[r, pl.ds(LANES * m, LANES)]
                    plsc.store_scatter(dst, [addr_m[m] + off], vec * SCALE)

        gather(0, 0)
        gather(0, 1)

        def hbody(h, carry):
            h2 = h % 2
            even = h2 == 0

            @pl.when((h >= 2) & even)
            def _():
                wait_out(h, 0, osem0)

            @pl.when((h >= 2) & jnp.logical_not(even))
            def _():
                wait_out(h, 1, osem1)

            for c in range(n_bchunk):
                wait_gather(h, c)
                transpose_chunk(h2, c)
                if c < 2:
                    gather(h, c + 2)
                else:
                    @pl.when(h < hist - 1)
                    def _():
                        gather(h + 1, c - 2)

            @pl.when(even)
            def _():
                write_out(h, 0, osem0)

            @pl.when(jnp.logical_not(even))
            def _():
                write_out(h, 1, osem1)

            return carry

        lax.fori_loop(0, hist, hbody, 0)
        wait_out(hist - 2, 0, osem0)
        wait_out(hist - 1, 1, osem1)

    wp = jnp.pad(weight, ((0, 0), (0, EMB)))
    out5 = emb_kernel(tokens_t, wp).reshape(hist, eb, bb, 8, CHUNK)
    out = out5.transpose(2, 4, 0, 1, 3).reshape(batch, hist, EMB)
    return out

# --- scband reference (transcript-rebuilt; emitter-appended) ---
"""Pipeline reference for scband-token-embedding-15324443312431 (READ-ONLY COPY).

The authoritative reference and input builder live on the scoring server;
editing this copy changes nothing except your own understanding.
"""

import jax, jax.numpy as jnp
import numpy as np
import math

VOCAB = 1000000
EMB = 64
BATCH = 16384
HIST = 50

def setup_inputs(seed: int = 0) -> dict:
    key = jax.random.key(seed)
    k_tok, k_w = jax.random.split(key)
    tokens = jax.random.randint(k_tok, (BATCH, HIST), 0, VOCAB, dtype=jnp.int64 if jax.config.jax_enable_x64 else jnp.int32)
    weight = jax.random.normal(k_w, (VOCAB, EMB), dtype=jnp.float32)
    return {"tokens": tokens, "weight": weight}

def reference(tokens, weight):
    # nn.Embedding lookup followed by sqrt(emb_size) scaling
    emb = jnp.take(weight, tokens, axis=0)
    return emb * math.sqrt(EMB)

if __name__ == "__main__":
    import jax
    _d = setup_inputs()
    print(jax.jit(kernel)(*tuple(_d.values())))

</pallas_src>

<mosaic_0001>
#map = affine_map<(d0, d1) -> (0, 0)>
#map1 = affine_map<(d0, d1) -> (0)>
module attributes {stable_mosaic.version = 14 : i64} {
  func.func @emb_kernel(%arg0: i32, %arg1: i32, %arg2: memref<50x16384xi32, #tpu.memory_space<hbm>>, %arg3: memref<1000000x128xf32, #tpu.memory_space<hbm>>, %arg4: memref<52428800xf32, #tpu.memory_space<hbm>>, %arg5: memref<50x512xi32, #tpu.memory_space<vmem>>, %arg6: memref<2x128x128xf32, #tpu.memory_space<vmem>>, %arg7: memref<2x32768xf32, #tpu.memory_space<vmem>>, %arg8: memref<2x!tpu.dma_semaphore, #tpu.memory_space<semaphore_mem>>, %arg9: memref<!tpu.dma_semaphore, #tpu.memory_space<semaphore_mem>>, %arg10: memref<!tpu.dma_semaphore, #tpu.memory_space<semaphore_mem>>) attributes {dimension_semantics = [#tpu.dimension_semantics<core_parallel>, #tpu.dimension_semantics<subcore_parallel>], iteration_bounds = array<i64: 2, 16>, scalar_prefetch = 0 : i64, scratch_operands = 6 : i64, tpu.core_type = #tpu.core_type<sc_vector_subcore>, window_params = [{transform_indices = #map}, {transform_indices = #map}, {transform_indices = #map1}]} {
    %mul3A = arith.constant 2 : i32
    %mul3A_0 = arith.muli %arg1, %mul3A : i32
    %add3A = arith.addi %mul3A_0, %arg0 : i32
    %mul3A_1 = arith.constant 512 : i32
    %mul3A_2 = arith.muli %add3A, %mul3A_1 : i32
    "tpu.region"() ({
      %run_scoped3A = tpu.sem_alloc : memref<!tpu.dma_semaphore, #tpu.memory_space<semaphore_mem>>
      %dma_start3A_462 = arith.constant 0 : i32
      %dma_start3A_463 = tpu.memref_slice %arg2[%dma_start3A_462, %mul3A_2] : memref<50x16384xi32, #tpu.memory_space<hbm>> -> memref<50x512xi32, #tpu.memory_space<hbm>>
      %dma_start3A_464 = arith.constant 0 : i32
      %dma_start3A_465 = tpu.memref_slice %arg2[%dma_start3A_464, %mul3A_2] : memref<50x16384xi32, #tpu.memory_space<hbm>> -> memref<50x512xi32, #tpu.memory_space<hbm>>
      tpu.enqueue_dma source(%dma_start3A_465 : memref<50x512xi32, #tpu.memory_space<hbm>>) target(%arg5 : memref<50x512xi32, #tpu.memory_space<vmem>>) target_semaphore(%run_scoped3A : memref<!tpu.dma_semaphore, #tpu.memory_space<semaphore_mem>>)
      %dma_wait3A_466 = arith.constant 0 : i32
      %dma_wait3A_467 = tpu.memref_slice %arg2[%dma_wait3A_466, %mul3A_2] : memref<50x16384xi32, #tpu.memory_space<hbm>> -> memref<50x512xi32, #tpu.memory_space<hbm>>
      %dma_wait3A_468 = arith.constant 0 : i32
      %dma_wait3A_469 = tpu.memref_slice %arg2[%dma_wait3A_468, %mul3A_2] : memref<50x16384xi32, #tpu.memory_space<hbm>> -> memref<50x512xi32, #tpu.memory_space<hbm>>
      tpu.wait_dma2 semaphore(%run_scoped3A : memref<!tpu.dma_semaphore, #tpu.memory_space<semaphore_mem>>) src(%dma_wait3A_469 : memref<50x512xi32, #tpu.memory_space<hbm>>) dst(%arg5 : memref<50x512xi32, #tpu.memory_space<vmem>>)
      tpu.yield
    }) : () -> ()
    %iota3A = tpu.iota {dimensions = array<i32: 0>} : vector<16xi32>
    %jit3A = arith.constant 8 : i32
    %div3A = vector.broadcast %jit3A : i32 to vector<16xi32>
    %div3A_3 = arith.divsi %iota3A, %div3A : vector<16xi32>
    %sign3A = arith.constant 0 : i32
    %sign3A_4 = vector.broadcast %sign3A : i32 to vector<16xi32>
    %sign3A_5 = arith.cmpi sgt, %iota3A, %sign3A_4 : vector<16xi32>
    %sign3A_6 = arith.extui %sign3A_5 : vector<16xi1> to vector<16xi32>
    %sign3A_7 = arith.constant 0 : i32
    %sign3A_8 = vector.broadcast %sign3A_7 : i32 to vector<16xi32>
    %sign3A_9 = arith.cmpi slt, %iota3A, %sign3A_8 : vector<16xi32>
    %sign3A_10 = arith.extui %sign3A_9 : vector<16xi1> to vector<16xi32>
    %sign3A_11 = arith.subi %sign3A_6, %sign3A_10 : vector<16xi32>
    %sign3A_12 = arith.constant 0 : i32
    %sign3A_13 = arith.cmpi sgt, %jit3A, %sign3A_12 : i32
    %sign3A_14 = arith.extui %sign3A_13 : i1 to i32
    %sign3A_15 = arith.constant 0 : i32
    %sign3A_16 = arith.cmpi slt, %jit3A, %sign3A_15 : i32
    %sign3A_17 = arith.extui %sign3A_16 : i1 to i32
    %sign3A_18 = arith.subi %sign3A_14, %sign3A_17 : i32
    %ne3A = vector.broadcast %sign3A_18 : i32 to vector<16xi32>
    %ne3A_19 = arith.cmpi ne, %sign3A_11, %ne3A : vector<16xi32>
    %rem3A = vector.broadcast %jit3A : i32 to vector<16xi32>
    %rem3A_20 = arith.remsi %iota3A, %rem3A : vector<16xi32>
    %ne3A_21 = arith.constant 0 : i32
    %ne3A_22 = vector.broadcast %ne3A_21 : i32 to vector<16xi32>
    %ne3A_23 = arith.cmpi ne, %rem3A_20, %ne3A_22 : vector<16xi32>
    %and3A = arith.andi %ne3A_19, %ne3A_23 : vector<16xi1>
    %sub3A = arith.constant 1 : i32
    %sub3A_24 = vector.broadcast %sub3A : i32 to vector<16xi32>
    %sub3A_25 = arith.subi %div3A_3, %sub3A_24 : vector<16xi32>
    %select_n3A = arith.select %and3A, %sub3A_25, %div3A_3 : vector<16xi1>, vector<16xi32>
    %add3A_26 = arith.constant 0 : i32
    %add3A_27 = vector.broadcast %add3A_26 : i32 to vector<16xi32>
    %add3A_28 = arith.addi %select_n3A, %add3A_27 : vector<16xi32>
    %mul3A_29 = arith.constant 4096 : i32
    %mul3A_30 = vector.broadcast %mul3A_29 : i32 to vector<16xi32>
    %mul3A_31 = arith.muli %add3A_28, %mul3A_30 : vector<16xi32>
    %jit3A_32 = arith.constant 8 : i32
    %eq3A = arith.constant 0 : i32
    %eq3A_33 = arith.cmpi eq, %jit3A_32, %eq3A : i32
    %jit3A_34 = arith.constant 1 : i32
    %select_n3A_35 = arith.select %eq3A_33, %jit3A_34, %jit3A_32 : i32
    %rem3A_36 = vector.broadcast %select_n3A_35 : i32 to vector<16xi32>
    %rem3A_37 = arith.remsi %iota3A, %rem3A_36 : vector<16xi32>
    %ne3A_38 = arith.constant 0 : i32
    %ne3A_39 = vector.broadcast %ne3A_38 : i32 to vector<16xi32>
    %ne3A_40 = arith.cmpi ne, %rem3A_37, %ne3A_39 : vector<16xi32>
    %lt3A = arith.constant 0 : i32
    %lt3A_41 = vector.broadcast %lt3A : i32 to vector<16xi32>
    %lt3A_42 = arith.cmpi slt, %rem3A_37, %lt3A_41 : vector<16xi32>
    %lt3A_43 = arith.constant 0 : i32
    %lt3A_44 = arith.cmpi slt, %select_n3A_35, %lt3A_43 : i32
    %ne3A_45 = vector.broadcast %lt3A_44 : i1 to vector<16xi1>
    %ne3A_46 = vector.broadcast %ne3A_45 : vector<16xi1> to vector<16xi1>
    %ne3A_47 = arith.xori %lt3A_42, %ne3A_46 : vector<16xi1>
    %and3A_48 = arith.andi %ne3A_47, %ne3A_40 : vector<16xi1>
    %add3A_49 = vector.broadcast %select_n3A_35 : i32 to vector<16xi32>
    %add3A_50 = arith.addi %rem3A_37, %add3A_49 : vector<16xi32>
    %select_n3A_51 = arith.select %and3A_48, %add3A_50, %rem3A_37 : vector<16xi1>, vector<16xi32>
    %mul3A_52 = arith.constant 128 : i32
    %mul3A_53 = vector.broadcast %mul3A_52 : i32 to vector<16xi32>
    %mul3A_54 = arith.muli %select_n3A_51, %mul3A_53 : vector<16xi32>
    %add3A_55 = arith.addi %mul3A_31, %mul3A_54 : vector<16xi32>
    %jit3A_56 = arith.constant 8 : i32
    %div3A_57 = vector.broadcast %jit3A_56 : i32 to vector<16xi32>
    %div3A_58 = arith.divsi %iota3A, %div3A_57 : vector<16xi32>
    %sign3A_59 = arith.constant 0 : i32
    %sign3A_60 = vector.broadcast %sign3A_59 : i32 to vector<16xi32>
    %sign3A_61 = arith.cmpi sgt, %iota3A, %sign3A_60 : vector<16xi32>
    %sign3A_62 = arith.extui %sign3A_61 : vector<16xi1> to vector<16xi32>
    %sign3A_63 = arith.constant 0 : i32
    %sign3A_64 = vector.broadcast %sign3A_63 : i32 to vector<16xi32>
    %sign3A_65 = arith.cmpi slt, %iota3A, %sign3A_64 : vector<16xi32>
    %sign3A_66 = arith.extui %sign3A_65 : vector<16xi1> to vector<16xi32>
    %sign3A_67 = arith.subi %sign3A_62, %sign3A_66 : vector<16xi32>
    %sign3A_68 = arith.constant 0 : i32
    %sign3A_69 = arith.cmpi sgt, %jit3A_56, %sign3A_68 : i32
    %sign3A_70 = arith.extui %sign3A_69 : i1 to i32
    %sign3A_71 = arith.constant 0 : i32
    %sign3A_72 = arith.cmpi slt, %jit3A_56, %sign3A_71 : i32
    %sign3A_73 = arith.extui %sign3A_72 : i1 to i32
    %sign3A_74 = arith.subi %sign3A_70, %sign3A_73 : i32
    %ne3A_75 = vector.broadcast %sign3A_74 : i32 to vector<16xi32>
    %ne3A_76 = arith.cmpi ne, %sign3A_67, %ne3A_75 : vector<16xi32>
    %rem3A_77 = vector.broadcast %jit3A_56 : i32 to vector<16xi32>
    %rem3A_78 = arith.remsi %iota3A, %rem3A_77 : vector<16xi32>
    %ne3A_79 = arith.constant 0 : i32
    %ne3A_80 = vector.broadcast %ne3A_79 : i32 to vector<16xi32>
    %ne3A_81 = arith.cmpi ne, %rem3A_78, %ne3A_80 : vector<16xi32>
    %and3A_82 = arith.andi %ne3A_76, %ne3A_81 : vector<16xi1>
    %sub3A_83 = arith.constant 1 : i32
    %sub3A_84 = vector.broadcast %sub3A_83 : i32 to vector<16xi32>
    %sub3A_85 = arith.subi %div3A_58, %sub3A_84 : vector<16xi32>
    %select_n3A_86 = arith.select %and3A_82, %sub3A_85, %div3A_58 : vector<16xi1>, vector<16xi32>
    %add3A_87 = arith.constant 2 : i32
    %add3A_88 = vector.broadcast %add3A_87 : i32 to vector<16xi32>
    %add3A_89 = arith.addi %select_n3A_86, %add3A_88 : vector<16xi32>
    %mul3A_90 = arith.constant 4096 : i32
    %mul3A_91 = vector.broadcast %mul3A_90 : i32 to vector<16xi32>
    %mul3A_92 = arith.muli %add3A_89, %mul3A_91 : vector<16xi32>
    %jit3A_93 = arith.constant 8 : i32
    %eq3A_94 = arith.constant 0 : i32
    %eq3A_95 = arith.cmpi eq, %jit3A_93, %eq3A_94 : i32
    %jit3A_96 = arith.constant 1 : i32
    %select_n3A_97 = arith.select %eq3A_95, %jit3A_96, %jit3A_93 : i32
    %rem3A_98 = vector.broadcast %select_n3A_97 : i32 to vector<16xi32>
    %rem3A_99 = arith.remsi %iota3A, %rem3A_98 : vector<16xi32>
    %ne3A_100 = arith.constant 0 : i32
    %ne3A_101 = vector.broadcast %ne3A_100 : i32 to vector<16xi32>
    %ne3A_102 = arith.cmpi ne, %rem3A_99, %ne3A_101 : vector<16xi32>
    %lt3A_103 = arith.constant 0 : i32
    %lt3A_104 = vector.broadcast %lt3A_103 : i32 to vector<16xi32>
    %lt3A_105 = arith.cmpi slt, %rem3A_99, %lt3A_104 : vector<16xi32>
    %lt3A_106 = arith.constant 0 : i32
    %lt3A_107 = arith.cmpi slt, %select_n3A_97, %lt3A_106 : i32
    %ne3A_108 = vector.broadcast %lt3A_107 : i1 to vector<16xi1>
    %ne3A_109 = vector.broadcast %ne3A_108 : vector<16xi1> to vector<16xi1>
    %ne3A_110 = arith.xori %lt3A_105, %ne3A_109 : vector<16xi1>
    %and3A_111 = arith.andi %ne3A_110, %ne3A_102 : vector<16xi1>
    %add3A_112 = vector.broadcast %select_n3A_97 : i32 to vector<16xi32>
    %add3A_113 = arith.addi %rem3A_99, %add3A_112 : vector<16xi32>
    %select_n3A_114 = arith.select %and3A_111, %add3A_113, %rem3A_99 : vector<16xi1>, vector<16xi32>
    %mul3A_115 = arith.constant 128 : i32
    %mul3A_116 = vector.broadcast %mul3A_115 : i32 to vector<16xi32>
    %mul3A_117 = arith.muli %select_n3A_114, %mul3A_116 : vector<16xi32>
    %add3A_118 = arith.addi %mul3A_92, %mul3A_117 : vector<16xi32>
    %jit3A_119 = arith.constant 8 : i32
    %div3A_120 = vector.broadcast %jit3A_119 : i32 to vector<16xi32>
    %div3A_121 = arith.divsi %iota3A, %div3A_120 : vector<16xi32>
    %sign3A_122 = arith.constant 0 : i32
    %sign3A_123 = vector.broadcast %sign3A_122 : i32 to vector<16xi32>
    %sign3A_124 = arith.cmpi sgt, %iota3A, %sign3A_123 : vector<16xi32>
    %sign3A_125 = arith.extui %sign3A_124 : vector<16xi1> to vector<16xi32>
    %sign3A_126 = arith.constant 0 : i32
    %sign3A_127 = vector.broadcast %sign3A_126 : i32 to vector<16xi32>
    %sign3A_128 = arith.cmpi slt, %iota3A, %sign3A_127 : vector<16xi32>
    %sign3A_129 = arith.extui %sign3A_128 : vector<16xi1> to vector<16xi32>
    %sign3A_130 = arith.subi %sign3A_125, %sign3A_129 : vector<16xi32>
    %sign3A_131 = arith.constant 0 : i32
    %sign3A_132 = arith.cmpi sgt, %jit3A_119, %sign3A_131 : i32
    %sign3A_133 = arith.extui %sign3A_132 : i1 to i32
    %sign3A_134 = arith.constant 0 : i32
    %sign3A_135 = arith.cmpi slt, %jit3A_119, %sign3A_134 : i32
    %sign3A_136 = arith.extui %sign3A_135 : i1 to i32
    %sign3A_137 = arith.subi %sign3A_133, %sign3A_136 : i32
    %ne3A_138 = vector.broadcast %sign3A_137 : i32 to vector<16xi32>
    %ne3A_139 = arith.cmpi ne, %sign3A_130, %ne3A_138 : vector<16xi32>
    %rem3A_140 = vector.broadcast %jit3A_119 : i32 to vector<16xi32>
    %rem3A_141 = arith.remsi %iota3A, %rem3A_140 : vector<16xi32>
    %ne3A_142 = arith.constant 0 : i32
    %ne3A_143 = vector.broadcast %ne3A_142 : i32 to vector<16xi32>
    %ne3A_144 = arith.cmpi ne, %rem3A_141, %ne3A_143 : vector<16xi32>
    %and3A_145 = arith.andi %ne3A_139, %ne3A_144 : vector<16xi1>
    %sub3A_146 = arith.constant 1 : i32
    %sub3A_147 = vector.broadcast %sub3A_146 : i32 to vector<16xi32>
    %sub3A_148 = arith.subi %div3A_121, %sub3A_147 : vector<16xi32>
    %select_n3A_149 = arith.select %and3A_145, %sub3A_148, %div3A_121 : vector<16xi1>, vector<16xi32>
    %add3A_150 = arith.constant 4 : i32
    %add3A_151 = vector.broadcast %add3A_150 : i32 to vector<16xi32>
    %add3A_152 = arith.addi %select_n3A_149, %add3A_151 : vector<16xi32>
    %mul3A_153 = arith.constant 4096 : i32
    %mul3A_154 = vector.broadcast %mul3A_153 : i32 to vector<16xi32>
    %mul3A_155 = arith.muli %add3A_152, %mul3A_154 : vector<16xi32>
    %jit3A_156 = arith.constant 8 : i32
    %eq3A_157 = arith.constant 0 : i32
    %eq3A_158 = arith.cmpi eq, %jit3A_156, %eq3A_157 : i32
    %jit3A_159 = arith.constant 1 : i32
    %select_n3A_160 = arith.select %eq3A_158, %jit3A_159, %jit3A_156 : i32
    %rem3A_161 = vector.broadcast %select_n3A_160 : i32 to vector<16xi32>
    %rem3A_162 = arith.remsi %iota3A, %rem3A_161 : vector<16xi32>
    %ne3A_163 = arith.constant 0 : i32
    %ne3A_164 = vector.broadcast %ne3A_163 : i32 to vector<16xi32>
    %ne3A_165 = arith.cmpi ne, %rem3A_162, %ne3A_164 : vector<16xi32>
    %lt3A_166 = arith.constant 0 : i32
    %lt3A_167 = vector.broadcast %lt3A_166 : i32 to vector<16xi32>
    %lt3A_168 = arith.cmpi slt, %rem3A_162, %lt3A_167 : vector<16xi32>
    %lt3A_169 = arith.constant 0 : i32
    %lt3A_170 = arith.cmpi slt, %select_n3A_160, %lt3A_169 : i32
    %ne3A_171 = vector.broadcast %lt3A_170 : i1 to vector<16xi1>
    %ne3A_172 = vector.broadcast %ne3A_171 : vector<16xi1> to vector<16xi1>
    %ne3A_173 = arith.xori %lt3A_168, %ne3A_172 : vector<16xi1>
    %and3A_174 = arith.andi %ne3A_173, %ne3A_165 : vector<16xi1>
    %add3A_175 = vector.broadcast %select_n3A_160 : i32 to vector<16xi32>
    %add3A_176 = arith.addi %rem3A_162, %add3A_175 : vector<16xi32>
    %select_n3A_177 = arith.select %and3A_174, %add3A_176, %rem3A_162 : vector<16xi1>, vector<16xi32>
    %mul3A_178 = arith.constant 128 : i32
    %mul3A_179 = vector.broadcast %mul3A_178 : i32 to vector<16xi32>
    %mul3A_180 = arith.muli %select_n3A_177, %mul3A_179 : vector<16xi32>
    %add3A_181 = arith.addi %mul3A_155, %mul3A_180 : vector<16xi32>
    %jit3A_182 = arith.constant 8 : i32
    %div3A_183 = vector.broadcast %jit3A_182 : i32 to vector<16xi32>
    %div3A_184 = arith.divsi %iota3A, %div3A_183 : vector<16xi32>
    %sign3A_185 = arith.constant 0 : i32
    %sign3A_186 = vector.broadcast %sign3A_185 : i32 to vector<16xi32>
    %sign3A_187 = arith.cmpi sgt, %iota3A, %sign3A_186 : vector<16xi32>
    %sign3A_188 = arith.extui %sign3A_187 : vector<16xi1> to vector<16xi32>
    %sign3A_189 = arith.constant 0 : i32
    %sign3A_190 = vector.broadcast %sign3A_189 : i32 to vector<16xi32>
    %sign3A_191 = arith.cmpi slt, %iota3A, %sign3A_190 : vector<16xi32>
    %sign3A_192 = arith.extui %sign3A_191 : vector<16xi1> to vector<16xi32>
    %sign3A_193 = arith.subi %sign3A_188, %sign3A_192 : vector<16xi32>
    %sign3A_194 = arith.constant 0 : i32
    %sign3A_195 = arith.cmpi sgt, %jit3A_182, %sign3A_194 : i32
    %sign3A_196 = arith.extui %sign3A_195 : i1 to i32
    %sign3A_197 = arith.constant 0 : i32
    %sign3A_198 = arith.cmpi slt, %jit3A_182, %sign3A_197 : i32
    %sign3A_199 = arith.extui %sign3A_198 : i1 to i32
    %sign3A_200 = arith.subi %sign3A_196, %sign3A_199 : i32
    %ne3A_201 = vector.broadcast %sign3A_200 : i32 to vector<16xi32>
    %ne3A_202 = arith.cmpi ne, %sign3A_193, %ne3A_201 : vector<16xi32>
    %rem3A_203 = vector.broadcast %jit3A_182 : i32 to vector<16xi32>
    %rem3A_204 = arith.remsi %iota3A, %rem3A_203 : vector<16xi32>
    %ne3A_205 = arith.constant 0 : i32
    %ne3A_206 = vector.broadcast %ne3A_205 : i32 to vector<16xi32>
    %ne3A_207 = arith.cmpi ne, %rem3A_204, %ne3A_206 : vector<16xi32>
    %and3A_208 = arith.andi %ne3A_202, %ne3A_207 : vector<16xi1>
    %sub3A_209 = arith.constant 1 : i32
    %sub3A_210 = vector.broadcast %sub3A_209 : i32 to vector<16xi32>
    %sub3A_211 = arith.subi %div3A_184, %sub3A_210 : vector<16xi32>
    %select_n3A_212 = arith.select %and3A_208, %sub3A_211, %div3A_184 : vector<16xi1>, vector<16xi32>
    %add3A_213 = arith.constant 6 : i32
    %add3A_214 = vector.broadcast %add3A_213 : i32 to vector<16xi32>
    %add3A_215 = arith.addi %select_n3A_212, %add3A_214 : vector<16xi32>
    %mul3A_216 = arith.constant 4096 : i32
    %mul3A_217 = vector.broadcast %mul3A_216 : i32 to vector<16xi32>
    %mul3A_218 = arith.muli %add3A_215, %mul3A_217 : vector<16xi32>
    %jit3A_219 = arith.constant 8 : i32
    %eq3A_220 = arith.constant 0 : i32
    %eq3A_221 = arith.cmpi eq, %jit3A_219, %eq3A_220 : i32
    %jit3A_222 = arith.constant 1 : i32
    %select_n3A_223 = arith.select %eq3A_221, %jit3A_222, %jit3A_219 : i32
    %rem3A_224 = vector.broadcast %select_n3A_223 : i32 to vector<16xi32>
    %rem3A_225 = arith.remsi %iota3A, %rem3A_224 : vector<16xi32>
    %ne3A_226 = arith.constant 0 : i32
    %ne3A_227 = vector.broadcast %ne3A_226 : i32 to vector<16xi32>
    %ne3A_228 = arith.cmpi ne, %rem3A_225, %ne3A_227 : vector<16xi32>
    %lt3A_229 = arith.constant 0 : i32
    %lt3A_230 = vector.broadcast %lt3A_229 : i32 to vector<16xi32>
    %lt3A_231 = arith.cmpi slt, %rem3A_225, %lt3A_230 : vector<16xi32>
    %lt3A_232 = arith.constant 0 : i32
    %lt3A_233 = arith.cmpi slt, %select_n3A_223, %lt3A_232 : i32
    %ne3A_234 = vector.broadcast %lt3A_233 : i1 to vector<16xi1>
    %ne3A_235 = vector.broadcast %ne3A_234 : vector<16xi1> to vector<16xi1>
    %ne3A_236 = arith.xori %lt3A_231, %ne3A_235 : vector<16xi1>
    %and3A_237 = arith.andi %ne3A_236, %ne3A_228 : vector<16xi1>
    %add3A_238 = vector.broadcast %select_n3A_223 : i32 to vector<16xi32>
    %add3A_239 = arith.addi %rem3A_225, %add3A_238 : vector<16xi32>
    %select_n3A_240 = arith.select %and3A_237, %add3A_239, %rem3A_225 : vector<16xi1>, vector<16xi32>
    %mul3A_241 = arith.constant 128 : i32
    %mul3A_242 = vector.broadcast %mul3A_241 : i32 to vector<16xi32>
    %mul3A_243 = arith.muli %select_n3A_240, %mul3A_242 : vector<16xi32>
    %add3A_244 = arith.addi %mul3A_218, %mul3A_243 : vector<16xi32>
    %dma_start3A = arith.constant 0 : i32
    %dma_start3A_245 = arith.constant 0 : i32
    %dma_start3A_246 = arith.constant 0 : i32
    %dma_start3A_247 = arith.constant 0 : i32
    %dma_start3A_248 = arith.constant 0 : i32
    %dma_start3A_249 = tpu.memref_slice %arg6[%dma_start3A_245, %dma_start3A_247, %dma_start3A_248] : memref<2x128x128xf32, #tpu.memory_space<vmem>> -> memref<1x128x128xf32, #tpu.memory_space<vmem>>
    %dma_start3A_250 = tpu.memref_squeeze %dma_start3A_249 : memref<1x128x128xf32, #tpu.memory_space<vmem>> -> memref<128x128xf32, #tpu.memory_space<vmem>>
    %dma_start3A_251 = arith.constant 0 : i32
    %dma_start3A_252 = tpu.memref_slice %arg5[%dma_start3A, %dma_start3A_251] : memref<50x512xi32, #tpu.memory_space<vmem>> -> memref<1x128xi32, #tpu.memory_space<vmem>>
    %dma_start3A_253 = tpu.memref_squeeze %dma_start3A_252 : memref<1x128xi32, #tpu.memory_space<vmem>> -> memref<128xi32, #tpu.memory_space<vmem>>
    %dma_start3A_254 = arith.constant 0 : i32
    %dma_start3A_255 = arith.constant 0 : i32
    %dma_start3A_256 = tpu.memref_slice %arg3[%dma_start3A_254, %dma_start3A_255] : memref<1000000x128xf32, #tpu.memory_space<hbm>> -> memref<1000000x128xf32, #tpu.memory_space<hbm>>
    %dma_start3A_257 = tpu.memref_slice %arg8[%dma_start3A_246] : memref<2x!tpu.dma_semaphore, #tpu.memory_space<semaphore_mem>> -> memref<1x!tpu.dma_semaphore, #tpu.memory_space<semaphore_mem>>
    %dma_start3A_258 = tpu.memref_squeeze %dma_start3A_257 : memref<1x!tpu.dma_semaphore, #tpu.memory_space<semaphore_mem>> -> memref<!tpu.dma_semaphore, #tpu.memory_space<semaphore_mem>>
    tpu.enqueue_indirect_dma source(%dma_start3A_256 : memref<1000000x128xf32, #tpu.memory_space<hbm>>) target(%dma_start3A_250 : memref<128x128xf32, #tpu.memory_space<vmem>>) offsets(%dma_start3A_253 : memref<128xi32, #tpu.memory_space<vmem>>) semaphore(%dma_start3A_258 : memref<!tpu.dma_semaphore, #tpu.memory_space<semaphore_mem>>)
    %dma_start3A_259 = arith.constant 0 : i32
    %dma_start3A_260 = arith.constant 1 : i32
    %dma_start3A_261 = arith.constant 1 : i32
    %dma_start3A_262 = arith.constant 0 : i32
    %dma_start3A_263 = arith.constant 0 : i32
    %dma_start3A_264 = tpu.memref_slice %arg6[%dma_start3A_260, %dma_start3A_262, %dma_start3A_263] : memref<2x128x128xf32, #tpu.memory_space<vmem>> -> memref<1x128x128xf32, #tpu.memory_space<vmem>>
    %dma_start3A_265 = tpu.memref_squeeze %dma_start3A_264 : memref<1x128x128xf32, #tpu.memory_space<vmem>> -> memref<128x128xf32, #tpu.memory_space<vmem>>
    %dma_start3A_266 = arith.constant 128 : i32
    %dma_start3A_267 = tpu.memref_slice %arg5[%dma_start3A_259, %dma_start3A_266] : memref<50x512xi32, #tpu.memory_space<vmem>> -> memref<1x128xi32, #tpu.memory_space<vmem>>
    %dma_start3A_268 = tpu.memref_squeeze %dma_start3A_267 : memref<1x128xi32, #tpu.memory_space<vmem>> -> memref<128xi32, #tpu.memory_space<vmem>>
    %dma_start3A_269 = arith.constant 0 : i32
    %dma_start3A_270 = arith.constant 0 : i32
    %dma_start3A_271 = tpu.memref_slice %arg3[%dma_start3A_269, %dma_start3A_270] : memref<1000000x128xf32, #tpu.memory_space<hbm>> -> memref<1000000x128xf32, #tpu.memory_space<hbm>>
    %dma_start3A_272 = tpu.memref_slice %arg8[%dma_start3A_261] : memref<2x!tpu.dma_semaphore, #tpu.memory_space<semaphore_mem>> -> memref<1x!tpu.dma_semaphore, #tpu.memory_space<semaphore_mem>>
    %dma_start3A_273 = tpu.memref_squeeze %dma_start3A_272 : memref<1x!tpu.dma_semaphore, #tpu.memory_space<semaphore_mem>> -> memref<!tpu.dma_semaphore, #tpu.memory_space<semaphore_mem>>
    tpu.enqueue_indirect_dma source(%dma_start3A_271 : memref<1000000x128xf32, #tpu.memory_space<hbm>>) target(%dma_start3A_265 : memref<128x128xf32, #tpu.memory_space<vmem>>) offsets(%dma_start3A_268 : memref<128xi32, #tpu.memory_space<vmem>>) semaphore(%dma_start3A_273 : memref<!tpu.dma_semaphore, #tpu.memory_space<semaphore_mem>>)
    %scan3A = arith.constant 0 : i32
    %scan3A_274 = arith.constant 0 : i32
    %scan3A_275 = arith.constant 50 : i32
    %scan3A_276 = arith.addi %scan3A_274, %scan3A_275 : i32
    %scan3A_277 = arith.constant 1 : i32
    scf.for %scan3A_462 = %scan3A_274 to %scan3A_276 step %scan3A_277  : i32 {
      %jit3A_463 = arith.constant 2 : i32
      %eq3A_464 = arith.constant 0 : i32
      %eq3A_465 = arith.cmpi eq, %jit3A_463, %eq3A_464 : i32
      %jit3A_466 = arith.constant 1 : i32
      %select_n3A_467 = arith.select %eq3A_465, %jit3A_466, %jit3A_463 : i32
      %rem3A_468 = arith.remsi %scan3A_462, %select_n3A_467 : i32
      %ne3A_469 = arith.constant 0 : i32
      %ne3A_470 = arith.cmpi ne, %rem3A_468, %ne3A_469 : i32
      %lt3A_471 = arith.constant 0 : i32
      %lt3A_472 = arith.cmpi slt, %rem3A_468, %lt3A_471 : i32
      %lt3A_473 = arith.constant 0 : i32
      %lt3A_474 = arith.cmpi slt, %select_n3A_467, %lt3A_473 : i32
      %ne3A_475 = arith.xori %lt3A_472, %lt3A_474 : i1
      %and3A_476 = arith.andi %ne3A_475, %ne3A_470 : i1
      %add3A_477 = arith.addi %rem3A_468, %select_n3A_467 : i32
      %select_n3A_478 = arith.select %and3A_476, %add3A_477, %rem3A_468 : i32
      %eq3A_479 = arith.constant 0 : i32
      %eq3A_480 = arith.cmpi eq, %select_n3A_478, %eq3A_479 : i32
      %ge3A = arith.constant 2 : i32
      %ge3A_481 = arith.cmpi sge, %scan3A_462, %ge3A : i32
      %and3A_482 = arith.andi %ge3A_481, %eq3A_480 : i1
      %convert_element_type3A = arith.extui %and3A_482 : i1 to i32
      %cond3A = arith.constant 0 : i32
      %cond3A_483 = arith.cmpi ne, %convert_element_type3A, %cond3A : i32
      scf.if %cond3A_483 {
        %mul3A_608 = arith.constant 1048576 : i32
        %mul3A_609 = arith.muli %scan3A_462, %mul3A_608 : i32
        %mul3A_610 = arith.constant 4096 : i32
        %mul3A_611 = arith.muli %add3A, %mul3A_610 : i32
        %add3A_612 = arith.addi %mul3A_609, %mul3A_611 : i32
        %add3A_613 = arith.constant 0 : i32
        %add3A_614 = arith.addi %add3A_612, %add3A_613 : i32
        %dma_wait3A_615 = arith.constant 0 : i32
        %dma_wait3A_616 = arith.constant 0 : i32
        %dma_wait3A_617 = tpu.memref_slice %arg7[%dma_wait3A_615, %dma_wait3A_616] : memref<2x32768xf32, #tpu.memory_space<vmem>> -> memref<1x4096xf32, #tpu.memory_space<vmem>>
        %dma_wait3A_618 = tpu.memref_squeeze %dma_wait3A_617 : memref<1x4096xf32, #tpu.memory_space<vmem>> -> memref<4096xf32, #tpu.memory_space<vmem>>
        %dma_wait3A_619 = tpu.memref_slice %arg4[%add3A_614] : memref<52428800xf32, #tpu.memory_space<hbm>> -> memref<4096xf32, #tpu.memory_space<hbm>>
        %dma_wait3A_620 = tpu.memref_slice %arg4[%add3A_614] : memref<52428800xf32, #tpu.memory_space<hbm>> -> memref<4096xf32, #tpu.memory_space<hbm>>
        %dma_wait3A_621 = arith.constant 0 : i32
        %dma_wait3A_622 = tpu.memref_slice %arg7[%dma_wait3A_615, %dma_wait3A_621] : memref<2x32768xf32, #tpu.memory_space<vmem>> -> memref<1x4096xf32, #tpu.memory_space<vmem>>
        %dma_wait3A_623 = tpu.memref_squeeze %dma_wait3A_622 : memref<1x4096xf32, #tpu.memory_space<vmem>> -> memref<4096xf32, #tpu.memory_space<vmem>>
        tpu.wait_dma2 semaphore(%arg9 : memref<!tpu.dma_semaphore, #tpu.memory_space<semaphore_mem>>) src(%dma_wait3A_623 : memref<4096xf32, #tpu.memory_space<vmem>>) dst(%dma_wait3A_620 : memref<4096xf32, #tpu.memory_space<hbm>>)
        %add3A_624 = arith.constant 131072 : i32
        %add3A_625 = arith.addi %add3A_612, %add3A_624 : i32
        %dma_wait3A_626 = arith.constant 0 : i32
        %dma_wait3A_627 = arith.constant 4096 : i32
        %dma_wait3A_628 = tpu.memref_slice %arg7[%dma_wait3A_626, %dma_wait3A_627] : memref<2x32768xf32, #tpu.memory_space<vmem>> -> memref<1x4096xf32, #tpu.memory_space<vmem>>
        %dma_wait3A_629 = tpu.memref_squeeze %dma_wait3A_628 : memref<1x4096xf32, #tpu.memory_space<vmem>> -> memref<4096xf32, #tpu.memory_space<vmem>>
        %dma_wait3A_630 = tpu.memref_slice %arg4[%add3A_625] : memref<52428800xf32, #tpu.memory_space<hbm>> -> memref<4096xf32, #tpu.memory_space<hbm>>
        %dma_wait3A_631 = tpu.memref_slice %arg4[%add3A_625] : memref<52428800xf32, #tpu.memory_space<hbm>> -> memref<4096xf32, #tpu.memory_space<hbm>>
        %dma_wait3A_632 = arith.constant 4096 : i32
        %dma_wait3A_633 = tpu.memref_slice %arg7[%dma_wait3A_626, %dma_wait3A_632] : memref<2x32768xf32, #tpu.memory_space<vmem>> -> memref<1x4096xf32, #tpu.memory_space<vmem>>
        %dma_wait3A_634 = tpu.memref_squeeze %dma_wait3A_633 : memref<1x4096xf32, #tpu.memory_space<vmem>> -> memref<4096xf32, #tpu.memory_space<vmem>>
        tpu.wait_dma2 semaphore(%arg9 : memref<!tpu.dma_semaphore, #tpu.memory_space<semaphore_mem>>) src(%dma_wait3A_634 : memref<4096xf32, #tpu.memory_space<vmem>>) dst(%dma_wait3A_631 : memref<4096xf32, #tpu.memory_space<hbm>>)
        %add3A_635 = arith.constant 262144 : i32
        %add3A_636 = arith.addi %add3A_612, %add3A_635 : i32
        %dma_wait3A_637 = arith.constant 0 : i32
        %dma_wait3A_638 = arith.constant 8192 : i32
        %dma_wait3A_639 = tpu.memref_slice %arg7[%dma_wait3A_637, %dma_wait3A_638] : memref<2x32768xf32, #tpu.memory_space<vmem>> -> memref<1x4096xf32, #tpu.memory_space<vmem>>
        %dma_wait3A_640 = tpu.memref_squeeze %dma_wait3A_639 : memref<1x4096xf32, #tpu.memory_space<vmem>> -> memref<4096xf32, #tpu.memory_space<vmem>>
        %dma_wait3A_641 = tpu.memref_slice %arg4[%add3A_636] : memref<52428800xf32, #tpu.memory_space<hbm>> -> memref<4096xf32, #tpu.memory_space<hbm>>
        %dma_wait3A_642 = tpu.memref_slice %arg4[%add3A_636] : memref<52428800xf32, #tpu.memory_space<hbm>> -> memref<4096xf32, #tpu.memory_space<hbm>>
        %dma_wait3A_643 = arith.constant 8192 : i32
        %dma_wait3A_644 = tpu.memref_slice %arg7[%dma_wait3A_637, %dma_wait3A_643] : memref<2x32768xf32, #tpu.memory_space<vmem>> -> memref<1x4096xf32, #tpu.memory_space<vmem>>
        %dma_wait3A_645 = tpu.memref_squeeze %dma_wait3A_644 : memref<1x4096xf32, #tpu.memory_space<vmem>> -> memref<4096xf32, #tpu.memory_space<vmem>>
        tpu.wait_dma2 semaphore(%arg9 : memref<!tpu.dma_semaphore, #tpu.memory_space<semaphore_mem>>) src(%dma_wait3A_645 : memref<4096xf32, #tpu.memory_space<vmem>>) dst(%dma_wait3A_642 : memref<4096xf32, #tpu.memory_space<hbm>>)
        %add3A_646 = arith.constant 393216 : i32
        %add3A_647 = arith.addi %add3A_612, %add3A_646 : i32
        %dma_wait3A_648 = arith.constant 0 : i32
        %dma_wait3A_649 = arith.constant 12288 : i32
        %dma_wait3A_650 = tpu.memref_slice %arg7[%dma_wait3A_648, %dma_wait3A_649] : memref<2x32768xf32, #tpu.memory_space<vmem>> -> memref<1x4096xf32, #tpu.memory_space<vmem>>
        %dma_wait3A_651 = tpu.memref_squeeze %dma_wait3A_650 : memref<1x4096xf32, #tpu.memory_space<vmem>> -> memref<4096xf32, #tpu.memory_space<vmem>>
        %dma_wait3A_652 = tpu.memref_slice %arg4[%add3A_647] : memref<52428800xf32, #tpu.memory_space<hbm>> -> memref<4096xf32, #tpu.memory_space<hbm>>
        %dma_wait3A_653 = tpu.memref_slice %arg4[%add3A_647] : memref<52428800xf32, #tpu.memory_space<hbm>> -> memref<4096xf32, #tpu.memory_space<hbm>>
        %dma_wait3A_654 = arith.constant 12288 : i32
        %dma_wait3A_655 = tpu.memref_slice %arg7[%dma_wait3A_648, %dma_wait3A_654] : memref<2x32768xf32, #tpu.memory_space<vmem>> -> memref<1x4096xf32, #tpu.memory_space<vmem>>
        %dma_wait3A_656 = tpu.memref_squeeze %dma_wait3A_655 : memref<1x4096xf32, #tpu.memory_space<vmem>> -> memref<4096xf32, #tpu.memory_space<vmem>>
        tpu.wait_dma2 semaphore(%arg9 : memref<!tpu.dma_semaphore, #tpu.memory_space<semaphore_mem>>) src(%dma_wait3A_656 : memref<4096xf32, #tpu.memory_space<vmem>>) dst(%dma_wait3A_653 : memref<4096xf32, #tpu.memory_space<hbm>>)
        %add3A_657 = arith.constant 524288 : i32
        %add3A_658 = arith.addi %add3A_612, %add3A_657 : i32
        %dma_wait3A_659 = arith.constant 0 : i32
        %dma_wait3A_660 = arith.constant 16384 : i32
        %dma_wait3A_661 = tpu.memref_slice %arg7[%dma_wait3A_659, %dma_wait3A_660] : memref<2x32768xf32, #tpu.memory_space<vmem>> -> memref<1x4096xf32, #tpu.memory_space<vmem>>
        %dma_wait3A_662 = tpu.memref_squeeze %dma_wait3A_661 : memref<1x4096xf32, #tpu.memory_space<vmem>> -> memref<4096xf32, #tpu.memory_space<vmem>>
        %dma_wait3A_663 = tpu.memref_slice %arg4[%add3A_658] : memref<52428800xf32, #tpu.memory_space<hbm>> -> memref<4096xf32, #tpu.memory_space<hbm>>
        %dma_wait3A_664 = tpu.memref_slice %arg4[%add3A_658] : memref<52428800xf32, #tpu.memory_space<hbm>> -> memref<4096xf32, #tpu.memory_space<hbm>>
        %dma_wait3A_665 = arith.constant 16384 : i32
        %dma_wait3A_666 = tpu.memref_slice %arg7[%dma_wait3A_659, %dma_wait3A_665] : memref<2x32768xf32, #tpu.memory_space<vmem>> -> memref<1x4096xf32, #tpu.memory_space<vmem>>
        %dma_wait3A_667 = tpu.memref_squeeze %dma_wait3A_666 : memref<1x4096xf32, #tpu.memory_space<vmem>> -> memref<4096xf32, #tpu.memory_space<vmem>>
        tpu.wait_dma2 semaphore(%arg9 : memref<!tpu.dma_semaphore, #tpu.memory_space<semaphore_mem>>) src(%dma_wait3A_667 : memref<4096xf32, #tpu.memory_space<vmem>>) dst(%dma_wait3A_664 : memref<4096xf32, #tpu.memory_space<hbm>>)
        %add3A_668 = arith.constant 655360 : i32
        %add3A_669 = arith.addi %add3A_612, %add3A_668 : i32
        %dma_wait3A_670 = arith.constant 0 : i32
        %dma_wait3A_671 = arith.constant 20480 : i32
        %dma_wait3A_672 = tpu.memref_slice %arg7[%dma_wait3A_670, %dma_wait3A_671] : memref<2x32768xf32, #tpu.memory_space<vmem>> -> memref<1x4096xf32, #tpu.memory_space<vmem>>
        %dma_wait3A_673 = tpu.memref_squeeze %dma_wait3A_672 : memref<1x4096xf32, #tpu.memory_space<vmem>> -> memref<4096xf32, #tpu.memory_space<vmem>>
        %dma_wait3A_674 = tpu.memref_slice %arg4[%add3A_669] : memref<52428800xf32, #tpu.memory_space<hbm>> -> memref<4096xf32, #tpu.memory_space<hbm>>
        %dma_wait3A_675 = tpu.memref_slice %arg4[%add3A_669] : memref<52428800xf32, #tpu.memory_space<hbm>> -> memref<4096xf32, #tpu.memory_space<hbm>>
        %dma_wait3A_676 = arith.constant 20480 : i32
        %dma_wait3A_677 = tpu.memref_slice %arg7[%dma_wait3A_670, %dma_wait3A_676] : memref<2x32768xf32, #tpu.memory_space<vmem>> -> memref<1x4096xf32, #tpu.memory_space<vmem>>
        %dma_wait3A_678 = tpu.memref_squeeze %dma_wait3A_677 : memref<1x4096xf32, #tpu.memory_space<vmem>> -> memref<4096xf32, #tpu.memory_space<vmem>>
        tpu.wait_dma2 semaphore(%arg9 : memref<!tpu.dma_semaphore, #tpu.memory_space<semaphore_mem>>) src(%dma_wait3A_678 : memref<4096xf32, #tpu.memory_space<vmem>>) dst(%dma_wait3A_675 : memref<4096xf32, #tpu.memory_space<hbm>>)
        %add3A_679 = arith.constant 786432 : i32
        %add3A_680 = arith.addi %add3A_612, %add3A_679 : i32
        %dma_wait3A_681 = arith.constant 0 : i32
        %dma_wait3A_682 = arith.constant 24576 : i32
        %dma_wait3A_683 = tpu.memref_slice %arg7[%dma_wait3A_681, %dma_wait3A_682] : memref<2x32768xf32, #tpu.memory_space<vmem>> -> memref<1x4096xf32, #tpu.memory_space<vmem>>
        %dma_wait3A_684 = tpu.memref_squeeze %dma_wait3A_683 : memref<1x4096xf32, #tpu.memory_space<vmem>> -> memref<4096xf32, #tpu.memory_space<vmem>>
        %dma_wait3A_685 = tpu.memref_slice %arg4[%add3A_680] : memref<52428800xf32, #tpu.memory_space<hbm>> -> memref<4096xf32, #tpu.memory_space<hbm>>
        %dma_wait3A_686 = tpu.memref_slice %arg4[%add3A_680] : memref<52428800xf32, #tpu.memory_space<hbm>> -> memref<4096xf32, #tpu.memory_space<hbm>>
        %dma_wait3A_687 = arith.constant 24576 : i32
        %dma_wait3A_688 = tpu.memref_slice %arg7[%dma_wait3A_681, %dma_wait3A_687] : memref<2x32768xf32, #tpu.memory_space<vmem>> -> memref<1x4096xf32, #tpu.memory_space<vmem>>
        %dma_wait3A_689 = tpu.memref_squeeze %dma_wait3A_688 : memref<1x4096xf32, #tpu.memory_space<vmem>> -> memref<4096xf32, #tpu.memory_space<vmem>>
        tpu.wait_dma2 semaphore(%arg9 : memref<!tpu.dma_semaphore, #tpu.memory_space<semaphore_mem>>) src(%dma_wait3A_689 : memref<4096xf32, #tpu.memory_space<vmem>>) dst(%dma_wait3A_686 : memref<4096xf32, #tpu.memory_space<hbm>>)
        %add3A_690 = arith.constant 917504 : i32
        %add3A_691 = arith.addi %add3A_612, %add3A_690 : i32
        %dma_wait3A_692 = arith.constant 0 : i32
        %dma_wait3A_693 = arith.constant 28672 : i32
        %dma_wait3A_694 = tpu.memref_slice %arg7[%dma_wait3A_692, %dma_wait3A_693] : memref<2x32768xf32, #tpu.memory_space<vmem>> -> memref<1x4096xf32, #tpu.memory_space<vmem>>
        %dma_wait3A_695 = tpu.memref_squeeze %dma_wait3A_694 : memref<1x4096xf32, #tpu.memory_space<vmem>> -> memref<4096xf32, #tpu.memory_space<vmem>>
        %dma_wait3A_696 = tpu.memref_slice %arg4[%add3A_691] : memref<52428800xf32, #tpu.memory_space<hbm>> -> memref<4096xf32, #tpu.memory_space<hbm>>
        %dma_wait3A_697 = tpu.memref_slice %arg4[%add3A_691] : memref<52428800xf32, #tpu.memory_space<hbm>> -> memref<4096xf32, #tpu.memory_space<hbm>>
        %dma_wait3A_698 = arith.constant 28672 : i32
        %dma_wait3A_699 = tpu.memref_slice %arg7[%dma_wait3A_692, %dma_wait3A_698] : memref<2x32768xf32, #tpu.memory_space<vmem>> -> memref<1x4096xf32, #tpu.memory_space<vmem>>
        %dma_wait3A_700 = tpu.memref_squeeze %dma_wait3A_699 : memref<1x4096xf32, #tpu.memory_space<vmem>> -> memref<4096xf32, #tpu.memory_space<vmem>>
        tpu.wait_dma2 semaphore(%arg9 : memref<!tpu.dma_semaphore, #tpu.memory_space<semaphore_mem>>) src(%dma_wait3A_700 : memref<4096xf32, #tpu.memory_space<vmem>>) dst(%dma_wait3A_697 : memref<4096xf32, #tpu.memory_space<hbm>>)
      } else {
      }
      %ge3A_484 = arith.constant 2 : i32
      %ge3A_485 = arith.cmpi sge, %scan3A_462, %ge3A_484 : i32
      %not3A = arith.constant true
      %not3A_486 = arith.xori %eq3A_480, %not3A : i1
      %and3A_487 = arith.andi %ge3A_485, %not3A_486 : i1
      %convert_element_type3A_488 = arith.extui %and3A_487 : i1 to i32
      %cond3A_489 = arith.constant 0 : i32
      %cond3A_490 = arith.cmpi ne, %convert_element_type3A_488, %cond3A_489 : i32
      scf.if %cond3A_490 {
        %mul3A_608 = arith.constant 1048576 : i32
        %mul3A_609 = arith.muli %scan3A_462, %mul3A_608 : i32
        %mul3A_610 = arith.constant 4096 : i32
        %mul3A_611 = arith.muli %add3A, %mul3A_610 : i32
        %add3A_612 = arith.addi %mul3A_609, %mul3A_611 : i32
        %add3A_613 = arith.constant 0 : i32
        %add3A_614 = arith.addi %add3A_612, %add3A_613 : i32
        %dma_wait3A_615 = arith.constant 1 : i32
        %dma_wait3A_616 = arith.constant 0 : i32
        %dma_wait3A_617 = tpu.memref_slice %arg7[%dma_wait3A_615, %dma_wait3A_616] : memref<2x32768xf32, #tpu.memory_space<vmem>> -> memref<1x4096xf32, #tpu.memory_space<vmem>>
        %dma_wait3A_618 = tpu.memref_squeeze %dma_wait3A_617 : memref<1x4096xf32, #tpu.memory_space<vmem>> -> memref<4096xf32, #tpu.memory_space<vmem>>
        %dma_wait3A_619 = tpu.memref_slice %arg4[%add3A_614] : memref<52428800xf32, #tpu.memory_space<hbm>> -> memref<4096xf32, #tpu.memory_space<hbm>>
        %dma_wait3A_620 = tpu.memref_slice %arg4[%add3A_614] : memref<52428800xf32, #tpu.memory_space<hbm>> -> memref<4096xf32, #tpu.memory_space<hbm>>
        %dma_wait3A_621 = arith.constant 0 : i32
        %dma_wait3A_622 = tpu.memref_slice %arg7[%dma_wait3A_615, %dma_wait3A_621] : memref<2x32768xf32, #tpu.memory_space<vmem>> -> memref<1x4096xf32, #tpu.memory_space<vmem>>
        %dma_wait3A_623 = tpu.memref_squeeze %dma_wait3A_622 : memref<1x4096xf32, #tpu.memory_space<vmem>> -> memref<4096xf32, #tpu.memory_space<vmem>>
        tpu.wait_dma2 semaphore(%arg10 : memref<!tpu.dma_semaphore, #tpu.memory_space<semaphore_mem>>) src(%dma_wait3A_623 : memref<4096xf32, #tpu.memory_space<vmem>>) dst(%dma_wait3A_620 : memref<4096xf32, #tpu.memory_space<hbm>>)
        %add3A_624 = arith.constant 131072 : i32
        %add3A_625 = arith.addi %add3A_612, %add3A_624 : i32
        %dma_wait3A_626 = arith.constant 1 : i32
        %dma_wait3A_627 = arith.constant 4096 : i32
        %dma_wait3A_628 = tpu.memref_slice %arg7[%dma_wait3A_626, %dma_wait3A_627] : memref<2x32768xf32, #tpu.memory_space<vmem>> -> memref<1x4096xf32, #tpu.memory_space<vmem>>
        %dma_wait3A_629 = tpu.memref_squeeze %dma_wait3A_628 : memref<1x4096xf32, #tpu.memory_space<vmem>> -> memref<4096xf32, #tpu.memory_space<vmem>>
        %dma_wait3A_630 = tpu.memref_slice %arg4[%add3A_625] : memref<52428800xf32, #tpu.memory_space<hbm>> -> memref<4096xf32, #tpu.memory_space<hbm>>
        %dma_wait3A_631 = tpu.memref_slice %arg4[%add3A_625] : memref<52428800xf32, #tpu.memory_space<hbm>> -> memref<4096xf32, #tpu.memory_space<hbm>>
        %dma_wait3A_632 = arith.constant 4096 : i32
        %dma_wait3A_633 = tpu.memref_slice %arg7[%dma_wait3A_626, %dma_wait3A_632] : memref<2x32768xf32, #tpu.memory_space<vmem>> -> memref<1x4096xf32, #tpu.memory_space<vmem>>
        %dma_wait3A_634 = tpu.memref_squeeze %dma_wait3A_633 : memref<1x4096xf32, #tpu.memory_space<vmem>> -> memref<4096xf32, #tpu.memory_space<vmem>>
        tpu.wait_dma2 semaphore(%arg10 : memref<!tpu.dma_semaphore, #tpu.memory_space<semaphore_mem>>) src(%dma_wait3A_634 : memref<4096xf32, #tpu.memory_space<vmem>>) dst(%dma_wait3A_631 : memref<4096xf32, #tpu.memory_space<hbm>>)
        %add3A_635 = arith.constant 262144 : i32
        %add3A_636 = arith.addi %add3A_612, %add3A_635 : i32
        %dma_wait3A_637 = arith.constant 1 : i32
        %dma_wait3A_638 = arith.constant 8192 : i32
        %dma_wait3A_639 = tpu.memref_slice %arg7[%dma_wait3A_637, %dma_wait3A_638] : memref<2x32768xf32, #tpu.memory_space<vmem>> -> memref<1x4096xf32, #tpu.memory_space<vmem>>
        %dma_wait3A_640 = tpu.memref_squeeze %dma_wait3A_639 : memref<1x4096xf32, #tpu.memory_space<vmem>> -> memref<4096xf32, #tpu.memory_space<vmem>>
        %dma_wait3A_641 = tpu.memref_slice %arg4[%add3A_636] : memref<52428800xf32, #tpu.memory_space<hbm>> -> memref<4096xf32, #tpu.memory_space<hbm>>
        %dma_wait3A_642 = tpu.memref_slice %arg4[%add3A_636] : memref<52428800xf32, #tpu.memory_space<hbm>> -> memref<4096xf32, #tpu.memory_space<hbm>>
        %dma_wait3A_643 = arith.constant 8192 : i32
        %dma_wait3A_644 = tpu.memref_slice %arg7[%dma_wait3A_637, %dma_wait3A_643] : memref<2x32768xf32, #tpu.memory_space<vmem>> -> memref<1x4096xf32, #tpu.memory_space<vmem>>
        %dma_wait3A_645 = tpu.memref_squeeze %dma_wait3A_644 : memref<1x4096xf32, #tpu.memory_space<vmem>> -> memref<4096xf32, #tpu.memory_space<vmem>>
        tpu.wait_dma2 semaphore(%arg10 : memref<!tpu.dma_semaphore, #tpu.memory_space<semaphore_mem>>) src(%dma_wait3A_645 : memref<4096xf32, #tpu.memory_space<vmem>>) dst(%dma_wait3A_642 : memref<4096xf32, #tpu.memory_space<hbm>>)
        %add3A_646 = arith.constant 393216 : i32
        %add3A_647 = arith.addi %add3A_612, %add3A_646 : i32
        %dma_wait3A_648 = arith.constant 1 : i32
        %dma_wait3A_649 = arith.constant 12288 : i32
        %dma_wait3A_650 = tpu.memref_slice %arg7[%dma_wait3A_648, %dma_wait3A_649] : memref<2x32768xf32, #tpu.memory_space<vmem>> -> memref<1x4096xf32, #tpu.memory_space<vmem>>
        %dma_wait3A_651 = tpu.memref_squeeze %dma_wait3A_650 : memref<1x4096xf32, #tpu.memory_space<vmem>> -> memref<4096xf32, #tpu.memory_space<vmem>>
        %dma_wait3A_652 = tpu.memref_slice %arg4[%add3A_647] : memref<52428800xf32, #tpu.memory_space<hbm>> -> memref<4096xf32, #tpu.memory_space<hbm>>
        %dma_wait3A_653 = tpu.memref_slice %arg4[%add3A_647] : memref<52428800xf32, #tpu.memory_space<hbm>> -> memref<4096xf32, #tpu.memory_space<hbm>>
        %dma_wait3A_654 = arith.constant 12288 : i32
        %dma_wait3A_655 = tpu.memref_slice %arg7[%dma_wait3A_648, %dma_wait3A_654] : memref<2x32768xf32, #tpu.memory_space<vmem>> -> memref<1x4096xf32, #tpu.memory_space<vmem>>
        %dma_wait3A_656 = tpu.memref_squeeze %dma_wait3A_655 : memref<1x4096xf32, #tpu.memory_space<vmem>> -> memref<4096xf32, #tpu.memory_space<vmem>>
        tpu.wait_dma2 semaphore(%arg10 : memref<!tpu.dma_semaphore, #tpu.memory_space<semaphore_mem>>) src(%dma_wait3A_656 : memref<4096xf32, #tpu.memory_space<vmem>>) dst(%dma_wait3A_653 : memref<4096xf32, #tpu.memory_space<hbm>>)
        %add3A_657 = arith.constant 524288 : i32
        %add3A_658 = arith.addi %add3A_612, %add3A_657 : i32
        %dma_wait3A_659 = arith.constant 1 : i32
        %dma_wait3A_660 = arith.constant 16384 : i32
        %dma_wait3A_661 = tpu.memref_slice %arg7[%dma_wait3A_659, %dma_wait3A_660] : memref<2x32768xf32, #tpu.memory_space<vmem>> -> memref<1x4096xf32, #tpu.memory_space<vmem>>
        %dma_wait3A_662 = tpu.memref_squeeze %dma_wait3A_661 : memref<1x4096xf32, #tpu.memory_space<vmem>> -> memref<4096xf32, #tpu.memory_space<vmem>>
        %dma_wait3A_663 = tpu.memref_slice %arg4[%add3A_658] : memref<52428800xf32, #tpu.memory_space<hbm>> -> memref<4096xf32, #tpu.memory_space<hbm>>
        %dma_wait3A_664 = tpu.memref_slice %arg4[%add3A_658] : memref<52428800xf32, #tpu.memory_space<hbm>> -> memref<4096xf32, #tpu.memory_space<hbm>>
        %dma_wait3A_665 = arith.constant 16384 : i32
        %dma_wait3A_666 = tpu.memref_slice %arg7[%dma_wait3A_659, %dma_wait3A_665] : memref<2x32768xf32, #tpu.memory_space<vmem>> -> memref<1x4096xf32, #tpu.memory_space<vmem>>
        %dma_wait3A_667 = tpu.memref_squeeze %dma_wait3A_666 : memref<1x4096xf32, #tpu.memory_space<vmem>> -> memref<4096xf32, #tpu.memory_space<vmem>>
        tpu.wait_dma2 semaphore(%arg10 : memref<!tpu.dma_semaphore, #tpu.memory_space<semaphore_mem>>) src(%dma_wait3A_667 : memref<4096xf32, #tpu.memory_space<vmem>>) dst(%dma_wait3A_664 : memref<4096xf32, #tpu.memory_space<hbm>>)
        %add3A_668 = arith.constant 655360 : i32
        %add3A_669 = arith.addi %add3A_612, %add3A_668 : i32
        %dma_wait3A_670 = arith.constant 1 : i32
        %dma_wait3A_671 = arith.constant 20480 : i32
        %dma_wait3A_672 = tpu.memref_slice %arg7[%dma_wait3A_670, %dma_wait3A_671] : memref<2x32768xf32, #tpu.memory_space<vmem>> -> memref<1x4096xf32, #tpu.memory_space<vmem>>
        %dma_wait3A_673 = tpu.memref_squeeze %dma_wait3A_672 : memref<1x4096xf32, #tpu.memory_space<vmem>> -> memref<4096xf32, #tpu.memory_space<vmem>>
        %dma_wait3A_674 = tpu.memref_slice %arg4[%add3A_669] : memref<52428800xf32, #tpu.memory_space<hbm>> -> memref<4096xf32, #tpu.memory_space<hbm>>
        %dma_wait3A_675 = tpu.memref_slice %arg4[%add3A_669] : memref<52428800xf32, #tpu.memory_space<hbm>> -> memref<4096xf32, #tpu.memory_space<hbm>>
        %dma_wait3A_676 = arith.constant 20480 : i32
        %dma_wait3A_677 = tpu.memref_slice %arg7[%dma_wait3A_670, %dma_wait3A_676] : memref<2x32768xf32, #tpu.memory_space<vmem>> -> memref<1x4096xf32, #tpu.memory_space<vmem>>
        %dma_wait3A_678 = tpu.memref_squeeze %dma_wait3A_677 : memref<1x4096xf32, #tpu.memory_space<vmem>> -> memref<4096xf32, #tpu.memory_space<vmem>>
        tpu.wait_dma2 semaphore(%arg10 : memref<!tpu.dma_semaphore, #tpu.memory_space<semaphore_mem>>) src(%dma_wait3A_678 : memref<4096xf32, #tpu.memory_space<vmem>>) dst(%dma_wait3A_675 : memref<4096xf32, #tpu.memory_space<hbm>>)
        %add3A_679 = arith.constant 786432 : i32
        %add3A_680 = arith.addi %add3A_612, %add3A_679 : i32
        %dma_wait3A_681 = arith.constant 1 : i32
        %dma_wait3A_682 = arith.constant 24576 : i32
        %dma_wait3A_683 = tpu.memref_slice %arg7[%dma_wait3A_681, %dma_wait3A_682] : memref<2x32768xf32, #tpu.memory_space<vmem>> -> memref<1x4096xf32, #tpu.memory_space<vmem>>
        %dma_wait3A_684 = tpu.memref_squeeze %dma_wait3A_683 : memref<1x4096xf32, #tpu.memory_space<vmem>> -> memref<4096xf32, #tpu.memory_space<vmem>>
        %dma_wait3A_685 = tpu.memref_slice %arg4[%add3A_680] : memref<52428800xf32, #tpu.memory_space<hbm>> -> memref<4096xf32, #tpu.memory_space<hbm>>
        %dma_wait3A_686 = tpu.memref_slice %arg4[%add3A_680] : memref<52428800xf32, #tpu.memory_space<hbm>> -> memref<4096xf32, #tpu.memory_space<hbm>>
        %dma_wait3A_687 = arith.constant 24576 : i32
        %dma_wait3A_688 = tpu.memref_slice %arg7[%dma_wait3A_681, %dma_wait3A_687] : memref<2x32768xf32, #tpu.memory_space<vmem>> -> memref<1x4096xf32, #tpu.memory_space<vmem>>
        %dma_wait3A_689 = tpu.memref_squeeze %dma_wait3A_688 : memref<1x4096xf32, #tpu.memory_space<vmem>> -> memref<4096xf32, #tpu.memory_space<vmem>>
        tpu.wait_dma2 semaphore(%arg10 : memref<!tpu.dma_semaphore, #tpu.memory_space<semaphore_mem>>) src(%dma_wait3A_689 : memref<4096xf32, #tpu.memory_space<vmem>>) dst(%dma_wait3A_686 : memref<4096xf32, #tpu.memory_space<hbm>>)
        %add3A_690 = arith.constant 917504 : i32
        %add3A_691 = arith.addi %add3A_612, %add3A_690 : i32
        %dma_wait3A_692 = arith.constant 1 : i32
        %dma_wait3A_693 = arith.constant 28672 : i32
        %dma_wait3A_694 = tpu.memref_slice %arg7[%dma_wait3A_692, %dma_wait3A_693] : memref<2x32768xf32, #tpu.memory_space<vmem>> -> memref<1x4096xf32, #tpu.memory_space<vmem>>
        %dma_wait3A_695 = tpu.memref_squeeze %dma_wait3A_694 : memref<1x4096xf32, #tpu.memory_space<vmem>> -> memref<4096xf32, #tpu.memory_space<vmem>>
        %dma_wait3A_696 = tpu.memref_slice %arg4[%add3A_691] : memref<52428800xf32, #tpu.memory_space<hbm>> -> memref<4096xf32, #tpu.memory_space<hbm>>
        %dma_wait3A_697 = tpu.memref_slice %arg4[%add3A_691] : memref<52428800xf32, #tpu.memory_space<hbm>> -> memref<4096xf32, #tpu.memory_space<hbm>>
        %dma_wait3A_698 = arith.constant 28672 : i32
        %dma_wait3A_699 = tpu.memref_slice %arg7[%dma_wait3A_692, %dma_wait3A_698] : memref<2x32768xf32, #tpu.memory_space<vmem>> -> memref<1x4096xf32, #tpu.memory_space<vmem>>
        %dma_wait3A_700 = tpu.memref_squeeze %dma_wait3A_699 : memref<1x4096xf32, #tpu.memory_space<vmem>> -> memref<4096xf32, #tpu.memory_space<vmem>>
        tpu.wait_dma2 semaphore(%arg10 : memref<!tpu.dma_semaphore, #tpu.memory_space<semaphore_mem>>) src(%dma_wait3A_700 : memref<4096xf32, #tpu.memory_space<vmem>>) dst(%dma_wait3A_697 : memref<4096xf32, #tpu.memory_space<hbm>>)
      } else {
      }
      %dma_wait3A_491 = arith.constant 0 : i32
      %dma_wait3A_492 = arith.constant 0 : i32
      %dma_wait3A_493 = arith.constant 0 : i32
      %dma_wait3A_494 = arith.constant 0 : i32
      %dma_wait3A_495 = tpu.memref_slice %arg6[%dma_wait3A_491, %dma_wait3A_493, %dma_wait3A_494] : memref<2x128x128xf32, #tpu.memory_space<vmem>> -> memref<1x128x128xf32, #tpu.memory_space<vmem>>
      %dma_wait3A_496 = tpu.memref_squeeze %dma_wait3A_495 : memref<1x128x128xf32, #tpu.memory_space<vmem>> -> memref<128x128xf32, #tpu.memory_space<vmem>>
      %dma_wait3A_497 = arith.constant 0 : i32
      %dma_wait3A_498 = tpu.memref_slice %arg5[%scan3A_462, %dma_wait3A_497] : memref<50x512xi32, #tpu.memory_space<vmem>> -> memref<1x128xi32, #tpu.memory_space<vmem>>
      %dma_wait3A_499 = tpu.memref_squeeze %dma_wait3A_498 : memref<1x128xi32, #tpu.memory_space<vmem>> -> memref<128xi32, #tpu.memory_space<vmem>>
      %dma_wait3A_500 = arith.constant 0 : i32
      %dma_wait3A_501 = arith.constant 0 : i32
      %dma_wait3A_502 = tpu.memref_slice %arg3[%dma_wait3A_500, %dma_wait3A_501] : memref<1000000x128xf32, #tpu.memory_space<hbm>> -> memref<1000000x128xf32, #tpu.memory_space<hbm>>
      %dma_wait3A_503 = tpu.memref_slice %arg8[%dma_wait3A_492] : memref<2x!tpu.dma_semaphore, #tpu.memory_space<semaphore_mem>> -> memref<1x!tpu.dma_semaphore, #tpu.memory_space<semaphore_mem>>
      %dma_wait3A_504 = tpu.memref_squeeze %dma_wait3A_503 : memref<1x!tpu.dma_semaphore, #tpu.memory_space<semaphore_mem>> -> memref<!tpu.dma_semaphore, #tpu.memory_space<semaphore_mem>>
      tpu.wait_indirect_dma semaphore(%dma_wait3A_504 : memref<!tpu.dma_semaphore, #tpu.memory_space<semaphore_mem>>) src(%dma_wait3A_502 : memref<1000000x128xf32, #tpu.memory_space<hbm>>) dst(%dma_wait3A_496 : memref<128x128xf32, #tpu.memory_space<vmem>>)
      %parallel_loop3A = arith.constant 0 : i32
      %parallel_loop3A_505 = arith.constant 128 : i32
      %parallel_loop3A_506 = arith.constant 1 : i32
      %parallel_loop3A_507 = arith.constant 0 : i32
      scf.for %parallel_loop3A_608 = %parallel_loop3A to %parallel_loop3A_505 step %parallel_loop3A_506  : i32 {
        %parallel_loop3A_609 = arith.constant 0 : i32
        %parallel_loop3A_610 = arith.addi %parallel_loop3A_609, %parallel_loop3A_608 : i32
        %parallel_loop3A_611 = vector.broadcast %parallel_loop3A_610 : i32 to vector<16xi32>
        %parallel_loop3A_612 = arith.constant 0 : i32
        %parallel_loop3A_613 = arith.constant 0 : i32
        %parallel_loop3A_614 = tpu.memref_slice %arg6[%parallel_loop3A_507, %parallel_loop3A_612, %parallel_loop3A_613] : memref<2x128x128xf32, #tpu.memory_space<vmem>> -> memref<1x128x128xf32, #tpu.memory_space<vmem>>
        %parallel_loop3A_615 = tpu.memref_squeeze %parallel_loop3A_614 : memref<1x128x128xf32, #tpu.memory_space<vmem>> -> memref<128x128xf32, #tpu.memory_space<vmem>>
        %parallel_loop3A_616 = arith.index_cast %parallel_loop3A_608 : i32 to index
        %parallel_loop3A_617 = arith.constant 0 : index
        %parallel_loop3A_618 = tpu.vector_load %parallel_loop3A_615[%parallel_loop3A_616, %parallel_loop3A_617] {strides = array<i32>} : memref<128x128xf32, #tpu.memory_space<vmem>>, vector<16xf32>,
        %parallel_loop3A_619 = arith.addi %add3A_55, %parallel_loop3A_611 : vector<16xi32>
        %parallel_loop3A_620 = arith.constant 8.000000e+00 : f32
        %parallel_loop3A_621 = vector.broadcast %parallel_loop3A_620 : f32 to vector<16xf32>
        %parallel_loop3A_622 = arith.mulf %parallel_loop3A_618, %parallel_loop3A_621 : vector<16xf32>
        %parallel_loop3A_623 = arith.constant 0 : i32
        %parallel_loop3A_624 = tpu.memref_slice %arg7[%select_n3A_478, %parallel_loop3A_623] : memref<2x32768xf32, #tpu.memory_space<vmem>> -> memref<1x32768xf32, #tpu.memory_space<vmem>>
        %parallel_loop3A_625 = tpu.memref_squeeze %parallel_loop3A_624 : memref<1x32768xf32, #tpu.memory_space<vmem>> -> memref<32768xf32, #tpu.memory_space<vmem>>
        tpu.vector_store_idx %parallel_loop3A_625[%parallel_loop3A_619], %parallel_loop3A_622 : memref<32768xf32, #tpu.memory_space<vmem>>[vector<16xi32>], vector<16xf32>,
        %parallel_loop3A_626 = arith.constant 0 : i32
        %parallel_loop3A_627 = arith.constant 0 : i32
        %parallel_loop3A_628 = tpu.memref_slice %arg6[%parallel_loop3A_507, %parallel_loop3A_626, %parallel_loop3A_627] : memref<2x128x128xf32, #tpu.memory_space<vmem>> -> memref<1x128x128xf32, #tpu.memory_space<vmem>>
        %parallel_loop3A_629 = tpu.memref_squeeze %parallel_loop3A_628 : memref<1x128x128xf32, #tpu.memory_space<vmem>> -> memref<128x128xf32, #tpu.memory_space<vmem>>
        %parallel_loop3A_630 = arith.index_cast %parallel_loop3A_608 : i32 to index
        %parallel_loop3A_631 = arith.constant 16 : index
        %parallel_loop3A_632 = tpu.vector_load %parallel_loop3A_629[%parallel_loop3A_630, %parallel_loop3A_631] {strides = array<i32>} : memref<128x128xf32, #tpu.memory_space<vmem>>, vector<16xf32>,
        %parallel_loop3A_633 = arith.addi %add3A_118, %parallel_loop3A_611 : vector<16xi32>
        %parallel_loop3A_634 = arith.constant 8.000000e+00 : f32
        %parallel_loop3A_635 = vector.broadcast %parallel_loop3A_634 : f32 to vector<16xf32>
        %parallel_loop3A_636 = arith.mulf %parallel_loop3A_632, %parallel_loop3A_635 : vector<16xf32>
        %parallel_loop3A_637 = arith.constant 0 : i32
        %parallel_loop3A_638 = tpu.memref_slice %arg7[%select_n3A_478, %parallel_loop3A_637] : memref<2x32768xf32, #tpu.memory_space<vmem>> -> memref<1x32768xf32, #tpu.memory_space<vmem>>
        %parallel_loop3A_639 = tpu.memref_squeeze %parallel_loop3A_638 : memref<1x32768xf32, #tpu.memory_space<vmem>> -> memref<32768xf32, #tpu.memory_space<vmem>>
        tpu.vector_store_idx %parallel_loop3A_639[%parallel_loop3A_633], %parallel_loop3A_636 : memref<32768xf32, #tpu.memory_space<vmem>>[vector<16xi32>], vector<16xf32>,
        %parallel_loop3A_640 = arith.constant 0 : i32
        %parallel_loop3A_641 = arith.constant 0 : i32
        %parallel_loop3A_642 = tpu.memref_slice %arg6[%parallel_loop3A_507, %parallel_loop3A_640, %parallel_loop3A_641] : memref<2x128x128xf32, #tpu.memory_space<vmem>> -> memref<1x128x128xf32, #tpu.memory_space<vmem>>
        %parallel_loop3A_643 = tpu.memref_squeeze %parallel_loop3A_642 : memref<1x128x128xf32, #tpu.memory_space<vmem>> -> memref<128x128xf32, #tpu.memory_space<vmem>>
        %parallel_loop3A_644 = arith.index_cast %parallel_loop3A_608 : i32 to index
        %parallel_loop3A_645 = arith.constant 32 : index
        %parallel_loop3A_646 = tpu.vector_load %parallel_loop3A_643[%parallel_loop3A_644, %parallel_loop3A_645] {strides = array<i32>} : memref<128x128xf32, #tpu.memory_space<vmem>>, vector<16xf32>,
        %parallel_loop3A_647 = arith.addi %add3A_181, %parallel_loop3A_611 : vector<16xi32>
        %parallel_loop3A_648 = arith.constant 8.000000e+00 : f32
        %parallel_loop3A_649 = vector.broadcast %parallel_loop3A_648 : f32 to vector<16xf32>
        %parallel_loop3A_650 = arith.mulf %parallel_loop3A_646, %parallel_loop3A_649 : vector<16xf32>
        %parallel_loop3A_651 = arith.constant 0 : i32
        %parallel_loop3A_652 = tpu.memref_slice %arg7[%select_n3A_478, %parallel_loop3A_651] : memref<2x32768xf32, #tpu.memory_space<vmem>> -> memref<1x32768xf32, #tpu.memory_space<vmem>>
        %parallel_loop3A_653 = tpu.memref_squeeze %parallel_loop3A_652 : memref<1x32768xf32, #tpu.memory_space<vmem>> -> memref<32768xf32, #tpu.memory_space<vmem>>
        tpu.vector_store_idx %parallel_loop3A_653[%parallel_loop3A_647], %parallel_loop3A_650 : memref<32768xf32, #tpu.memory_space<vmem>>[vector<16xi32>], vector<16xf32>,
        %parallel_loop3A_654 = arith.constant 0 : i32
        %parallel_loop3A_655 = arith.constant 0 : i32
        %parallel_loop3A_656 = tpu.memref_slice %arg6[%parallel_loop3A_507, %parallel_loop3A_654, %parallel_loop3A_655] : memref<2x128x128xf32, #tpu.memory_space<vmem>> -> memref<1x128x128xf32, #tpu.memory_space<vmem>>
        %parallel_loop3A_657 = tpu.memref_squeeze %parallel_loop3A_656 : memref<1x128x128xf32, #tpu.memory_space<vmem>> -> memref<128x128xf32, #tpu.memory_space<vmem>>
        %parallel_loop3A_658 = arith.index_cast %parallel_loop3A_608 : i32 to index
        %parallel_loop3A_659 = arith.constant 48 : index
        %parallel_loop3A_660 = tpu.vector_load %parallel_loop3A_657[%parallel_loop3A_658, %parallel_loop3A_659] {strides = array<i32>} : memref<128x128xf32, #tpu.memory_space<vmem>>, vector<16xf32>,
        %parallel_loop3A_661 = arith.addi %add3A_244, %parallel_loop3A_611 : vector<16xi32>
        %parallel_loop3A_662 = arith.constant 8.000000e+00 : f32
        %parallel_loop3A_663 = vector.broadcast %parallel_loop3A_662 : f32 to vector<16xf32>
        %parallel_loop3A_664 = arith.mulf %parallel_loop3A_660, %parallel_loop3A_663 : vector<16xf32>
        %parallel_loop3A_665 = arith.constant 0 : i32
        %parallel_loop3A_666 = tpu.memref_slice %arg7[%select_n3A_478, %parallel_loop3A_665] : memref<2x32768xf32, #tpu.memory_space<vmem>> -> memref<1x32768xf32, #tpu.memory_space<vmem>>
        %parallel_loop3A_667 = tpu.memref_squeeze %parallel_loop3A_666 : memref<1x32768xf32, #tpu.memory_space<vmem>> -> memref<32768xf32, #tpu.memory_space<vmem>>
        tpu.vector_store_idx %parallel_loop3A_667[%parallel_loop3A_661], %parallel_loop3A_664 : memref<32768xf32, #tpu.memory_space<vmem>>[vector<16xi32>], vector<16xf32>,
      } {sc.loop_unroll_factor = 4 : i64, sc.parallel_access}
      %dma_start3A_508 = arith.constant 0 : i32
      %dma_start3A_509 = arith.constant 0 : i32
      %dma_start3A_510 = arith.constant 0 : i32
      %dma_start3A_511 = arith.constant 0 : i32
      %dma_start3A_512 = tpu.memref_slice %arg6[%dma_start3A_508, %dma_start3A_510, %dma_start3A_511] : memref<2x128x128xf32, #tpu.memory_space<vmem>> -> memref<1x128x128xf32, #tpu.memory_space<vmem>>
      %dma_start3A_513 = tpu.memref_squeeze %dma_start3A_512 : memref<1x128x128xf32, #tpu.memory_space<vmem>> -> memref<128x128xf32, #tpu.memory_space<vmem>>
      %dma_start3A_514 = arith.constant 256 : i32
      %dma_start3A_515 = tpu.memref_slice %arg5[%scan3A_462, %dma_start3A_514] : memref<50x512xi32, #tpu.memory_space<vmem>> -> memref<1x128xi32, #tpu.memory_space<vmem>>
      %dma_start3A_516 = tpu.memref_squeeze %dma_start3A_515 : memref<1x128xi32, #tpu.memory_space<vmem>> -> memref<128xi32, #tpu.memory_space<vmem>>
      %dma_start3A_517 = arith.constant 0 : i32
      %dma_start3A_518 = arith.constant 0 : i32
      %dma_start3A_519 = tpu.memref_slice %arg3[%dma_start3A_517, %dma_start3A_518] : memref<1000000x128xf32, #tpu.memory_space<hbm>> -> memref<1000000x128xf32, #tpu.memory_space<hbm>>
      %dma_start3A_520 = tpu.memref_slice %arg8[%dma_start3A_509] : memref<2x!tpu.dma_semaphore, #tpu.memory_space<semaphore_mem>> -> memref<1x!tpu.dma_semaphore, #tpu.memory_space<semaphore_mem>>
      %dma_start3A_521 = tpu.memref_squeeze %dma_start3A_520 : memref<1x!tpu.dma_semaphore, #tpu.memory_space<semaphore_mem>> -> memref<!tpu.dma_semaphore, #tpu.memory_space<semaphore_mem>>
      tpu.enqueue_indirect_dma source(%dma_start3A_519 : memref<1000000x128xf32, #tpu.memory_space<hbm>>) target(%dma_start3A_513 : memref<128x128xf32, #tpu.memory_space<vmem>>) offsets(%dma_start3A_516 : memref<128xi32, #tpu.memory_space<vmem>>) semaphore(%dma_start3A_521 : memref<!tpu.dma_semaphore, #tpu.memory_space<semaphore_mem>>)
      %dma_wait3A_522 = arith.constant 1 : i32
      %dma_wait3A_523 = arith.constant 1 : i32
      %dma_wait3A_524 = arith.constant 0 : i32
      %dma_wait3A_525 = arith.constant 0 : i32
      %dma_wait3A_526 = tpu.memref_slice %arg6[%dma_wait3A_522, %dma_wait3A_524, %dma_wait3A_525] : memref<2x128x128xf32, #tpu.memory_space<vmem>> -> memref<1x128x128xf32, #tpu.memory_space<vmem>>
      %dma_wait3A_527 = tpu.memref_squeeze %dma_wait3A_526 : memref<1x128x128xf32, #tpu.memory_space<vmem>> -> memref<128x128xf32, #tpu.memory_space<vmem>>
      %dma_wait3A_528 = arith.constant 128 : i32
      %dma_wait3A_529 = tpu.memref_slice %arg5[%scan3A_462, %dma_wait3A_528] : memref<50x512xi32, #tpu.memory_space<vmem>> -> memref<1x128xi32, #tpu.memory_space<vmem>>
      %dma_wait3A_530 = tpu.memref_squeeze %dma_wait3A_529 : memref<1x128xi32, #tpu.memory_space<vmem>> -> memref<128xi32, #tpu.memory_space<vmem>>
      %dma_wait3A_531 = arith.constant 0 : i32
      %dma_wait3A_532 = arith.constant 0 : i32
      %dma_wait3A_533 = tpu.memref_slice %arg3[%dma_wait3A_531, %dma_wait3A_532] : memref<1000000x128xf32, #tpu.memory_space<hbm>> -> memref<1000000x128xf32, #tpu.memory_space<hbm>>
      %dma_wait3A_534 = tpu.memref_slice %arg8[%dma_wait3A_523] : memref<2x!tpu.dma_semaphore, #tpu.memory_space<semaphore_mem>> -> memref<1x!tpu.dma_semaphore, #tpu.memory_space<semaphore_mem>>
      %dma_wait3A_535 = tpu.memref_squeeze %dma_wait3A_534 : memref<1x!tpu.dma_semaphore, #tpu.memory_space<semaphore_mem>> -> memref<!tpu.dma_semaphore, #tpu.memory_space<semaphore_mem>>
      tpu.wait_indirect_dma semaphore(%dma_wait3A_535 : memref<!tpu.dma_semaphore, #tpu.memory_space<semaphore_mem>>) src(%dma_wait3A_533 : memref<1000000x128xf32, #tpu.memory_space<hbm>>) dst(%dma_wait3A_527 : memref<128x128xf32, #tpu.memory_space<vmem>>)
      %parallel_loop3A_536 = arith.constant 0 : i32
      %parallel_loop3A_537 = arith.constant 128 : i32
      %parallel_loop3A_538 = arith.constant 1 : i32
      %parallel_loop3A_539 = arith.constant 1 : i32
      scf.for %parallel_loop3A_608 = %parallel_loop3A_536 to %parallel_loop3A_537 step %parallel_loop3A_538  : i32 {
        %parallel_loop3A_609 = arith.constant 1024 : i32
        %parallel_loop3A_610 = arith.addi %parallel_loop3A_609, %parallel_loop3A_608 : i32
        %parallel_loop3A_611 = vector.broadcast %parallel_loop3A_610 : i32 to vector<16xi32>
        %parallel_loop3A_612 = arith.constant 0 : i32
        %parallel_loop3A_613 = arith.constant 0 : i32
        %parallel_loop3A_614 = tpu.memref_slice %arg6[%parallel_loop3A_539, %parallel_loop3A_612, %parallel_loop3A_613] : memref<2x128x128xf32, #tpu.memory_space<vmem>> -> memref<1x128x128xf32, #tpu.memory_space<vmem>>
        %parallel_loop3A_615 = tpu.memref_squeeze %parallel_loop3A_614 : memref<1x128x128xf32, #tpu.memory_space<vmem>> -> memref<128x128xf32, #tpu.memory_space<vmem>>
        %parallel_loop3A_616 = arith.index_cast %parallel_loop3A_608 : i32 to index
        %parallel_loop3A_617 = arith.constant 0 : index
        %parallel_loop3A_618 = tpu.vector_load %parallel_loop3A_615[%parallel_loop3A_616, %parallel_loop3A_617] {strides = array<i32>} : memref<128x128xf32, #tpu.memory_space<vmem>>, vector<16xf32>,
        %parallel_loop3A_619 = arith.addi %add3A_55, %parallel_loop3A_611 : vector<16xi32>
        %parallel_loop3A_620 = arith.constant 8.000000e+00 : f32
        %parallel_loop3A_621 = vector.broadcast %parallel_loop3A_620 : f32 to vector<16xf32>
        %parallel_loop3A_622 = arith.mulf %parallel_loop3A_618, %parallel_loop3A_621 : vector<16xf32>
        %parallel_loop3A_623 = arith.constant 0 : i32
        %parallel_loop3A_624 = tpu.memref_slice %arg7[%select_n3A_478, %parallel_loop3A_623] : memref<2x32768xf32, #tpu.memory_space<vmem>> -> memref<1x32768xf32, #tpu.memory_space<vmem>>
        %parallel_loop3A_625 = tpu.memref_squeeze %parallel_loop3A_624 : memref<1x32768xf32, #tpu.memory_space<vmem>> -> memref<32768xf32, #tpu.memory_space<vmem>>
        tpu.vector_store_idx %parallel_loop3A_625[%parallel_loop3A_619], %parallel_loop3A_622 : memref<32768xf32, #tpu.memory_space<vmem>>[vector<16xi32>], vector<16xf32>,
        %parallel_loop3A_626 = arith.constant 0 : i32
        %parallel_loop3A_627 = arith.constant 0 : i32
        %parallel_loop3A_628 = tpu.memref_slice %arg6[%parallel_loop3A_539, %parallel_loop3A_626, %parallel_loop3A_627] : memref<2x128x128xf32, #tpu.memory_space<vmem>> -> memref<1x128x128xf32, #tpu.memory_space<vmem>>
        %parallel_loop3A_629 = tpu.memref_squeeze %parallel_loop3A_628 : memref<1x128x128xf32, #tpu.memory_space<vmem>> -> memref<128x128xf32, #tpu.memory_space<vmem>>
        %parallel_loop3A_630 = arith.index_cast %parallel_loop3A_608 : i32 to index
        %parallel_loop3A_631 = arith.constant 16 : index
        %parallel_loop3A_632 = tpu.vector_load %parallel_loop3A_629[%parallel_loop3A_630, %parallel_loop3A_631] {strides = array<i32>} : memref<128x128xf32, #tpu.memory_space<vmem>>, vector<16xf32>,
        %parallel_loop3A_633 = arith.addi %add3A_118, %parallel_loop3A_611 : vector<16xi32>
        %parallel_loop3A_634 = arith.constant 8.000000e+00 : f32
        %parallel_loop3A_635 = vector.broadcast %parallel_loop3A_634 : f32 to vector<16xf32>
        %parallel_loop3A_636 = arith.mulf %parallel_loop3A_632, %parallel_loop3A_635 : vector<16xf32>
        %parallel_loop3A_637 = arith.constant 0 : i32
        %parallel_loop3A_638 = tpu.memref_slice %arg7[%select_n3A_478, %parallel_loop3A_637] : memref<2x32768xf32, #tpu.memory_space<vmem>> -> memref<1x32768xf32, #tpu.memory_space<vmem>>
        %parallel_loop3A_639 = tpu.memref_squeeze %parallel_loop3A_638 : memref<1x32768xf32, #tpu.memory_space<vmem>> -> memref<32768xf32, #tpu.memory_space<vmem>>
        tpu.vector_store_idx %parallel_loop3A_639[%parallel_loop3A_633], %parallel_loop3A_636 : memref<32768xf32, #tpu.memory_space<vmem>>[vector<16xi32>], vector<16xf32>,
        %parallel_loop3A_640 = arith.constant 0 : i32
        %parallel_loop3A_641 = arith.constant 0 : i32
        %parallel_loop3A_642 = tpu.memref_slice %arg6[%parallel_loop3A_539, %parallel_loop3A_640, %parallel_loop3A_641] : memref<2x128x128xf32, #tpu.memory_space<vmem>> -> memref<1x128x128xf32, #tpu.memory_space<vmem>>
        %parallel_loop3A_643 = tpu.memref_squeeze %parallel_loop3A_642 : memref<1x128x128xf32, #tpu.memory_space<vmem>> -> memref<128x128xf32, #tpu.memory_space<vmem>>
        %parallel_loop3A_644 = arith.index_cast %parallel_loop3A_608 : i32 to index
        %parallel_loop3A_645 = arith.constant 32 : index
        %parallel_loop3A_646 = tpu.vector_load %parallel_loop3A_643[%parallel_loop3A_644, %parallel_loop3A_645] {strides = array<i32>} : memref<128x128xf32, #tpu.memory_space<vmem>>, vector<16xf32>,
        %parallel_loop3A_647 = arith.addi %add3A_181, %parallel_loop3A_611 : vector<16xi32>
        %parallel_loop3A_648 = arith.constant 8.000000e+00 : f32
        %parallel_loop3A_649 = vector.broadcast %parallel_loop3A_648 : f32 to vector<16xf32>
        %parallel_loop3A_650 = arith.mulf %parallel_loop3A_646, %parallel_loop3A_649 : vector<16xf32>
        %parallel_loop3A_651 = arith.constant 0 : i32
        %parallel_loop3A_652 = tpu.memref_slice %arg7[%select_n3A_478, %parallel_loop3A_651] : memref<2x32768xf32, #tpu.memory_space<vmem>> -> memref<1x32768xf32, #tpu.memory_space<vmem>>
        %parallel_loop3A_653 = tpu.memref_squeeze %parallel_loop3A_652 : memref<1x32768xf32, #tpu.memory_space<vmem>> -> memref<32768xf32, #tpu.memory_space<vmem>>
        tpu.vector_store_idx %parallel_loop3A_653[%parallel_loop3A_647], %parallel_loop3A_650 : memref<32768xf32, #tpu.memory_space<vmem>>[vector<16xi32>], vector<16xf32>,
        %parallel_loop3A_654 = arith.constant 0 : i32
        %parallel_loop3A_655 = arith.constant 0 : i32
        %parallel_loop3A_656 = tpu.memref_slice %arg6[%parallel_loop3A_539, %parallel_loop3A_654, %parallel_loop3A_655] : memref<2x128x128xf32, #tpu.memory_space<vmem>> -> memref<1x128x128xf32, #tpu.memory_space<vmem>>
        %parallel_loop3A_657 = tpu.memref_squeeze %parallel_loop3A_656 : memref<1x128x128xf32, #tpu.memory_space<vmem>> -> memref<128x128xf32, #tpu.memory_space<vmem>>
        %parallel_loop3A_658 = arith.index_cast %parallel_loop3A_608 : i32 to index
        %parallel_loop3A_659 = arith.constant 48 : index
        %parallel_loop3A_660 = tpu.vector_load %parallel_loop3A_657[%parallel_loop3A_658, %parallel_loop3A_659] {strides = array<i32>} : memref<128x128xf32, #tpu.memory_space<vmem>>, vector<16xf32>,
        %parallel_loop3A_661 = arith.addi %add3A_244, %parallel_loop3A_611 : vector<16xi32>
        %parallel_loop3A_662 = arith.constant 8.000000e+00 : f32
        %parallel_loop3A_663 = vector.broadcast %parallel_loop3A_662 : f32 to vector<16xf32>
        %parallel_loop3A_664 = arith.mulf %parallel_loop3A_660, %parallel_loop3A_663 : vector<16xf32>
        %parallel_loop3A_665 = arith.constant 0 : i32
        %parallel_loop3A_666 = tpu.memref_slice %arg7[%select_n3A_478, %parallel_loop3A_665] : memref<2x32768xf32, #tpu.memory_space<vmem>> -> memref<1x32768xf32, #tpu.memory_space<vmem>>
        %parallel_loop3A_667 = tpu.memref_squeeze %parallel_loop3A_666 : memref<1x32768xf32, #tpu.memory_space<vmem>> -> memref<32768xf32, #tpu.memory_space<vmem>>
        tpu.vector_store_idx %parallel_loop3A_667[%parallel_loop3A_661], %parallel_loop3A_664 : memref<32768xf32, #tpu.memory_space<vmem>>[vector<16xi32>], vector<16xf32>,
      } {sc.loop_unroll_factor = 4 : i64, sc.parallel_access}
      %dma_start3A_540 = arith.constant 1 : i32
      %dma_start3A_541 = arith.constant 1 : i32
      %dma_start3A_542 = arith.constant 0 : i32
      %dma_start3A_543 = arith.constant 0 : i32
      %dma_start3A_544 = tpu.memref_slice %arg6[%dma_start3A_540, %dma_start3A_542, %dma_start3A_543] : memref<2x128x128xf32, #tpu.memory_space<vmem>> -> memref<1x128x128xf32, #tpu.memory_space<vmem>>
      %dma_start3A_545 = tpu.memref_squeeze %dma_start3A_544 : memref<1x128x128xf32, #tpu.memory_space<vmem>> -> memref<128x128xf32, #tpu.memory_space<vmem>>
      %dma_start3A_546 = arith.constant 384 : i32
      %dma_start3A_547 = tpu.memref_slice %arg5[%scan3A_462, %dma_start3A_546] : memref<50x512xi32, #tpu.memory_space<vmem>> -> memref<1x128xi32, #tpu.memory_space<vmem>>
      %dma_start3A_548 = tpu.memref_squeeze %dma_start3A_547 : memref<1x128xi32, #tpu.memory_space<vmem>> -> memref<128xi32, #tpu.memory_space<vmem>>
      %dma_start3A_549 = arith.constant 0 : i32
      %dma_start3A_550 = arith.constant 0 : i32
      %dma_start3A_551 = tpu.memref_slice %arg3[%dma_start3A_549, %dma_start3A_550] : memref<1000000x128xf32, #tpu.memory_space<hbm>> -> memref<1000000x128xf32, #tpu.memory_space<hbm>>
      %dma_start3A_552 = tpu.memref_slice %arg8[%dma_start3A_541] : memref<2x!tpu.dma_semaphore, #tpu.memory_space<semaphore_mem>> -> memref<1x!tpu.dma_semaphore, #tpu.memory_space<semaphore_mem>>
      %dma_start3A_553 = tpu.memref_squeeze %dma_start3A_552 : memref<1x!tpu.dma_semaphore, #tpu.memory_space<semaphore_mem>> -> memref<!tpu.dma_semaphore, #tpu.memory_space<semaphore_mem>>
      tpu.enqueue_indirect_dma source(%dma_start3A_551 : memref<1000000x128xf32, #tpu.memory_space<hbm>>) target(%dma_start3A_545 : memref<128x128xf32, #tpu.memory_space<vmem>>) offsets(%dma_start3A_548 : memref<128xi32, #tpu.memory_space<vmem>>) semaphore(%dma_start3A_553 : memref<!tpu.dma_semaphore, #tpu.memory_space<semaphore_mem>>)
      %dma_wait3A_554 = arith.constant 0 : i32
      %dma_wait3A_555 = arith.constant 0 : i32
      %dma_wait3A_556 = arith.constant 0 : i32
      %dma_wait3A_557 = arith.constant 0 : i32
      %dma_wait3A_558 = tpu.memref_slice %arg6[%dma_wait3A_554, %dma_wait3A_556, %dma_wait3A_557] : memref<2x128x128xf32, #tpu.memory_space<vmem>> -> memref<1x128x128xf32, #tpu.memory_space<vmem>>
      %dma_wait3A_559 = tpu.memref_squeeze %dma_wait3A_558 : memref<1x128x128xf32, #tpu.memory_space<vmem>> -> memref<128x128xf32, #tpu.memory_space<vmem>>
      %dma_wait3A_560 = arith.constant 256 : i32
      %dma_wait3A_561 = tpu.memref_slice %arg5[%scan3A_462, %dma_wait3A_560] : memref<50x512xi32, #tpu.memory_space<vmem>> -> memref<1x128xi32, #tpu.memory_space<vmem>>
      %dma_wait3A_562 = tpu.memref_squeeze %dma_wait3A_561 : memref<1x128xi32, #tpu.memory_space<vmem>> -> memref<128xi32, #tpu.memory_space<vmem>>
      %dma_wait3A_563 = arith.constant 0 : i32
      %dma_wait3A_564 = arith.constant 0 : i32
      %dma_wait3A_565 = tpu.memref_slice %arg3[%dma_wait3A_563, %dma_wait3A_564] : memref<1000000x128xf32, #tpu.memory_space<hbm>> -> memref<1000000x128xf32, #tpu.memory_space<hbm>>
      %dma_wait3A_566 = tpu.memref_slice %arg8[%dma_wait3A_555] : memref<2x!tpu.dma_semaphore, #tpu.memory_space<semaphore_mem>> -> memref<1x!tpu.dma_semaphore, #tpu.memory_space<semaphore_mem>>
      %dma_wait3A_567 = tpu.memref_squeeze %dma_wait3A_566 : memref<1x!tpu.dma_semaphore, #tpu.memory_space<semaphore_mem>> -> memref<!tpu.dma_semaphore, #tpu.memory_space<semaphore_mem>>
      tpu.wait_indirect_dma semaphore(%dma_wait3A_567 : memref<!tpu.dma_semaphore, #tpu.memory_space<semaphore_mem>>) src(%dma_wait3A_565 : memref<1000000x128xf32, #tpu.memory_space<hbm>>) dst(%dma_wait3A_559 : memref<128x128xf32, #tpu.memory_space<vmem>>)
      %parallel_loop3A_568 = arith.constant 0 : i32
      %parallel_loop3A_569 = arith.constant 128 : i32
      %parallel_loop3A_570 = arith.constant 1 : i32
      %parallel_loop3A_571 = arith.constant 0 : i32
      scf.for %parallel_loop3A_608 = %parallel_loop3A_568 to %parallel_loop3A_569 step %parallel_loop3A_570  : i32 {
        %parallel_loop3A_609 = arith.constant 2048 : i32
        %parallel_loop3A_610 = arith.addi %parallel_loop3A_609, %parallel_loop3A_608 : i32
        %parallel_loop3A_611 = vector.broadcast %parallel_loop3A_610 : i32 to vector<16xi32>
        %parallel_loop3A_612 = arith.constant 0 : i32
        %parallel_loop3A_613 = arith.constant 0 : i32
        %parallel_loop3A_614 = tpu.memref_slice %arg6[%parallel_loop3A_571, %parallel_loop3A_612, %parallel_loop3A_613] : memref<2x128x128xf32, #tpu.memory_space<vmem>> -> memref<1x128x128xf32, #tpu.memory_space<vmem>>
        %parallel_loop3A_615 = tpu.memref_squeeze %parallel_loop3A_614 : memref<1x128x128xf32, #tpu.memory_space<vmem>> -> memref<128x128xf32, #tpu.memory_space<vmem>>
        %parallel_loop3A_616 = arith.index_cast %parallel_loop3A_608 : i32 to index
        %parallel_loop3A_617 = arith.constant 0 : index
        %parallel_loop3A_618 = tpu.vector_load %parallel_loop3A_615[%parallel_loop3A_616, %parallel_loop3A_617] {strides = array<i32>} : memref<128x128xf32, #tpu.memory_space<vmem>>, vector<16xf32>,
        %parallel_loop3A_619 = arith.addi %add3A_55, %parallel_loop3A_611 : vector<16xi32>
        %parallel_loop3A_620 = arith.constant 8.000000e+00 : f32
        %parallel_loop3A_621 = vector.broadcast %parallel_loop3A_620 : f32 to vector<16xf32>
        %parallel_loop3A_622 = arith.mulf %parallel_loop3A_618, %parallel_loop3A_621 : vector<16xf32>
        %parallel_loop3A_623 = arith.constant 0 : i32
        %parallel_loop3A_624 = tpu.memref_slice %arg7[%select_n3A_478, %parallel_loop3A_623] : memref<2x32768xf32, #tpu.memory_space<vmem>> -> memref<1x32768xf32, #tpu.memory_space<vmem>>
        %parallel_loop3A_625 = tpu.memref_squeeze %parallel_loop3A_624 : memref<1x32768xf32, #tpu.memory_space<vmem>> -> memref<32768xf32, #tpu.memory_space<vmem>>
        tpu.vector_store_idx %parallel_loop3A_625[%parallel_loop3A_619], %parallel_loop3A_622 : memref<32768xf32, #tpu.memory_space<vmem>>[vector<16xi32>], vector<16xf32>,
        %parallel_loop3A_626 = arith.constant 0 : i32
        %parallel_loop3A_627 = arith.constant 0 : i32
        %parallel_loop3A_628 = tpu.memref_slice %arg6[%parallel_loop3A_571, %parallel_loop3A_626, %parallel_loop3A_627] : memref<2x128x128xf32, #tpu.memory_space<vmem>> -> memref<1x128x128xf32, #tpu.memory_space<vmem>>
        %parallel_loop3A_629 = tpu.memref_squeeze %parallel_loop3A_628 : memref<1x128x128xf32, #tpu.memory_space<vmem>> -> memref<128x128xf32, #tpu.memory_space<vmem>>
        %parallel_loop3A_630 = arith.index_cast %parallel_loop3A_608 : i32 to index
        %parallel_loop3A_631 = arith.constant 16 : index
        %parallel_loop3A_632 = tpu.vector_load %parallel_loop3A_629[%parallel_loop3A_630, %parallel_loop3A_631] {strides = array<i32>} : memref<128x128xf32, #tpu.memory_space<vmem>>, vector<16xf32>,
        %parallel_loop3A_633 = arith.addi %add3A_118, %parallel_loop3A_611 : vector<16xi32>
        %parallel_loop3A_634 = arith.constant 8.000000e+00 : f32
        %parallel_loop3A_635 = vector.broadcast %parallel_loop3A_634 : f32 to vector<16xf32>
        %parallel_loop3A_636 = arith.mulf %parallel_loop3A_632, %parallel_loop3A_635 : vector<16xf32>
        %parallel_loop3A_637 = arith.constant 0 : i32
        %parallel_loop3A_638 = tpu.memref_slice %arg7[%select_n3A_478, %parallel_loop3A_637] : memref<2x32768xf32, #tpu.memory_space<vmem>> -> memref<1x32768xf32, #tpu.memory_space<vmem>>
        %parallel_loop3A_639 = tpu.memref_squeeze %parallel_loop3A_638 : memref<1x32768xf32, #tpu.memory_space<vmem>> -> memref<32768xf32, #tpu.memory_space<vmem>>
        tpu.vector_store_idx %parallel_loop3A_639[%parallel_loop3A_633], %parallel_loop3A_636 : memref<32768xf32, #tpu.memory_space<vmem>>[vector<16xi32>], vector<16xf32>,
        %parallel_loop3A_640 = arith.constant 0 : i32
        %parallel_loop3A_641 = arith.constant 0 : i32
        %parallel_loop3A_642 = tpu.memref_slice %arg6[%parallel_loop3A_571, %parallel_loop3A_640, %parallel_loop3A_641] : memref<2x128x128xf32, #tpu.memory_space<vmem>> -> memref<1x128x128xf32, #tpu.memory_space<vmem>>
        %parallel_loop3A_643 = tpu.memref_squeeze %parallel_loop3A_642 : memref<1x128x128xf32, #tpu.memory_space<vmem>> -> memref<128x128xf32, #tpu.memory_space<vmem>>
        %parallel_loop3A_644 = arith.index_cast %parallel_loop3A_608 : i32 to index
        %parallel_loop3A_645 = arith.constant 32 : index
        %parallel_loop3A_646 = tpu.vector_load %parallel_loop3A_643[%parallel_loop3A_644, %parallel_loop3A_645] {strides = array<i32>} : memref<128x128xf32, #tpu.memory_space<vmem>>, vector<16xf32>,
        %parallel_loop3A_647 = arith.addi %add3A_181, %parallel_loop3A_611 : vector<16xi32>
        %parallel_loop3A_648 = arith.constant 8.000000e+00 : f32
        %parallel_loop3A_649 = vector.broadcast %parallel_loop3A_648 : f32 to vector<16xf32>
        %parallel_loop3A_650 = arith.mulf %parallel_loop3A_646, %parallel_loop3A_649 : vector<16xf32>
        %parallel_loop3A_651 = arith.constant 0 : i32
        %parallel_loop3A_652 = tpu.memref_slice %arg7[%select_n3A_478, %parallel_loop3A_651] : memref<2x32768xf32, #tpu.memory_space<vmem>> -> memref<1x32768xf32, #tpu.memory_space<vmem>>
        %parallel_loop3A_653 = tpu.memref_squeeze %parallel_loop3A_652 : memref<1x32768xf32, #tpu.memory_space<vmem>> -> memref<32768xf32, #tpu.memory_space<vmem>>
        tpu.vector_store_idx %parallel_loop3A_653[%parallel_loop3A_647], %parallel_loop3A_650 : memref<32768xf32, #tpu.memory_space<vmem>>[vector<16xi32>], vector<16xf32>,
        %parallel_loop3A_654 = arith.constant 0 : i32
        %parallel_loop3A_655 = arith.constant 0 : i32
        %parallel_loop3A_656 = tpu.memref_slice %arg6[%parallel_loop3A_571, %parallel_loop3A_654, %parallel_loop3A_655] : memref<2x128x128xf32, #tpu.memory_space<vmem>> -> memref<1x128x128xf32, #tpu.memory_space<vmem>>
        %parallel_loop3A_657 = tpu.memref_squeeze %parallel_loop3A_656 : memref<1x128x128xf32, #tpu.memory_space<vmem>> -> memref<128x128xf32, #tpu.memory_space<vmem>>
        %parallel_loop3A_658 = arith.index_cast %parallel_loop3A_608 : i32 to index
        %parallel_loop3A_659 = arith.constant 48 : index
        %parallel_loop3A_660 = tpu.vector_load %parallel_loop3A_657[%parallel_loop3A_658, %parallel_loop3A_659] {strides = array<i32>} : memref<128x128xf32, #tpu.memory_space<vmem>>, vector<16xf32>,
        %parallel_loop3A_661 = arith.addi %add3A_244, %parallel_loop3A_611 : vector<16xi32>
        %parallel_loop3A_662 = arith.constant 8.000000e+00 : f32
        %parallel_loop3A_663 = vector.broadcast %parallel_loop3A_662 : f32 to vector<16xf32>
        %parallel_loop3A_664 = arith.mulf %parallel_loop3A_660, %parallel_loop3A_663 : vector<16xf32>
        %parallel_loop3A_665 = arith.constant 0 : i32
        %parallel_loop3A_666 = tpu.memref_slice %arg7[%select_n3A_478, %parallel_loop3A_665] : memref<2x32768xf32, #tpu.memory_space<vmem>> -> memref<1x32768xf32, #tpu.memory_space<vmem>>
        %parallel_loop3A_667 = tpu.memref_squeeze %parallel_loop3A_666 : memref<1x32768xf32, #tpu.memory_space<vmem>> -> memref<32768xf32, #tpu.memory_space<vmem>>
        tpu.vector_store_idx %parallel_loop3A_667[%parallel_loop3A_661], %parallel_loop3A_664 : memref<32768xf32, #tpu.memory_space<vmem>>[vector<16xi32>], vector<16xf32>,
      } {sc.loop_unroll_factor = 4 : i64, sc.parallel_access}
      %lt3A_572 = arith.constant 49 : i32
      %lt3A_573 = arith.cmpi slt, %scan3A_462, %lt3A_572 : i32
      %convert_element_type3A_574 = arith.extui %lt3A_573 : i1 to i32
      %cond3A_575 = arith.constant 0 : i32
      %cond3A_576 = arith.cmpi ne, %convert_element_type3A_574, %cond3A_575 : i32
      scf.if %cond3A_576 {
        %add3A_608 = arith.constant 1 : i32
        %add3A_609 = arith.addi %scan3A_462, %add3A_608 : i32
        %dma_start3A_610 = arith.constant 0 : i32
        %dma_start3A_611 = arith.constant 0 : i32
        %dma_start3A_612 = arith.constant 0 : i32
        %dma_start3A_613 = arith.constant 0 : i32
        %dma_start3A_614 = tpu.memref_slice %arg6[%dma_start3A_610, %dma_start3A_612, %dma_start3A_613] : memref<2x128x128xf32, #tpu.memory_space<vmem>> -> memref<1x128x128xf32, #tpu.memory_space<vmem>>
        %dma_start3A_615 = tpu.memref_squeeze %dma_start3A_614 : memref<1x128x128xf32, #tpu.memory_space<vmem>> -> memref<128x128xf32, #tpu.memory_space<vmem>>
        %dma_start3A_616 = arith.constant 0 : i32
        %dma_start3A_617 = tpu.memref_slice %arg5[%add3A_609, %dma_start3A_616] : memref<50x512xi32, #tpu.memory_space<vmem>> -> memref<1x128xi32, #tpu.memory_space<vmem>>
        %dma_start3A_618 = tpu.memref_squeeze %dma_start3A_617 : memref<1x128xi32, #tpu.memory_space<vmem>> -> memref<128xi32, #tpu.memory_space<vmem>>
        %dma_start3A_619 = arith.constant 0 : i32
        %dma_start3A_620 = arith.constant 0 : i32
        %dma_start3A_621 = tpu.memref_slice %arg3[%dma_start3A_619, %dma_start3A_620] : memref<1000000x128xf32, #tpu.memory_space<hbm>> -> memref<1000000x128xf32, #tpu.memory_space<hbm>>
        %dma_start3A_622 = tpu.memref_slice %arg8[%dma_start3A_611] : memref<2x!tpu.dma_semaphore, #tpu.memory_space<semaphore_mem>> -> memref<1x!tpu.dma_semaphore, #tpu.memory_space<semaphore_mem>>
        %dma_start3A_623 = tpu.memref_squeeze %dma_start3A_622 : memref<1x!tpu.dma_semaphore, #tpu.memory_space<semaphore_mem>> -> memref<!tpu.dma_semaphore, #tpu.memory_space<semaphore_mem>>
        tpu.enqueue_indirect_dma source(%dma_start3A_621 : memref<1000000x128xf32, #tpu.memory_space<hbm>>) target(%dma_start3A_615 : memref<128x128xf32, #tpu.memory_space<vmem>>) offsets(%dma_start3A_618 : memref<128xi32, #tpu.memory_space<vmem>>) semaphore(%dma_start3A_623 : memref<!tpu.dma_semaphore, #tpu.memory_space<semaphore_mem>>)
      } else {
      }
      %dma_wait3A_577 = arith.constant 1 : i32
      %dma_wait3A_578 = arith.constant 1 : i32
      %dma_wait3A_579 = arith.constant 0 : i32
      %dma_wait3A_580 = arith.constant 0 : i32
      %dma_wait3A_581 = tpu.memref_slice %arg6[%dma_wait3A_577, %dma_wait3A_579, %dma_wait3A_580] : memref<2x128x128xf32, #tpu.memory_space<vmem>> -> memref<1x128x128xf32, #tpu.memory_space<vmem>>
      %dma_wait3A_582 = tpu.memref_squeeze %dma_wait3A_581 : memref<1x128x128xf32, #tpu.memory_space<vmem>> -> memref<128x128xf32, #tpu.memory_space<vmem>>
      %dma_wait3A_583 = arith.constant 384 : i32
      %dma_wait3A_584 = tpu.memref_slice %arg5[%scan3A_462, %dma_wait3A_583] : memref<50x512xi32, #tpu.memory_space<vmem>> -> memref<1x128xi32, #tpu.memory_space<vmem>>
      %dma_wait3A_585 = tpu.memref_squeeze %dma_wait3A_584 : memref<1x128xi32, #tpu.memory_space<vmem>> -> memref<128xi32, #tpu.memory_space<vmem>>
      %dma_wait3A_586 = arith.constant 0 : i32
      %dma_wait3A_587 = arith.constant 0 : i32
      %dma_wait3A_588 = tpu.memref_slice %arg3[%dma_wait3A_586, %dma_wait3A_587] : memref<1000000x128xf32, #tpu.memory_space<hbm>> -> memref<1000000x128xf32, #tpu.memory_space<hbm>>
      %dma_wait3A_589 = tpu.memref_slice %arg8[%dma_wait3A_578] : memref<2x!tpu.dma_semaphore, #tpu.memory_space<semaphore_mem>> -> memref<1x!tpu.dma_semaphore, #tpu.memory_space<semaphore_mem>>
      %dma_wait3A_590 = tpu.memref_squeeze %dma_wait3A_589 : memref<1x!tpu.dma_semaphore, #tpu.memory_space<semaphore_mem>> -> memref<!tpu.dma_semaphore, #tpu.memory_space<semaphore_mem>>
      tpu.wait_indirect_dma semaphore(%dma_wait3A_590 : memref<!tpu.dma_semaphore, #tpu.memory_space<semaphore_mem>>) src(%dma_wait3A_588 : memref<1000000x128xf32, #tpu.memory_space<hbm>>) dst(%dma_wait3A_582 : memref<128x128xf32, #tpu.memory_space<vmem>>)
      %parallel_loop3A_591 = arith.constant 0 : i32
      %parallel_loop3A_592 = arith.constant 128 : i32
      %parallel_loop3A_593 = arith.constant 1 : i32
      %parallel_loop3A_594 = arith.constant 1 : i32
      scf.for %parallel_loop3A_608 = %parallel_loop3A_591 to %parallel_loop3A_592 step %parallel_loop3A_593  : i32 {
        %parallel_loop3A_609 = arith.constant 3072 : i32
        %parallel_loop3A_610 = arith.addi %parallel_loop3A_609, %parallel_loop3A_608 : i32
        %parallel_loop3A_611 = vector.broadcast %parallel_loop3A_610 : i32 to vector<16xi32>
        %parallel_loop3A_612 = arith.constant 0 : i32
        %parallel_loop3A_613 = arith.constant 0 : i32
        %parallel_loop3A_614 = tpu.memref_slice %arg6[%parallel_loop3A_594, %parallel_loop3A_612, %parallel_loop3A_613] : memref<2x128x128xf32, #tpu.memory_space<vmem>> -> memref<1x128x128xf32, #tpu.memory_space<vmem>>
        %parallel_loop3A_615 = tpu.memref_squeeze %parallel_loop3A_614 : memref<1x128x128xf32, #tpu.memory_space<vmem>> -> memref<128x128xf32, #tpu.memory_space<vmem>>
        %parallel_loop3A_616 = arith.index_cast %parallel_loop3A_608 : i32 to index
        %parallel_loop3A_617 = arith.constant 0 : index
        %parallel_loop3A_618 = tpu.vector_load %parallel_loop3A_615[%parallel_loop3A_616, %parallel_loop3A_617] {strides = array<i32>} : memref<128x128xf32, #tpu.memory_space<vmem>>, vector<16xf32>,
        %parallel_loop3A_619 = arith.addi %add3A_55, %parallel_loop3A_611 : vector<16xi32>
        %parallel_loop3A_620 = arith.constant 8.000000e+00 : f32
        %parallel_loop3A_621 = vector.broadcast %parallel_loop3A_620 : f32 to vector<16xf32>
        %parallel_loop3A_622 = arith.mulf %parallel_loop3A_618, %parallel_loop3A_621 : vector<16xf32>
        %parallel_loop3A_623 = arith.constant 0 : i32
        %parallel_loop3A_624 = tpu.memref_slice %arg7[%select_n3A_478, %parallel_loop3A_623] : memref<2x32768xf32, #tpu.memory_space<vmem>> -> memref<1x32768xf32, #tpu.memory_space<vmem>>
        %parallel_loop3A_625 = tpu.memref_squeeze %parallel_loop3A_624 : memref<1x32768xf32, #tpu.memory_space<vmem>> -> memref<32768xf32, #tpu.memory_space<vmem>>
        tpu.vector_store_idx %parallel_loop3A_625[%parallel_loop3A_619], %parallel_loop3A_622 : memref<32768xf32, #tpu.memory_space<vmem>>[vector<16xi32>], vector<16xf32>,
        %parallel_loop3A_626 = arith.constant 0 : i32
        %parallel_loop3A_627 = arith.constant 0 : i32
        %parallel_loop3A_628 = tpu.memref_slice %arg6[%parallel_loop3A_594, %parallel_loop3A_626, %parallel_loop3A_627] : memref<2x128x128xf32, #tpu.memory_space<vmem>> -> memref<1x128x128xf32, #tpu.memory_space<vmem>>
        %parallel_loop3A_629 = tpu.memref_squeeze %parallel_loop3A_628 : memref<1x128x128xf32, #tpu.memory_space<vmem>> -> memref<128x128xf32, #tpu.memory_space<vmem>>
        %parallel_loop3A_630 = arith.index_cast %parallel_loop3A_608 : i32 to index
        %parallel_loop3A_631 = arith.constant 16 : index
        %parallel_loop3A_632 = tpu.vector_load %parallel_loop3A_629[%parallel_loop3A_630, %parallel_loop3A_631] {strides = array<i32>} : memref<128x128xf32, #tpu.memory_space<vmem>>, vector<16xf32>,
        %parallel_loop3A_633 = arith.addi %add3A_118, %parallel_loop3A_611 : vector<16xi32>
        %parallel_loop3A_634 = arith.constant 8.000000e+00 : f32
        %parallel_loop3A_635 = vector.broadcast %parallel_loop3A_634 : f32 to vector<16xf32>
        %parallel_loop3A_636 = arith.mulf %parallel_loop3A_632, %parallel_loop3A_635 : vector<16xf32>
        %parallel_loop3A_637 = arith.constant 0 : i32
        %parallel_loop3A_638 = tpu.memref_slice %arg7[%select_n3A_478, %parallel_loop3A_637] : memref<2x32768xf32, #tpu.memory_space<vmem>> -> memref<1x32768xf32, #tpu.memory_space<vmem>>
        %parallel_loop3A_639 = tpu.memref_squeeze %parallel_loop3A_638 : memref<1x32768xf32, #tpu.memory_space<vmem>> -> memref<32768xf32, #tpu.memory_space<vmem>>
        tpu.vector_store_idx %parallel_loop3A_639[%parallel_loop3A_633], %parallel_loop3A_636 : memref<32768xf32, #tpu.memory_space<vmem>>[vector<16xi32>], vector<16xf32>,
        %parallel_loop3A_640 = arith.constant 0 : i32
        %parallel_loop3A_641 = arith.constant 0 : i32
        %parallel_loop3A_642 = tpu.memref_slice %arg6[%parallel_loop3A_594, %parallel_loop3A_640, %parallel_loop3A_641] : memref<2x128x128xf32, #tpu.memory_space<vmem>> -> memref<1x128x128xf32, #tpu.memory_space<vmem>>
        %parallel_loop3A_643 = tpu.memref_squeeze %parallel_loop3A_642 : memref<1x128x128xf32, #tpu.memory_space<vmem>> -> memref<128x128xf32, #tpu.memory_space<vmem>>
        %parallel_loop3A_644 = arith.index_cast %parallel_loop3A_608 : i32 to index
        %parallel_loop3A_645 = arith.constant 32 : index
        %parallel_loop3A_646 = tpu.vector_load %parallel_loop3A_643[%parallel_loop3A_644, %parallel_loop3A_645] {strides = array<i32>} : memref<128x128xf32, #tpu.memory_space<vmem>>, vector<16xf32>,
        %parallel_loop3A_647 = arith.addi %add3A_181, %parallel_loop3A_611 : vector<16xi32>
        %parallel_loop3A_648 = arith.constant 8.000000e+00 : f32
        %parallel_loop3A_649 = vector.broadcast %parallel_loop3A_648 : f32 to vector<16xf32>
        %parallel_loop3A_650 = arith.mulf %parallel_loop3A_646, %parallel_loop3A_649 : vector<16xf32>
        %parallel_loop3A_651 = arith.constant 0 : i32
        %parallel_loop3A_652 = tpu.memref_slice %arg7[%select_n3A_478, %parallel_loop3A_651] : memref<2x32768xf32, #tpu.memory_space<vmem>> -> memref<1x32768xf32, #tpu.memory_space<vmem>>
        %parallel_loop3A_653 = tpu.memref_squeeze %parallel_loop3A_652 : memref<1x32768xf32, #tpu.memory_space<vmem>> -> memref<32768xf32, #tpu.memory_space<vmem>>
        tpu.vector_store_idx %parallel_loop3A_653[%parallel_loop3A_647], %parallel_loop3A_650 : memref<32768xf32, #tpu.memory_space<vmem>>[vector<16xi32>], vector<16xf32>,
        %parallel_loop3A_654 = arith.constant 0 : i32
        %parallel_loop3A_655 = arith.constant 0 : i32
        %parallel_loop3A_656 = tpu.memref_slice %arg6[%parallel_loop3A_594, %parallel_loop3A_654, %parallel_loop3A_655] : memref<2x128x128xf32, #tpu.memory_space<vmem>> -> memref<1x128x128xf32, #tpu.memory_space<vmem>>
        %parallel_loop3A_657 = tpu.memref_squeeze %parallel_loop3A_656 : memref<1x128x128xf32, #tpu.memory_space<vmem>> -> memref<128x128xf32, #tpu.memory_space<vmem>>
        %parallel_loop3A_658 = arith.index_cast %parallel_loop3A_608 : i32 to index
        %parallel_loop3A_659 = arith.constant 48 : index
        %parallel_loop3A_660 = tpu.vector_load %parallel_loop3A_657[%parallel_loop3A_658, %parallel_loop3A_659] {strides = array<i32>} : memref<128x128xf32, #tpu.memory_space<vmem>>, vector<16xf32>,
        %parallel_loop3A_661 = arith.addi %add3A_244, %parallel_loop3A_611 : vector<16xi32>
        %parallel_loop3A_662 = arith.constant 8.000000e+00 : f32
        %parallel_loop3A_663 = vector.broadcast %parallel_loop3A_662 : f32 to vector<16xf32>
        %parallel_loop3A_664 = arith.mulf %parallel_loop3A_660, %parallel_loop3A_663 : vector<16xf32>
        %parallel_loop3A_665 = arith.constant 0 : i32
        %parallel_loop3A_666 = tpu.memref_slice %arg7[%select_n3A_478, %parallel_loop3A_665] : memref<2x32768xf32, #tpu.memory_space<vmem>> -> memref<1x32768xf32, #tpu.memory_space<vmem>>
        %parallel_loop3A_667 = tpu.memref_squeeze %parallel_loop3A_666 : memref<1x32768xf32, #tpu.memory_space<vmem>> -> memref<32768xf32, #tpu.memory_space<vmem>>
        tpu.vector_store_idx %parallel_loop3A_667[%parallel_loop3A_661], %parallel_loop3A_664 : memref<32768xf32, #tpu.memory_space<vmem>>[vector<16xi32>], vector<16xf32>,
      } {sc.loop_unroll_factor = 4 : i64, sc.parallel_access}
      %lt3A_595 = arith.constant 49 : i32
      %lt3A_596 = arith.cmpi slt, %scan3A_462, %lt3A_595 : i32
      %convert_element_type3A_597 = arith.extui %lt3A_596 : i1 to i32
      %cond3A_598 = arith.constant 0 : i32
      %cond3A_599 = arith.cmpi ne, %convert_element_type3A_597, %cond3A_598 : i32
      scf.if %cond3A_599 {
        %add3A_608 = arith.constant 1 : i32
        %add3A_609 = arith.addi %scan3A_462, %add3A_608 : i32
        %dma_start3A_610 = arith.constant 1 : i32
        %dma_start3A_611 = arith.constant 1 : i32
        %dma_start3A_612 = arith.constant 0 : i32
        %dma_start3A_613 = arith.constant 0 : i32
        %dma_start3A_614 = tpu.memref_slice %arg6[%dma_start3A_610, %dma_start3A_612, %dma_start3A_613] : memref<2x128x128xf32, #tpu.memory_space<vmem>> -> memref<1x128x128xf32, #tpu.memory_space<vmem>>
        %dma_start3A_615 = tpu.memref_squeeze %dma_start3A_614 : memref<1x128x128xf32, #tpu.memory_space<vmem>> -> memref<128x128xf32, #tpu.memory_space<vmem>>
        %dma_start3A_616 = arith.constant 128 : i32
        %dma_start3A_617 = tpu.memref_slice %arg5[%add3A_609, %dma_start3A_616] : memref<50x512xi32, #tpu.memory_space<vmem>> -> memref<1x128xi32, #tpu.memory_space<vmem>>
        %dma_start3A_618 = tpu.memref_squeeze %dma_start3A_617 : memref<1x128xi32, #tpu.memory_space<vmem>> -> memref<128xi32, #tpu.memory_space<vmem>>
        %dma_start3A_619 = arith.constant 0 : i32
        %dma_start3A_620 = arith.constant 0 : i32
        %dma_start3A_621 = tpu.memref_slice %arg3[%dma_start3A_619, %dma_start3A_620] : memref<1000000x128xf32, #tpu.memory_space<hbm>> -> memref<1000000x128xf32, #tpu.memory_space<hbm>>
        %dma_start3A_622 = tpu.memref_slice %arg8[%dma_start3A_611] : memref<2x!tpu.dma_semaphore, #tpu.memory_space<semaphore_mem>> -> memref<1x!tpu.dma_semaphore, #tpu.memory_space<semaphore_mem>>
        %dma_start3A_623 = tpu.memref_squeeze %dma_start3A_622 : memref<1x!tpu.dma_semaphore, #tpu.memory_space<semaphore_mem>> -> memref<!tpu.dma_semaphore, #tpu.memory_space<semaphore_mem>>
        tpu.enqueue_indirect_dma source(%dma_start3A_621 : memref<1000000x128xf32, #tpu.memory_space<hbm>>) target(%dma_start3A_615 : memref<128x128xf32, #tpu.memory_space<vmem>>) offsets(%dma_start3A_618 : memref<128xi32, #tpu.memory_space<vmem>>) semaphore(%dma_start3A_623 : memref<!tpu.dma_semaphore, #tpu.memory_space<semaphore_mem>>)
      } else {
      }
      %convert_element_type3A_600 = arith.extui %eq3A_480 : i1 to i32
      %cond3A_601 = arith.constant 0 : i32
      %cond3A_602 = arith.cmpi ne, %convert_element_type3A_600, %cond3A_601 : i32
      scf.if %cond3A_602 {
        %mul3A_608 = arith.constant 1048576 : i32
        %mul3A_609 = arith.muli %scan3A_462, %mul3A_608 : i32
        %mul3A_610 = arith.constant 4096 : i32
        %mul3A_611 = arith.muli %add3A, %mul3A_610 : i32
        %add3A_612 = arith.addi %mul3A_609, %mul3A_611 : i32
        %add3A_613 = arith.constant 0 : i32
        %add3A_614 = arith.addi %add3A_612, %add3A_613 : i32
        %dma_start3A_615 = arith.constant 0 : i32
        %dma_start3A_616 = arith.constant 0 : i32
        %dma_start3A_617 = tpu.memref_slice %arg7[%dma_start3A_615, %dma_start3A_616] : memref<2x32768xf32, #tpu.memory_space<vmem>> -> memref<1x4096xf32, #tpu.memory_space<vmem>>
        %dma_start3A_618 = tpu.memref_squeeze %dma_start3A_617 : memref<1x4096xf32, #tpu.memory_space<vmem>> -> memref<4096xf32, #tpu.memory_space<vmem>>
        %dma_start3A_619 = tpu.memref_slice %arg4[%add3A_614] : memref<52428800xf32, #tpu.memory_space<hbm>> -> memref<4096xf32, #tpu.memory_space<hbm>>
        %dma_start3A_620 = tpu.memref_slice %arg4[%add3A_614] : memref<52428800xf32, #tpu.memory_space<hbm>> -> memref<4096xf32, #tpu.memory_space<hbm>>
        %dma_start3A_621 = arith.constant 0 : i32
        %dma_start3A_622 = tpu.memref_slice %arg7[%dma_start3A_615, %dma_start3A_621] : memref<2x32768xf32, #tpu.memory_space<vmem>> -> memref<1x4096xf32, #tpu.memory_space<vmem>>
        %dma_start3A_623 = tpu.memref_squeeze %dma_start3A_622 : memref<1x4096xf32, #tpu.memory_space<vmem>> -> memref<4096xf32, #tpu.memory_space<vmem>>
        tpu.enqueue_dma source(%dma_start3A_623 : memref<4096xf32, #tpu.memory_space<vmem>>) target(%dma_start3A_620 : memref<4096xf32, #tpu.memory_space<hbm>>) target_semaphore(%arg9 : memref<!tpu.dma_semaphore, #tpu.memory_space<semaphore_mem>>)
        %add3A_624 = arith.constant 131072 : i32
        %add3A_625 = arith.addi %add3A_612, %add3A_624 : i32
        %dma_start3A_626 = arith.constant 0 : i32
        %dma_start3A_627 = arith.constant 4096 : i32
        %dma_start3A_628 = tpu.memref_slice %arg7[%dma_start3A_626, %dma_start3A_627] : memref<2x32768xf32, #tpu.memory_space<vmem>> -> memref<1x4096xf32, #tpu.memory_space<vmem>>
        %dma_start3A_629 = tpu.memref_squeeze %dma_start3A_628 : memref<1x4096xf32, #tpu.memory_space<vmem>> -> memref<4096xf32, #tpu.memory_space<vmem>>
        %dma_start3A_630 = tpu.memref_slice %arg4[%add3A_625] : memref<52428800xf32, #tpu.memory_space<hbm>> -> memref<4096xf32, #tpu.memory_space<hbm>>
        %dma_start3A_631 = tpu.memref_slice %arg4[%add3A_625] : memref<52428800xf32, #tpu.memory_space<hbm>> -> memref<4096xf32, #tpu.memory_space<hbm>>
        %dma_start3A_632 = arith.constant 4096 : i32
        %dma_start3A_633 = tpu.memref_slice %arg7[%dma_start3A_626, %dma_start3A_632] : memref<2x32768xf32, #tpu.memory_space<vmem>> -> memref<1x4096xf32, #tpu.memory_space<vmem>>
        %dma_start3A_634 = tpu.memref_squeeze %dma_start3A_633 : memref<1x4096xf32, #tpu.memory_space<vmem>> -> memref<4096xf32, #tpu.memory_space<vmem>>
        tpu.enqueue_dma source(%dma_start3A_634 : memref<4096xf32, #tpu.memory_space<vmem>>) target(%dma_start3A_631 : memref<4096xf32, #tpu.memory_space<hbm>>) target_semaphore(%arg9 : memref<!tpu.dma_semaphore, #tpu.memory_space<semaphore_mem>>)
        %add3A_635 = arith.constant 262144 : i32
        %add3A_636 = arith.addi %add3A_612, %add3A_635 : i32
        %dma_start3A_637 = arith.constant 0 : i32
        %dma_start3A_638 = arith.constant 8192 : i32
        %dma_start3A_639 = tpu.memref_slice %arg7[%dma_start3A_637, %dma_start3A_638] : memref<2x32768xf32, #tpu.memory_space<vmem>> -> memref<1x4096xf32, #tpu.memory_space<vmem>>
        %dma_start3A_640 = tpu.memref_squeeze %dma_start3A_639 : memref<1x4096xf32, #tpu.memory_space<vmem>> -> memref<4096xf32, #tpu.memory_space<vmem>>
        %dma_start3A_641 = tpu.memref_slice %arg4[%add3A_636] : memref<52428800xf32, #tpu.memory_space<hbm>> -> memref<4096xf32, #tpu.memory_space<hbm>>
        %dma_start3A_642 = tpu.memref_slice %arg4[%add3A_636] : memref<52428800xf32, #tpu.memory_space<hbm>> -> memref<4096xf32, #tpu.memory_space<hbm>>
        %dma_start3A_643 = arith.constant 8192 : i32
        %dma_start3A_644 = tpu.memref_slice %arg7[%dma_start3A_637, %dma_start3A_643] : memref<2x32768xf32, #tpu.memory_space<vmem>> -> memref<1x4096xf32, #tpu.memory_space<vmem>>
        %dma_start3A_645 = tpu.memref_squeeze %dma_start3A_644 : memref<1x4096xf32, #tpu.memory_space<vmem>> -> memref<4096xf32, #tpu.memory_space<vmem>>
        tpu.enqueue_dma source(%dma_start3A_645 : memref<4096xf32, #tpu.memory_space<vmem>>) target(%dma_start3A_642 : memref<4096xf32, #tpu.memory_space<hbm>>) target_semaphore(%arg9 : memref<!tpu.dma_semaphore, #tpu.memory_space<semaphore_mem>>)
        %add3A_646 = arith.constant 393216 : i32
        %add3A_647 = arith.addi %add3A_612, %add3A_646 : i32
        %dma_start3A_648 = arith.constant 0 : i32
        %dma_start3A_649 = arith.constant 12288 : i32
        %dma_start3A_650 = tpu.memref_slice %arg7[%dma_start3A_648, %dma_start3A_649] : memref<2x32768xf32, #tpu.memory_space<vmem>> -> memref<1x4096xf32, #tpu.memory_space<vmem>>
        %dma_start3A_651 = tpu.memref_squeeze %dma_start3A_650 : memref<1x4096xf32, #tpu.memory_space<vmem>> -> memref<4096xf32, #tpu.memory_space<vmem>>
        %dma_start3A_652 = tpu.memref_slice %arg4[%add3A_647] : memref<52428800xf32, #tpu.memory_space<hbm>> -> memref<4096xf32, #tpu.memory_space<hbm>>
        %dma_start3A_653 = tpu.memref_slice %arg4[%add3A_647] : memref<52428800xf32, #tpu.memory_space<hbm>> -> memref<4096xf32, #tpu.memory_space<hbm>>
        %dma_start3A_654 = arith.constant 12288 : i32
        %dma_start3A_655 = tpu.memref_slice %arg7[%dma_start3A_648, %dma_start3A_654] : memref<2x32768xf32, #tpu.memory_space<vmem>> -> memref<1x4096xf32, #tpu.memory_space<vmem>>
        %dma_start3A_656 = tpu.memref_squeeze %dma_start3A_655 : memref<1x4096xf32, #tpu.memory_space<vmem>> -> memref<4096xf32, #tpu.memory_space<vmem>>
        tpu.enqueue_dma source(%dma_start3A_656 : memref<4096xf32, #tpu.memory_space<vmem>>) target(%dma_start3A_653 : memref<4096xf32, #tpu.memory_space<hbm>>) target_semaphore(%arg9 : memref<!tpu.dma_semaphore, #tpu.memory_space<semaphore_mem>>)
        %add3A_657 = arith.constant 524288 : i32
        %add3A_658 = arith.addi %add3A_612, %add3A_657 : i32
        %dma_start3A_659 = arith.constant 0 : i32
        %dma_start3A_660 = arith.constant 16384 : i32
        %dma_start3A_661 = tpu.memref_slice %arg7[%dma_start3A_659, %dma_start3A_660] : memref<2x32768xf32, #tpu.memory_space<vmem>> -> memref<1x4096xf32, #tpu.memory_space<vmem>>
        %dma_start3A_662 = tpu.memref_squeeze %dma_start3A_661 : memref<1x4096xf32, #tpu.memory_space<vmem>> -> memref<4096xf32, #tpu.memory_space<vmem>>
        %dma_start3A_663 = tpu.memref_slice %arg4[%add3A_658] : memref<52428800xf32, #tpu.memory_space<hbm>> -> memref<4096xf32, #tpu.memory_space<hbm>>
        %dma_start3A_664 = tpu.memref_slice %arg4[%add3A_658] : memref<52428800xf32, #tpu.memory_space<hbm>> -> memref<4096xf32, #tpu.memory_space<hbm>>
        %dma_start3A_665 = arith.constant 16384 : i32
        %dma_start3A_666 = tpu.memref_slice %arg7[%dma_start3A_659, %dma_start3A_665] : memref<2x32768xf32, #tpu.memory_space<vmem>> -> memref<1x4096xf32, #tpu.memory_space<vmem>>
        %dma_start3A_667 = tpu.memref_squeeze %dma_start3A_666 : memref<1x4096xf32, #tpu.memory_space<vmem>> -> memref<4096xf32, #tpu.memory_space<vmem>>
        tpu.enqueue_dma source(%dma_start3A_667 : memref<4096xf32, #tpu.memory_space<vmem>>) target(%dma_start3A_664 : memref<4096xf32, #tpu.memory_space<hbm>>) target_semaphore(%arg9 : memref<!tpu.dma_semaphore, #tpu.memory_space<semaphore_mem>>)
        %add3A_668 = arith.constant 655360 : i32
        %add3A_669 = arith.addi %add3A_612, %add3A_668 : i32
        %dma_start3A_670 = arith.constant 0 : i32
        %dma_start3A_671 = arith.constant 20480 : i32
        %dma_start3A_672 = tpu.memref_slice %arg7[%dma_start3A_670, %dma_start3A_671] : memref<2x32768xf32, #tpu.memory_space<vmem>> -> memref<1x4096xf32, #tpu.memory_space<vmem>>
        %dma_start3A_673 = tpu.memref_squeeze %dma_start3A_672 : memref<1x4096xf32, #tpu.memory_space<vmem>> -> memref<4096xf32, #tpu.memory_space<vmem>>
        %dma_start3A_674 = tpu.memref_slice %arg4[%add3A_669] : memref<52428800xf32, #tpu.memory_space<hbm>> -> memref<4096xf32, #tpu.memory_space<hbm>>
        %dma_start3A_675 = tpu.memref_slice %arg4[%add3A_669] : memref<52428800xf32, #tpu.memory_space<hbm>> -> memref<4096xf32, #tpu.memory_space<hbm>>
        %dma_start3A_676 = arith.constant 20480 : i32
        %dma_start3A_677 = tpu.memref_slice %arg7[%dma_start3A_670, %dma_start3A_676] : memref<2x32768xf32, #tpu.memory_space<vmem>> -> memref<1x4096xf32, #tpu.memory_space<vmem>>
        %dma_start3A_678 = tpu.memref_squeeze %dma_start3A_677 : memref<1x4096xf32, #tpu.memory_space<vmem>> -> memref<4096xf32, #tpu.memory_space<vmem>>
        tpu.enqueue_dma source(%dma_start3A_678 : memref<4096xf32, #tpu.memory_space<vmem>>) target(%dma_start3A_675 : memref<4096xf32, #tpu.memory_space<hbm>>) target_semaphore(%arg9 : memref<!tpu.dma_semaphore, #tpu.memory_space<semaphore_mem>>)
        %add3A_679 = arith.constant 786432 : i32
        %add3A_680 = arith.addi %add3A_612, %add3A_679 : i32
        %dma_start3A_681 = arith.constant 0 : i32
        %dma_start3A_682 = arith.constant 24576 : i32
        %dma_start3A_683 = tpu.memref_slice %arg7[%dma_start3A_681, %dma_start3A_682] : memref<2x32768xf32, #tpu.memory_space<vmem>> -> memref<1x4096xf32, #tpu.memory_space<vmem>>
        %dma_start3A_684 = tpu.memref_squeeze %dma_start3A_683 : memref<1x4096xf32, #tpu.memory_space<vmem>> -> memref<4096xf32, #tpu.memory_space<vmem>>
        %dma_start3A_685 = tpu.memref_slice %arg4[%add3A_680] : memref<52428800xf32, #tpu.memory_space<hbm>> -> memref<4096xf32, #tpu.memory_space<hbm>>
        %dma_start3A_686 = tpu.memref_slice %arg4[%add3A_680] : memref<52428800xf32, #tpu.memory_space<hbm>> -> memref<4096xf32, #tpu.memory_space<hbm>>
        %dma_start3A_687 = arith.constant 24576 : i32
        %dma_start3A_688 = tpu.memref_slice %arg7[%dma_start3A_681, %dma_start3A_687] : memref<2x32768xf32, #tpu.memory_space<vmem>> -> memref<1x4096xf32, #tpu.memory_space<vmem>>
        %dma_start3A_689 = tpu.memref_squeeze %dma_start3A_688 : memref<1x4096xf32, #tpu.memory_space<vmem>> -> memref<4096xf32, #tpu.memory_space<vmem>>
        tpu.enqueue_dma source(%dma_start3A_689 : memref<4096xf32, #tpu.memory_space<vmem>>) target(%dma_start3A_686 : memref<4096xf32, #tpu.memory_space<hbm>>) target_semaphore(%arg9 : memref<!tpu.dma_semaphore, #tpu.memory_space<semaphore_mem>>)
        %add3A_690 = arith.constant 917504 : i32
        %add3A_691 = arith.addi %add3A_612, %add3A_690 : i32
        %dma_start3A_692 = arith.constant 0 : i32
        %dma_start3A_693 = arith.constant 28672 : i32
        %dma_start3A_694 = tpu.memref_slice %arg7[%dma_start3A_692, %dma_start3A_693] : memref<2x32768xf32, #tpu.memory_space<vmem>> -> memref<1x4096xf32, #tpu.memory_space<vmem>>
        %dma_start3A_695 = tpu.memref_squeeze %dma_start3A_694 : memref<1x4096xf32, #tpu.memory_space<vmem>> -> memref<4096xf32, #tpu.memory_space<vmem>>
        %dma_start3A_696 = tpu.memref_slice %arg4[%add3A_691] : memref<52428800xf32, #tpu.memory_space<hbm>> -> memref<4096xf32, #tpu.memory_space<hbm>>
        %dma_start3A_697 = tpu.memref_slice %arg4[%add3A_691] : memref<52428800xf32, #tpu.memory_space<hbm>> -> memref<4096xf32, #tpu.memory_space<hbm>>
        %dma_start3A_698 = arith.constant 28672 : i32
        %dma_start3A_699 = tpu.memref_slice %arg7[%dma_start3A_692, %dma_start3A_698] : memref<2x32768xf32, #tpu.memory_space<vmem>> -> memref<1x4096xf32, #tpu.memory_space<vmem>>
        %dma_start3A_700 = tpu.memref_squeeze %dma_start3A_699 : memref<1x4096xf32, #tpu.memory_space<vmem>> -> memref<4096xf32, #tpu.memory_space<vmem>>
        tpu.enqueue_dma source(%dma_start3A_700 : memref<4096xf32, #tpu.memory_space<vmem>>) target(%dma_start3A_697 : memref<4096xf32, #tpu.memory_space<hbm>>) target_semaphore(%arg9 : memref<!tpu.dma_semaphore, #tpu.memory_space<semaphore_mem>>)
      } else {
      }
      %not3A_603 = arith.constant true
      %not3A_604 = arith.xori %eq3A_480, %not3A_603 : i1
      %convert_element_type3A_605 = arith.extui %not3A_604 : i1 to i32
      %cond3A_606 = arith.constant 0 : i32
      %cond3A_607 = arith.cmpi ne, %convert_element_type3A_605, %cond3A_606 : i32
      scf.if %cond3A_607 {
        %mul3A_608 = arith.constant 1048576 : i32
        %mul3A_609 = arith.muli %scan3A_462, %mul3A_608 : i32
        %mul3A_610 = arith.constant 4096 : i32
        %mul3A_611 = arith.muli %add3A, %mul3A_610 : i32
        %add3A_612 = arith.addi %mul3A_609, %mul3A_611 : i32
        %add3A_613 = arith.constant 0 : i32
        %add3A_614 = arith.addi %add3A_612, %add3A_613 : i32
        %dma_start3A_615 = arith.constant 1 : i32
        %dma_start3A_616 = arith.constant 0 : i32
        %dma_start3A_617 = tpu.memref_slice %arg7[%dma_start3A_615, %dma_start3A_616] : memref<2x32768xf32, #tpu.memory_space<vmem>> -> memref<1x4096xf32, #tpu.memory_space<vmem>>
        %dma_start3A_618 = tpu.memref_squeeze %dma_start3A_617 : memref<1x4096xf32, #tpu.memory_space<vmem>> -> memref<4096xf32, #tpu.memory_space<vmem>>
        %dma_start3A_619 = tpu.memref_slice %arg4[%add3A_614] : memref<52428800xf32, #tpu.memory_space<hbm>> -> memref<4096xf32, #tpu.memory_space<hbm>>
        %dma_start3A_620 = tpu.memref_slice %arg4[%add3A_614] : memref<52428800xf32, #tpu.memory_space<hbm>> -> memref<4096xf32, #tpu.memory_space<hbm>>
        %dma_start3A_621 = arith.constant 0 : i32
        %dma_start3A_622 = tpu.memref_slice %arg7[%dma_start3A_615, %dma_start3A_621] : memref<2x32768xf32, #tpu.memory_space<vmem>> -> memref<1x4096xf32, #tpu.memory_space<vmem>>
        %dma_start3A_623 = tpu.memref_squeeze %dma_start3A_622 : memref<1x4096xf32, #tpu.memory_space<vmem>> -> memref<4096xf32, #tpu.memory_space<vmem>>
        tpu.enqueue_dma source(%dma_start3A_623 : memref<4096xf32, #tpu.memory_space<vmem>>) target(%dma_start3A_620 : memref<4096xf32, #tpu.memory_space<hbm>>) target_semaphore(%arg10 : memref<!tpu.dma_semaphore, #tpu.memory_space<semaphore_mem>>)
        %add3A_624 = arith.constant 131072 : i32
        %add3A_625 = arith.addi %add3A_612, %add3A_624 : i32
        %dma_start3A_626 = arith.constant 1 : i32
        %dma_start3A_627 = arith.constant 4096 : i32
        %dma_start3A_628 = tpu.memref_slice %arg7[%dma_start3A_626, %dma_start3A_627] : memref<2x32768xf32, #tpu.memory_space<vmem>> -> memref<1x4096xf32, #tpu.memory_space<vmem>>
        %dma_start3A_629 = tpu.memref_squeeze %dma_start3A_628 : memref<1x4096xf32, #tpu.memory_space<vmem>> -> memref<4096xf32, #tpu.memory_space<vmem>>
        %dma_start3A_630 = tpu.memref_slice %arg4[%add3A_625] : memref<52428800xf32, #tpu.memory_space<hbm>> -> memref<4096xf32, #tpu.memory_space<hbm>>
        %dma_start3A_631 = tpu.memref_slice %arg4[%add3A_625] : memref<52428800xf32, #tpu.memory_space<hbm>> -> memref<4096xf32, #tpu.memory_space<hbm>>
        %dma_start3A_632 = arith.constant 4096 : i32
        %dma_start3A_633 = tpu.memref_slice %arg7[%dma_start3A_626, %dma_start3A_632] : memref<2x32768xf32, #tpu.memory_space<vmem>> -> memref<1x4096xf32, #tpu.memory_space<vmem>>
        %dma_start3A_634 = tpu.memref_squeeze %dma_start3A_633 : memref<1x4096xf32, #tpu.memory_space<vmem>> -> memref<4096xf32, #tpu.memory_space<vmem>>
        tpu.enqueue_dma source(%dma_start3A_634 : memref<4096xf32, #tpu.memory_space<vmem>>) target(%dma_start3A_631 : memref<4096xf32, #tpu.memory_space<hbm>>) target_semaphore(%arg10 : memref<!tpu.dma_semaphore, #tpu.memory_space<semaphore_mem>>)
        %add3A_635 = arith.constant 262144 : i32
        %add3A_636 = arith.addi %add3A_612, %add3A_635 : i32
        %dma_start3A_637 = arith.constant 1 : i32
        %dma_start3A_638 = arith.constant 8192 : i32
        %dma_start3A_639 = tpu.memref_slice %arg7[%dma_start3A_637, %dma_start3A_638] : memref<2x32768xf32, #tpu.memory_space<vmem>> -> memref<1x4096xf32, #tpu.memory_space<vmem>>
        %dma_start3A_640 = tpu.memref_squeeze %dma_start3A_639 : memref<1x4096xf32, #tpu.memory_space<vmem>> -> memref<4096xf32, #tpu.memory_space<vmem>>
        %dma_start3A_641 = tpu.memref_slice %arg4[%add3A_636] : memref<52428800xf32, #tpu.memory_space<hbm>> -> memref<4096xf32, #tpu.memory_space<hbm>>
        %dma_start3A_642 = tpu.memref_slice %arg4[%add3A_636] : memref<52428800xf32, #tpu.memory_space<hbm>> -> memref<4096xf32, #tpu.memory_space<hbm>>
        %dma_start3A_643 = arith.constant 8192 : i32
        %dma_start3A_644 = tpu.memref_slice %arg7[%dma_start3A_637, %dma_start3A_643] : memref<2x32768xf32, #tpu.memory_space<vmem>> -> memref<1x4096xf32, #tpu.memory_space<vmem>>
        %dma_start3A_645 = tpu.memref_squeeze %dma_start3A_644 : memref<1x4096xf32, #tpu.memory_space<vmem>> -> memref<4096xf32, #tpu.memory_space<vmem>>
        tpu.enqueue_dma source(%dma_start3A_645 : memref<4096xf32, #tpu.memory_space<vmem>>) target(%dma_start3A_642 : memref<4096xf32, #tpu.memory_space<hbm>>) target_semaphore(%arg10 : memref<!tpu.dma_semaphore, #tpu.memory_space<semaphore_mem>>)
        %add3A_646 = arith.constant 393216 : i32
        %add3A_647 = arith.addi %add3A_612, %add3A_646 : i32
        %dma_start3A_648 = arith.constant 1 : i32
        %dma_start3A_649 = arith.constant 12288 : i32
        %dma_start3A_650 = tpu.memref_slice %arg7[%dma_start3A_648, %dma_start3A_649] : memref<2x32768xf32, #tpu.memory_space<vmem>> -> memref<1x4096xf32, #tpu.memory_space<vmem>>
        %dma_start3A_651 = tpu.memref_squeeze %dma_start3A_650 : memref<1x4096xf32, #tpu.memory_space<vmem>> -> memref<4096xf32, #tpu.memory_space<vmem>>
        %dma_start3A_652 = tpu.memref_slice %arg4[%add3A_647] : memref<52428800xf32, #tpu.memory_space<hbm>> -> memref<4096xf32, #tpu.memory_space<hbm>>
        %dma_start3A_653 = tpu.memref_slice %arg4[%add3A_647] : memref<52428800xf32, #tpu.memory_space<hbm>> -> memref<4096xf32, #tpu.memory_space<hbm>>
        %dma_start3A_654 = arith.constant 12288 : i32
        %dma_start3A_655 = tpu.memref_slice %arg7[%dma_start3A_648, %dma_start3A_654] : memref<2x32768xf32, #tpu.memory_space<vmem>> -> memref<1x4096xf32, #tpu.memory_space<vmem>>
        %dma_start3A_656 = tpu.memref_squeeze %dma_start3A_655 : memref<1x4096xf32, #tpu.memory_space<vmem>> -> memref<4096xf32, #tpu.memory_space<vmem>>
        tpu.enqueue_dma source(%dma_start3A_656 : memref<4096xf32, #tpu.memory_space<vmem>>) target(%dma_start3A_653 : memref<4096xf32, #tpu.memory_space<hbm>>) target_semaphore(%arg10 : memref<!tpu.dma_semaphore, #tpu.memory_space<semaphore_mem>>)
        %add3A_657 = arith.constant 524288 : i32
        %add3A_658 = arith.addi %add3A_612, %add3A_657 : i32
        %dma_start3A_659 = arith.constant 1 : i32
        %dma_start3A_660 = arith.constant 16384 : i32
        %dma_start3A_661 = tpu.memref_slice %arg7[%dma_start3A_659, %dma_start3A_660] : memref<2x32768xf32, #tpu.memory_space<vmem>> -> memref<1x4096xf32, #tpu.memory_space<vmem>>
        %dma_start3A_662 = tpu.memref_squeeze %dma_start3A_661 : memref<1x4096xf32, #tpu.memory_space<vmem>> -> memref<4096xf32, #tpu.memory_space<vmem>>
        %dma_start3A_663 = tpu.memref_slice %arg4[%add3A_658] : memref<52428800xf32, #tpu.memory_space<hbm>> -> memref<4096xf32, #tpu.memory_space<hbm>>
        %dma_start3A_664 = tpu.memref_slice %arg4[%add3A_658] : memref<52428800xf32, #tpu.memory_space<hbm>> -> memref<4096xf32, #tpu.memory_space<hbm>>
        %dma_start3A_665 = arith.constant 16384 : i32
        %dma_start3A_666 = tpu.memref_slice %arg7[%dma_start3A_659, %dma_start3A_665] : memref<2x32768xf32, #tpu.memory_space<vmem>> -> memref<1x4096xf32, #tpu.memory_space<vmem>>
        %dma_start3A_667 = tpu.memref_squeeze %dma_start3A_666 : memref<1x4096xf32, #tpu.memory_space<vmem>> -> memref<4096xf32, #tpu.memory_space<vmem>>
        tpu.enqueue_dma source(%dma_start3A_667 : memref<4096xf32, #tpu.memory_space<vmem>>) target(%dma_start3A_664 : memref<4096xf32, #tpu.memory_space<hbm>>) target_semaphore(%arg10 : memref<!tpu.dma_semaphore, #tpu.memory_space<semaphore_mem>>)
        %add3A_668 = arith.constant 655360 : i32
        %add3A_669 = arith.addi %add3A_612, %add3A_668 : i32
        %dma_start3A_670 = arith.constant 1 : i32
        %dma_start3A_671 = arith.constant 20480 : i32
        %dma_start3A_672 = tpu.memref_slice %arg7[%dma_start3A_670, %dma_start3A_671] : memref<2x32768xf32, #tpu.memory_space<vmem>> -> memref<1x4096xf32, #tpu.memory_space<vmem>>
        %dma_start3A_673 = tpu.memref_squeeze %dma_start3A_672 : memref<1x4096xf32, #tpu.memory_space<vmem>> -> memref<4096xf32, #tpu.memory_space<vmem>>
        %dma_start3A_674 = tpu.memref_slice %arg4[%add3A_669] : memref<52428800xf32, #tpu.memory_space<hbm>> -> memref<4096xf32, #tpu.memory_space<hbm>>
        %dma_start3A_675 = tpu.memref_slice %arg4[%add3A_669] : memref<52428800xf32, #tpu.memory_space<hbm>> -> memref<4096xf32, #tpu.memory_space<hbm>>
        %dma_start3A_676 = arith.constant 20480 : i32
        %dma_start3A_677 = tpu.memref_slice %arg7[%dma_start3A_670, %dma_start3A_676] : memref<2x32768xf32, #tpu.memory_space<vmem>> -> memref<1x4096xf32, #tpu.memory_space<vmem>>
        %dma_start3A_678 = tpu.memref_squeeze %dma_start3A_677 : memref<1x4096xf32, #tpu.memory_space<vmem>> -> memref<4096xf32, #tpu.memory_space<vmem>>
        tpu.enqueue_dma source(%dma_start3A_678 : memref<4096xf32, #tpu.memory_space<vmem>>) target(%dma_start3A_675 : memref<4096xf32, #tpu.memory_space<hbm>>) target_semaphore(%arg10 : memref<!tpu.dma_semaphore, #tpu.memory_space<semaphore_mem>>)
        %add3A_679 = arith.constant 786432 : i32
        %add3A_680 = arith.addi %add3A_612, %add3A_679 : i32
        %dma_start3A_681 = arith.constant 1 : i32
        %dma_start3A_682 = arith.constant 24576 : i32
        %dma_start3A_683 = tpu.memref_slice %arg7[%dma_start3A_681, %dma_start3A_682] : memref<2x32768xf32, #tpu.memory_space<vmem>> -> memref<1x4096xf32, #tpu.memory_space<vmem>>
        %dma_start3A_684 = tpu.memref_squeeze %dma_start3A_683 : memref<1x4096xf32, #tpu.memory_space<vmem>> -> memref<4096xf32, #tpu.memory_space<vmem>>
        %dma_start3A_685 = tpu.memref_slice %arg4[%add3A_680] : memref<52428800xf32, #tpu.memory_space<hbm>> -> memref<4096xf32, #tpu.memory_space<hbm>>
        %dma_start3A_686 = tpu.memref_slice %arg4[%add3A_680] : memref<52428800xf32, #tpu.memory_space<hbm>> -> memref<4096xf32, #tpu.memory_space<hbm>>
        %dma_start3A_687 = arith.constant 24576 : i32
        %dma_start3A_688 = tpu.memref_slice %arg7[%dma_start3A_681, %dma_start3A_687] : memref<2x32768xf32, #tpu.memory_space<vmem>> -> memref<1x4096xf32, #tpu.memory_space<vmem>>
        %dma_start3A_689 = tpu.memref_squeeze %dma_start3A_688 : memref<1x4096xf32, #tpu.memory_space<vmem>> -> memref<4096xf32, #tpu.memory_space<vmem>>
        tpu.enqueue_dma source(%dma_start3A_689 : memref<4096xf32, #tpu.memory_space<vmem>>) target(%dma_start3A_686 : memref<4096xf32, #tpu.memory_space<hbm>>) target_semaphore(%arg10 : memref<!tpu.dma_semaphore, #tpu.memory_space<semaphore_mem>>)
        %add3A_690 = arith.constant 917504 : i32
        %add3A_691 = arith.addi %add3A_612, %add3A_690 : i32
        %dma_start3A_692 = arith.constant 1 : i32
        %dma_start3A_693 = arith.constant 28672 : i32
        %dma_start3A_694 = tpu.memref_slice %arg7[%dma_start3A_692, %dma_start3A_693] : memref<2x32768xf32, #tpu.memory_space<vmem>> -> memref<1x4096xf32, #tpu.memory_space<vmem>>
        %dma_start3A_695 = tpu.memref_squeeze %dma_start3A_694 : memref<1x4096xf32, #tpu.memory_space<vmem>> -> memref<4096xf32, #tpu.memory_space<vmem>>
        %dma_start3A_696 = tpu.memref_slice %arg4[%add3A_691] : memref<52428800xf32, #tpu.memory_space<hbm>> -> memref<4096xf32, #tpu.memory_space<hbm>>
        %dma_start3A_697 = tpu.memref_slice %arg4[%add3A_691] : memref<52428800xf32, #tpu.memory_space<hbm>> -> memref<4096xf32, #tpu.memory_space<hbm>>
        %dma_start3A_698 = arith.constant 28672 : i32
        %dma_start3A_699 = tpu.memref_slice %arg7[%dma_start3A_692, %dma_start3A_698] : memref<2x32768xf32, #tpu.memory_space<vmem>> -> memref<1x4096xf32, #tpu.memory_space<vmem>>
        %dma_start3A_700 = tpu.memref_squeeze %dma_start3A_699 : memref<1x4096xf32, #tpu.memory_space<vmem>> -> memref<4096xf32, #tpu.memory_space<vmem>>
        tpu.enqueue_dma source(%dma_start3A_700 : memref<4096xf32, #tpu.memory_space<vmem>>) target(%dma_start3A_697 : memref<4096xf32, #tpu.memory_space<hbm>>) target_semaphore(%arg10 : memref<!tpu.dma_semaphore, #tpu.memory_space<semaphore_mem>>)
      } else {
      }
    }
    %scan3A_278 = arith.constant 50 : i32
    %mul3A_279 = arith.constant 4096 : i32
    %mul3A_280 = arith.muli %add3A, %mul3A_279 : i32
    %add3A_281 = arith.constant 50331648 : i32
    %add3A_282 = arith.addi %add3A_281, %mul3A_280 : i32
    %add3A_283 = arith.constant 0 : i32
    %add3A_284 = arith.addi %add3A_282, %add3A_283 : i32
    %dma_wait3A = arith.constant 0 : i32
    %dma_wait3A_285 = arith.constant 0 : i32
    %dma_wait3A_286 = tpu.memref_slice %arg7[%dma_wait3A, %dma_wait3A_285] : memref<2x32768xf32, #tpu.memory_space<vmem>> -> memref<1x4096xf32, #tpu.memory_space<vmem>>
    %dma_wait3A_287 = tpu.memref_squeeze %dma_wait3A_286 : memref<1x4096xf32, #tpu.memory_space<vmem>> -> memref<4096xf32, #tpu.memory_space<vmem>>
    %dma_wait3A_288 = tpu.memref_slice %arg4[%add3A_284] : memref<52428800xf32, #tpu.memory_space<hbm>> -> memref<4096xf32, #tpu.memory_space<hbm>>
    %dma_wait3A_289 = tpu.memref_slice %arg4[%add3A_284] : memref<52428800xf32, #tpu.memory_space<hbm>> -> memref<4096xf32, #tpu.memory_space<hbm>>
    %dma_wait3A_290 = arith.constant 0 : i32
    %dma_wait3A_291 = tpu.memref_slice %arg7[%dma_wait3A, %dma_wait3A_290] : memref<2x32768xf32, #tpu.memory_space<vmem>> -> memref<1x4096xf32, #tpu.memory_space<vmem>>
    %dma_wait3A_292 = tpu.memref_squeeze %dma_wait3A_291 : memref<1x4096xf32, #tpu.memory_space<vmem>> -> memref<4096xf32, #tpu.memory_space<vmem>>
    tpu.wait_dma2 semaphore(%arg9 : memref<!tpu.dma_semaphore, #tpu.memory_space<semaphore_mem>>) src(%dma_wait3A_292 : memref<4096xf32, #tpu.memory_space<vmem>>) dst(%dma_wait3A_289 : memref<4096xf32, #tpu.memory_space<hbm>>)
    %add3A_293 = arith.constant 131072 : i32
    %add3A_294 = arith.addi %add3A_282, %add3A_293 : i32
    %dma_wait3A_295 = arith.constant 0 : i32
    %dma_wait3A_296 = arith.constant 4096 : i32
    %dma_wait3A_297 = tpu.memref_slice %arg7[%dma_wait3A_295, %dma_wait3A_296] : memref<2x32768xf32, #tpu.memory_space<vmem>> -> memref<1x4096xf32, #tpu.memory_space<vmem>>
    %dma_wait3A_298 = tpu.memref_squeeze %dma_wait3A_297 : memref<1x4096xf32, #tpu.memory_space<vmem>> -> memref<4096xf32, #tpu.memory_space<vmem>>
    %dma_wait3A_299 = tpu.memref_slice %arg4[%add3A_294] : memref<52428800xf32, #tpu.memory_space<hbm>> -> memref<4096xf32, #tpu.memory_space<hbm>>
    %dma_wait3A_300 = tpu.memref_slice %arg4[%add3A_294] : memref<52428800xf32, #tpu.memory_space<hbm>> -> memref<4096xf32, #tpu.memory_space<hbm>>
    %dma_wait3A_301 = arith.constant 4096 : i32
    %dma_wait3A_302 = tpu.memref_slice %arg7[%dma_wait3A_295, %dma_wait3A_301] : memref<2x32768xf32, #tpu.memory_space<vmem>> -> memref<1x4096xf32, #tpu.memory_space<vmem>>
    %dma_wait3A_303 = tpu.memref_squeeze %dma_wait3A_302 : memref<1x4096xf32, #tpu.memory_space<vmem>> -> memref<4096xf32, #tpu.memory_space<vmem>>
    tpu.wait_dma2 semaphore(%arg9 : memref<!tpu.dma_semaphore, #tpu.memory_space<semaphore_mem>>) src(%dma_wait3A_303 : memref<4096xf32, #tpu.memory_space<vmem>>) dst(%dma_wait3A_300 : memref<4096xf32, #tpu.memory_space<hbm>>)
    %add3A_304 = arith.constant 262144 : i32
    %add3A_305 = arith.addi %add3A_282, %add3A_304 : i32
    %dma_wait3A_306 = arith.constant 0 : i32
    %dma_wait3A_307 = arith.constant 8192 : i32
    %dma_wait3A_308 = tpu.memref_slice %arg7[%dma_wait3A_306, %dma_wait3A_307] : memref<2x32768xf32, #tpu.memory_space<vmem>> -> memref<1x4096xf32, #tpu.memory_space<vmem>>
    %dma_wait3A_309 = tpu.memref_squeeze %dma_wait3A_308 : memref<1x4096xf32, #tpu.memory_space<vmem>> -> memref<4096xf32, #tpu.memory_space<vmem>>
    %dma_wait3A_310 = tpu.memref_slice %arg4[%add3A_305] : memref<52428800xf32, #tpu.memory_space<hbm>> -> memref<4096xf32, #tpu.memory_space<hbm>>
    %dma_wait3A_311 = tpu.memref_slice %arg4[%add3A_305] : memref<52428800xf32, #tpu.memory_space<hbm>> -> memref<4096xf32, #tpu.memory_space<hbm>>
    %dma_wait3A_312 = arith.constant 8192 : i32
    %dma_wait3A_313 = tpu.memref_slice %arg7[%dma_wait3A_306, %dma_wait3A_312] : memref<2x32768xf32, #tpu.memory_space<vmem>> -> memref<1x4096xf32, #tpu.memory_space<vmem>>
    %dma_wait3A_314 = tpu.memref_squeeze %dma_wait3A_313 : memref<1x4096xf32, #tpu.memory_space<vmem>> -> memref<4096xf32, #tpu.memory_space<vmem>>
    tpu.wait_dma2 semaphore(%arg9 : memref<!tpu.dma_semaphore, #tpu.memory_space<semaphore_mem>>) src(%dma_wait3A_314 : memref<4096xf32, #tpu.memory_space<vmem>>) dst(%dma_wait3A_311 : memref<4096xf32, #tpu.memory_space<hbm>>)
    %add3A_315 = arith.constant 393216 : i32
    %add3A_316 = arith.addi %add3A_282, %add3A_315 : i32
    %dma_wait3A_317 = arith.constant 0 : i32
    %dma_wait3A_318 = arith.constant 12288 : i32
    %dma_wait3A_319 = tpu.memref_slice %arg7[%dma_wait3A_317, %dma_wait3A_318] : memref<2x32768xf32, #tpu.memory_space<vmem>> -> memref<1x4096xf32, #tpu.memory_space<vmem>>
    %dma_wait3A_320 = tpu.memref_squeeze %dma_wait3A_319 : memref<1x4096xf32, #tpu.memory_space<vmem>> -> memref<4096xf32, #tpu.memory_space<vmem>>
    %dma_wait3A_321 = tpu.memref_slice %arg4[%add3A_316] : memref<52428800xf32, #tpu.memory_space<hbm>> -> memref<4096xf32, #tpu.memory_space<hbm>>
    %dma_wait3A_322 = tpu.memref_slice %arg4[%add3A_316] : memref<52428800xf32, #tpu.memory_space<hbm>> -> memref<4096xf32, #tpu.memory_space<hbm>>
    %dma_wait3A_323 = arith.constant 12288 : i32
    %dma_wait3A_324 = tpu.memref_slice %arg7[%dma_wait3A_317, %dma_wait3A_323] : memref<2x32768xf32, #tpu.memory_space<vmem>> -> memref<1x4096xf32, #tpu.memory_space<vmem>>
    %dma_wait3A_325 = tpu.memref_squeeze %dma_wait3A_324 : memref<1x4096xf32, #tpu.memory_space<vmem>> -> memref<4096xf32, #tpu.memory_space<vmem>>
    tpu.wait_dma2 semaphore(%arg9 : memref<!tpu.dma_semaphore, #tpu.memory_space<semaphore_mem>>) src(%dma_wait3A_325 : memref<4096xf32, #tpu.memory_space<vmem>>) dst(%dma_wait3A_322 : memref<4096xf32, #tpu.memory_space<hbm>>)
    %add3A_326 = arith.constant 524288 : i32
    %add3A_327 = arith.addi %add3A_282, %add3A_326 : i32
    %dma_wait3A_328 = arith.constant 0 : i32
    %dma_wait3A_329 = arith.constant 16384 : i32
    %dma_wait3A_330 = tpu.memref_slice %arg7[%dma_wait3A_328, %dma_wait3A_329] : memref<2x32768xf32, #tpu.memory_space<vmem>> -> memref<1x4096xf32, #tpu.memory_space<vmem>>
    %dma_wait3A_331 = tpu.memref_squeeze %dma_wait3A_330 : memref<1x4096xf32, #tpu.memory_space<vmem>> -> memref<4096xf32, #tpu.memory_space<vmem>>
    %dma_wait3A_332 = tpu.memref_slice %arg4[%add3A_327] : memref<52428800xf32, #tpu.memory_space<hbm>> -> memref<4096xf32, #tpu.memory_space<hbm>>
    %dma_wait3A_333 = tpu.memref_slice %arg4[%add3A_327] : memref<52428800xf32, #tpu.memory_space<hbm>> -> memref<4096xf32, #tpu.memory_space<hbm>>
    %dma_wait3A_334 = arith.constant 16384 : i32
    %dma_wait3A_335 = tpu.memref_slice %arg7[%dma_wait3A_328, %dma_wait3A_334] : memref<2x32768xf32, #tpu.memory_space<vmem>> -> memref<1x4096xf32, #tpu.memory_space<vmem>>
    %dma_wait3A_336 = tpu.memref_squeeze %dma_wait3A_335 : memref<1x4096xf32, #tpu.memory_space<vmem>> -> memref<4096xf32, #tpu.memory_space<vmem>>
    tpu.wait_dma2 semaphore(%arg9 : memref<!tpu.dma_semaphore, #tpu.memory_space<semaphore_mem>>) src(%dma_wait3A_336 : memref<4096xf32, #tpu.memory_space<vmem>>) dst(%dma_wait3A_333 : memref<4096xf32, #tpu.memory_space<hbm>>)
    %add3A_337 = arith.constant 655360 : i32
    %add3A_338 = arith.addi %add3A_282, %add3A_337 : i32
    %dma_wait3A_339 = arith.constant 0 : i32
    %dma_wait3A_340 = arith.constant 20480 : i32
    %dma_wait3A_341 = tpu.memref_slice %arg7[%dma_wait3A_339, %dma_wait3A_340] : memref<2x32768xf32, #tpu.memory_space<vmem>> -> memref<1x4096xf32, #tpu.memory_space<vmem>>
    %dma_wait3A_342 = tpu.memref_squeeze %dma_wait3A_341 : memref<1x4096xf32, #tpu.memory_space<vmem>> -> memref<4096xf32, #tpu.memory_space<vmem>>
    %dma_wait3A_343 = tpu.memref_slice %arg4[%add3A_338] : memref<52428800xf32, #tpu.memory_space<hbm>> -> memref<4096xf32, #tpu.memory_space<hbm>>
    %dma_wait3A_344 = tpu.memref_slice %arg4[%add3A_338] : memref<52428800xf32, #tpu.memory_space<hbm>> -> memref<4096xf32, #tpu.memory_space<hbm>>
    %dma_wait3A_345 = arith.constant 20480 : i32
    %dma_wait3A_346 = tpu.memref_slice %arg7[%dma_wait3A_339, %dma_wait3A_345] : memref<2x32768xf32, #tpu.memory_space<vmem>> -> memref<1x4096xf32, #tpu.memory_space<vmem>>
    %dma_wait3A_347 = tpu.memref_squeeze %dma_wait3A_346 : memref<1x4096xf32, #tpu.memory_space<vmem>> -> memref<4096xf32, #tpu.memory_space<vmem>>
    tpu.wait_dma2 semaphore(%arg9 : memref<!tpu.dma_semaphore, #tpu.memory_space<semaphore_mem>>) src(%dma_wait3A_347 : memref<4096xf32, #tpu.memory_space<vmem>>) dst(%dma_wait3A_344 : memref<4096xf32, #tpu.memory_space<hbm>>)
    %add3A_348 = arith.constant 786432 : i32
    %add3A_349 = arith.addi %add3A_282, %add3A_348 : i32
    %dma_wait3A_350 = arith.constant 0 : i32
    %dma_wait3A_351 = arith.constant 24576 : i32
    %dma_wait3A_352 = tpu.memref_slice %arg7[%dma_wait3A_350, %dma_wait3A_351] : memref<2x32768xf32, #tpu.memory_space<vmem>> -> memref<1x4096xf32, #tpu.memory_space<vmem>>
    %dma_wait3A_353 = tpu.memref_squeeze %dma_wait3A_352 : memref<1x4096xf32, #tpu.memory_space<vmem>> -> memref<4096xf32, #tpu.memory_space<vmem>>
    %dma_wait3A_354 = tpu.memref_slice %arg4[%add3A_349] : memref<52428800xf32, #tpu.memory_space<hbm>> -> memref<4096xf32, #tpu.memory_space<hbm>>
    %dma_wait3A_355 = tpu.memref_slice %arg4[%add3A_349] : memref<52428800xf32, #tpu.memory_space<hbm>> -> memref<4096xf32, #tpu.memory_space<hbm>>
    %dma_wait3A_356 = arith.constant 24576 : i32
    %dma_wait3A_357 = tpu.memref_slice %arg7[%dma_wait3A_350, %dma_wait3A_356] : memref<2x32768xf32, #tpu.memory_space<vmem>> -> memref<1x4096xf32, #tpu.memory_space<vmem>>
    %dma_wait3A_358 = tpu.memref_squeeze %dma_wait3A_357 : memref<1x4096xf32, #tpu.memory_space<vmem>> -> memref<4096xf32, #tpu.memory_space<vmem>>
    tpu.wait_dma2 semaphore(%arg9 : memref<!tpu.dma_semaphore, #tpu.memory_space<semaphore_mem>>) src(%dma_wait3A_358 : memref<4096xf32, #tpu.memory_space<vmem>>) dst(%dma_wait3A_355 : memref<4096xf32, #tpu.memory_space<hbm>>)
    %add3A_359 = arith.constant 917504 : i32
    %add3A_360 = arith.addi %add3A_282, %add3A_359 : i32
    %dma_wait3A_361 = arith.constant 0 : i32
    %dma_wait3A_362 = arith.constant 28672 : i32
    %dma_wait3A_363 = tpu.memref_slice %arg7[%dma_wait3A_361, %dma_wait3A_362] : memref<2x32768xf32, #tpu.memory_space<vmem>> -> memref<1x4096xf32, #tpu.memory_space<vmem>>
    %dma_wait3A_364 = tpu.memref_squeeze %dma_wait3A_363 : memref<1x4096xf32, #tpu.memory_space<vmem>> -> memref<4096xf32, #tpu.memory_space<vmem>>
    %dma_wait3A_365 = tpu.memref_slice %arg4[%add3A_360] : memref<52428800xf32, #tpu.memory_space<hbm>> -> memref<4096xf32, #tpu.memory_space<hbm>>
    %dma_wait3A_366 = tpu.memref_slice %arg4[%add3A_360] : memref<52428800xf32, #tpu.memory_space<hbm>> -> memref<4096xf32, #tpu.memory_space<hbm>>
    %dma_wait3A_367 = arith.constant 28672 : i32
    %dma_wait3A_368 = tpu.memref_slice %arg7[%dma_wait3A_361, %dma_wait3A_367] : memref<2x32768xf32, #tpu.memory_space<vmem>> -> memref<1x4096xf32, #tpu.memory_space<vmem>>
    %dma_wait3A_369 = tpu.memref_squeeze %dma_wait3A_368 : memref<1x4096xf32, #tpu.memory_space<vmem>> -> memref<4096xf32, #tpu.memory_space<vmem>>
    tpu.wait_dma2 semaphore(%arg9 : memref<!tpu.dma_semaphore, #tpu.memory_space<semaphore_mem>>) src(%dma_wait3A_369 : memref<4096xf32, #tpu.memory_space<vmem>>) dst(%dma_wait3A_366 : memref<4096xf32, #tpu.memory_space<hbm>>)
    %mul3A_370 = arith.constant 4096 : i32
    %mul3A_371 = arith.muli %add3A, %mul3A_370 : i32
    %add3A_372 = arith.constant 51380224 : i32
    %add3A_373 = arith.addi %add3A_372, %mul3A_371 : i32
    %add3A_374 = arith.constant 0 : i32
    %add3A_375 = arith.addi %add3A_373, %add3A_374 : i32
    %dma_wait3A_376 = arith.constant 1 : i32
    %dma_wait3A_377 = arith.constant 0 : i32
    %dma_wait3A_378 = tpu.memref_slice %arg7[%dma_wait3A_376, %dma_wait3A_377] : memref<2x32768xf32, #tpu.memory_space<vmem>> -> memref<1x4096xf32, #tpu.memory_space<vmem>>
    %dma_wait3A_379 = tpu.memref_squeeze %dma_wait3A_378 : memref<1x4096xf32, #tpu.memory_space<vmem>> -> memref<4096xf32, #tpu.memory_space<vmem>>
    %dma_wait3A_380 = tpu.memref_slice %arg4[%add3A_375] : memref<52428800xf32, #tpu.memory_space<hbm>> -> memref<4096xf32, #tpu.memory_space<hbm>>
    %dma_wait3A_381 = tpu.memref_slice %arg4[%add3A_375] : memref<52428800xf32, #tpu.memory_space<hbm>> -> memref<4096xf32, #tpu.memory_space<hbm>>
    %dma_wait3A_382 = arith.constant 0 : i32
    %dma_wait3A_383 = tpu.memref_slice %arg7[%dma_wait3A_376, %dma_wait3A_382] : memref<2x32768xf32, #tpu.memory_space<vmem>> -> memref<1x4096xf32, #tpu.memory_space<vmem>>
    %dma_wait3A_384 = tpu.memref_squeeze %dma_wait3A_383 : memref<1x4096xf32, #tpu.memory_space<vmem>> -> memref<4096xf32, #tpu.memory_space<vmem>>
    tpu.wait_dma2 semaphore(%arg10 : memref<!tpu.dma_semaphore, #tpu.memory_space<semaphore_mem>>) src(%dma_wait3A_384 : memref<4096xf32, #tpu.memory_space<vmem>>) dst(%dma_wait3A_381 : memref<4096xf32, #tpu.memory_space<hbm>>)
    %add3A_385 = arith.constant 131072 : i32
    %add3A_386 = arith.addi %add3A_373, %add3A_385 : i32
    %dma_wait3A_387 = arith.constant 1 : i32
    %dma_wait3A_388 = arith.constant 4096 : i32
    %dma_wait3A_389 = tpu.memref_slice %arg7[%dma_wait3A_387, %dma_wait3A_388] : memref<2x32768xf32, #tpu.memory_space<vmem>> -> memref<1x4096xf32, #tpu.memory_space<vmem>>
    %dma_wait3A_390 = tpu.memref_squeeze %dma_wait3A_389 : memref<1x4096xf32, #tpu.memory_space<vmem>> -> memref<4096xf32, #tpu.memory_space<vmem>>
    %dma_wait3A_391 = tpu.memref_slice %arg4[%add3A_386] : memref<52428800xf32, #tpu.memory_space<hbm>> -> memref<4096xf32, #tpu.memory_space<hbm>>
    %dma_wait3A_392 = tpu.memref_slice %arg4[%add3A_386] : memref<52428800xf32, #tpu.memory_space<hbm>> -> memref<4096xf32, #tpu.memory_space<hbm>>
    %dma_wait3A_393 = arith.constant 4096 : i32
    %dma_wait3A_394 = tpu.memref_slice %arg7[%dma_wait3A_387, %dma_wait3A_393] : memref<2x32768xf32, #tpu.memory_space<vmem>> -> memref<1x4096xf32, #tpu.memory_space<vmem>>
    %dma_wait3A_395 = tpu.memref_squeeze %dma_wait3A_394 : memref<1x4096xf32, #tpu.memory_space<vmem>> -> memref<4096xf32, #tpu.memory_space<vmem>>
    tpu.wait_dma2 semaphore(%arg10 : memref<!tpu.dma_semaphore, #tpu.memory_space<semaphore_mem>>) src(%dma_wait3A_395 : memref<4096xf32, #tpu.memory_space<vmem>>) dst(%dma_wait3A_392 : memref<4096xf32, #tpu.memory_space<hbm>>)
    %add3A_396 = arith.constant 262144 : i32
    %add3A_397 = arith.addi %add3A_373, %add3A_396 : i32
    %dma_wait3A_398 = arith.constant 1 : i32
    %dma_wait3A_399 = arith.constant 8192 : i32
    %dma_wait3A_400 = tpu.memref_slice %arg7[%dma_wait3A_398, %dma_wait3A_399] : memref<2x32768xf32, #tpu.memory_space<vmem>> -> memref<1x4096xf32, #tpu.memory_space<vmem>>
    %dma_wait3A_401 = tpu.memref_squeeze %dma_wait3A_400 : memref<1x4096xf32, #tpu.memory_space<vmem>> -> memref<4096xf32, #tpu.memory_space<vmem>>
    %dma_wait3A_402 = tpu.memref_slice %arg4[%add3A_397] : memref<52428800xf32, #tpu.memory_space<hbm>> -> memref<4096xf32, #tpu.memory_space<hbm>>
    %dma_wait3A_403 = tpu.memref_slice %arg4[%add3A_397] : memref<52428800xf32, #tpu.memory_space<hbm>> -> memref<4096xf32, #tpu.memory_space<hbm>>
    %dma_wait3A_404 = arith.constant 8192 : i32
    %dma_wait3A_405 = tpu.memref_slice %arg7[%dma_wait3A_398, %dma_wait3A_404] : memref<2x32768xf32, #tpu.memory_space<vmem>> -> memref<1x4096xf32, #tpu.memory_space<vmem>>
    %dma_wait3A_406 = tpu.memref_squeeze %dma_wait3A_405 : memref<1x4096xf32, #tpu.memory_space<vmem>> -> memref<4096xf32, #tpu.memory_space<vmem>>
    tpu.wait_dma2 semaphore(%arg10 : memref<!tpu.dma_semaphore, #tpu.memory_space<semaphore_mem>>) src(%dma_wait3A_406 : memref<4096xf32, #tpu.memory_space<vmem>>) dst(%dma_wait3A_403 : memref<4096xf32, #tpu.memory_space<hbm>>)
    %add3A_407 = arith.constant 393216 : i32
    %add3A_408 = arith.addi %add3A_373, %add3A_407 : i32
    %dma_wait3A_409 = arith.constant 1 : i32
    %dma_wait3A_410 = arith.constant 12288 : i32
    %dma_wait3A_411 = tpu.memref_slice %arg7[%dma_wait3A_409, %dma_wait3A_410] : memref<2x32768xf32, #tpu.memory_space<vmem>> -> memref<1x4096xf32, #tpu.memory_space<vmem>>
    %dma_wait3A_412 = tpu.memref_squeeze %dma_wait3A_411 : memref<1x4096xf32, #tpu.memory_space<vmem>> -> memref<4096xf32, #tpu.memory_space<vmem>>
    %dma_wait3A_413 = tpu.memref_slice %arg4[%add3A_408] : memref<52428800xf32, #tpu.memory_space<hbm>> -> memref<4096xf32, #tpu.memory_space<hbm>>
    %dma_wait3A_414 = tpu.memref_slice %arg4[%add3A_408] : memref<52428800xf32, #tpu.memory_space<hbm>> -> memref<4096xf32, #tpu.memory_space<hbm>>
    %dma_wait3A_415 = arith.constant 12288 : i32
    %dma_wait3A_416 = tpu.memref_slice %arg7[%dma_wait3A_409, %dma_wait3A_415] : memref<2x32768xf32, #tpu.memory_space<vmem>> -> memref<1x4096xf32, #tpu.memory_space<vmem>>
    %dma_wait3A_417 = tpu.memref_squeeze %dma_wait3A_416 : memref<1x4096xf32, #tpu.memory_space<vmem>> -> memref<4096xf32, #tpu.memory_space<vmem>>
    tpu.wait_dma2 semaphore(%arg10 : memref<!tpu.dma_semaphore, #tpu.memory_space<semaphore_mem>>) src(%dma_wait3A_417 : memref<4096xf32, #tpu.memory_space<vmem>>) dst(%dma_wait3A_414 : memref<4096xf32, #tpu.memory_space<hbm>>)
    %add3A_418 = arith.constant 524288 : i32
    %add3A_419 = arith.addi %add3A_373, %add3A_418 : i32
    %dma_wait3A_420 = arith.constant 1 : i32
    %dma_wait3A_421 = arith.constant 16384 : i32
    %dma_wait3A_422 = tpu.memref_slice %arg7[%dma_wait3A_420, %dma_wait3A_421] : memref<2x32768xf32, #tpu.memory_space<vmem>> -> memref<1x4096xf32, #tpu.memory_space<vmem>>
    %dma_wait3A_423 = tpu.memref_squeeze %dma_wait3A_422 : memref<1x4096xf32, #tpu.memory_space<vmem>> -> memref<4096xf32, #tpu.memory_space<vmem>>
    %dma_wait3A_424 = tpu.memref_slice %arg4[%add3A_419] : memref<52428800xf32, #tpu.memory_space<hbm>> -> memref<4096xf32, #tpu.memory_space<hbm>>
    %dma_wait3A_425 = tpu.memref_slice %arg4[%add3A_419] : memref<52428800xf32, #tpu.memory_space<hbm>> -> memref<4096xf32, #tpu.memory_space<hbm>>
    %dma_wait3A_426 = arith.constant 16384 : i32
    %dma_wait3A_427 = tpu.memref_slice %arg7[%dma_wait3A_420, %dma_wait3A_426] : memref<2x32768xf32, #tpu.memory_space<vmem>> -> memref<1x4096xf32, #tpu.memory_space<vmem>>
    %dma_wait3A_428 = tpu.memref_squeeze %dma_wait3A_427 : memref<1x4096xf32, #tpu.memory_space<vmem>> -> memref<4096xf32, #tpu.memory_space<vmem>>
    tpu.wait_dma2 semaphore(%arg10 : memref<!tpu.dma_semaphore, #tpu.memory_space<semaphore_mem>>) src(%dma_wait3A_428 : memref<4096xf32, #tpu.memory_space<vmem>>) dst(%dma_wait3A_425 : memref<4096xf32, #tpu.memory_space<hbm>>)
    %add3A_429 = arith.constant 655360 : i32
    %add3A_430 = arith.addi %add3A_373, %add3A_429 : i32
    %dma_wait3A_431 = arith.constant 1 : i32
    %dma_wait3A_432 = arith.constant 20480 : i32
    %dma_wait3A_433 = tpu.memref_slice %arg7[%dma_wait3A_431, %dma_wait3A_432] : memref<2x32768xf32, #tpu.memory_space<vmem>> -> memref<1x4096xf32, #tpu.memory_space<vmem>>
    %dma_wait3A_434 = tpu.memref_squeeze %dma_wait3A_433 : memref<1x4096xf32, #tpu.memory_space<vmem>> -> memref<4096xf32, #tpu.memory_space<vmem>>
    %dma_wait3A_435 = tpu.memref_slice %arg4[%add3A_430] : memref<52428800xf32, #tpu.memory_space<hbm>> -> memref<4096xf32, #tpu.memory_space<hbm>>
    %dma_wait3A_436 = tpu.memref_slice %arg4[%add3A_430] : memref<52428800xf32, #tpu.memory_space<hbm>> -> memref<4096xf32, #tpu.memory_space<hbm>>
    %dma_wait3A_437 = arith.constant 20480 : i32
    %dma_wait3A_438 = tpu.memref_slice %arg7[%dma_wait3A_431, %dma_wait3A_437] : memref<2x32768xf32, #tpu.memory_space<vmem>> -> memref<1x4096xf32, #tpu.memory_space<vmem>>
    %dma_wait3A_439 = tpu.memref_squeeze %dma_wait3A_438 : memref<1x4096xf32, #tpu.memory_space<vmem>> -> memref<4096xf32, #tpu.memory_space<vmem>>
    tpu.wait_dma2 semaphore(%arg10 : memref<!tpu.dma_semaphore, #tpu.memory_space<semaphore_mem>>) src(%dma_wait3A_439 : memref<4096xf32, #tpu.memory_space<vmem>>) dst(%dma_wait3A_436 : memref<4096xf32, #tpu.memory_space<hbm>>)
    %add3A_440 = arith.constant 786432 : i32
    %add3A_441 = arith.addi %add3A_373, %add3A_440 : i32
    %dma_wait3A_442 = arith.constant 1 : i32
    %dma_wait3A_443 = arith.constant 24576 : i32
    %dma_wait3A_444 = tpu.memref_slice %arg7[%dma_wait3A_442, %dma_wait3A_443] : memref<2x32768xf32, #tpu.memory_space<vmem>> -> memref<1x4096xf32, #tpu.memory_space<vmem>>
    %dma_wait3A_445 = tpu.memref_squeeze %dma_wait3A_444 : memref<1x4096xf32, #tpu.memory_space<vmem>> -> memref<4096xf32, #tpu.memory_space<vmem>>
    %dma_wait3A_446 = tpu.memref_slice %arg4[%add3A_441] : memref<52428800xf32, #tpu.memory_space<hbm>> -> memref<4096xf32, #tpu.memory_space<hbm>>
    %dma_wait3A_447 = tpu.memref_slice %arg4[%add3A_441] : memref<52428800xf32, #tpu.memory_space<hbm>> -> memref<4096xf32, #tpu.memory_space<hbm>>
    %dma_wait3A_448 = arith.constant 24576 : i32
    %dma_wait3A_449 = tpu.memref_slice %arg7[%dma_wait3A_442, %dma_wait3A_448] : memref<2x32768xf32, #tpu.memory_space<vmem>> -> memref<1x4096xf32, #tpu.memory_space<vmem>>
    %dma_wait3A_450 = tpu.memref_squeeze %dma_wait3A_449 : memref<1x4096xf32, #tpu.memory_space<vmem>> -> memref<4096xf32, #tpu.memory_space<vmem>>
    tpu.wait_dma2 semaphore(%arg10 : memref<!tpu.dma_semaphore, #tpu.memory_space<semaphore_mem>>) src(%dma_wait3A_450 : memref<4096xf32, #tpu.memory_space<vmem>>) dst(%dma_wait3A_447 : memref<4096xf32, #tpu.memory_space<hbm>>)
    %add3A_451 = arith.constant 917504 : i32
    %add3A_452 = arith.addi %add3A_373, %add3A_451 : i32
    %dma_wait3A_453 = arith.constant 1 : i32
    %dma_wait3A_454 = arith.constant 28672 : i32
    %dma_wait3A_455 = tpu.memref_slice %arg7[%dma_wait3A_453, %dma_wait3A_454] : memref<2x32768xf32, #tpu.memory_space<vmem>> -> memref<1x4096xf32, #tpu.memory_space<vmem>>
    %dma_wait3A_456 = tpu.memref_squeeze %dma_wait3A_455 : memref<1x4096xf32, #tpu.memory_space<vmem>> -> memref<4096xf32, #tpu.memory_space<vmem>>
    %dma_wait3A_457 = tpu.memref_slice %arg4[%add3A_452] : memref<52428800xf32, #tpu.memory_space<hbm>> -> memref<4096xf32, #tpu.memory_space<hbm>>
    %dma_wait3A_458 = tpu.memref_slice %arg4[%add3A_452] : memref<52428800xf32, #tpu.memory_space<hbm>> -> memref<4096xf32, #tpu.memory_space<hbm>>
    %dma_wait3A_459 = arith.constant 28672 : i32
    %dma_wait3A_460 = tpu.memref_slice %arg7[%dma_wait3A_453, %dma_wait3A_459] : memref<2x32768xf32, #tpu.memory_space<vmem>> -> memref<1x4096xf32, #tpu.memory_space<vmem>>
    %dma_wait3A_461 = tpu.memref_squeeze %dma_wait3A_460 : memref<1x4096xf32, #tpu.memory_space<vmem>> -> memref<4096xf32, #tpu.memory_space<vmem>>
    tpu.wait_dma2 semaphore(%arg10 : memref<!tpu.dma_semaphore, #tpu.memory_space<semaphore_mem>>) src(%dma_wait3A_461 : memref<4096xf32, #tpu.memory_space<vmem>>) dst(%dma_wait3A_458 : memref<4096xf32, #tpu.memory_space<hbm>>)
    return
  }
}

</mosaic_0001>

<sc_bundles>
// kernel: kernel.3.cloned.1.call-start
scs
__scs_entry_jumppad:
0x0: {  	(pc) =	sbr.rel $0x88, $3  }
0x1: {  	(tag) =	ssettag $0x0;
	lr =	simm.s32 $0x1  }
0x2: {  	[smem:$0x3F9F] =	sst lr;
	_ =	strace $0xD0000000  }
0x3: {  	_ = 	snop  }
0x4: {  	_ = 	snop  }
0x5: {  	_ = 	snop  }
0x6: {  	_ = 	snop  }
0x7: {  	_ = 	snop  }
__scs_overlays_trampoline_lowered:
0x8: {  	[smem:$0x3FAE] =	sst s0  }
0x9: {  	[smem:$0x3FAF] =	sst s1  }
0xa: {  	[smem:$0x3FB0] =	sst s2  }
0xb: {  	[smem:$0x3FB1] =	sst s3  }
0xc: {  	[smem:$0x3FB2] =	sst s4  }
0xd: {  	[smem:$0x3FB3] =	sst s5  }
0xe: {  	[smem:$0x3FB4] =	sst s6  }
0xf: {  	[smem:$0x3FB5] =	sst s7  }
0x10: {  	[smem:$0x3FB6] =	sst s8  }
0x11: {  	[smem:$0x3FB7] =	sst s9;
	s0 =	simm.s32 @!p0 $0x0  }
0x12: {  	s1 =	sld [smem:$0x3F9D];
	s0 =	simm.s32 @p0 $0x1  }
0x13: {  	[smem:$0x3FB8] =	sst s0;
	s0 =	simm.s32 @!p1 $0x0  }
0x14: {  	s2 =	sld [smem:$0x3F9C];
	s0 =	simm.s32 @p1 $0x1  }
0x15: {  	[smem:$0x3FB9] =	sst s0;
	s0 =	simm.s32 @!p2 $0x0  }
0x16: {  	s3 =	sld [smem:$0x3FDB];
	s0 =	simm.s32 @p2 $0x1  }
0x17: {  	s4 =	simm.s32 $0x1BF5;
	[smem:$0x3FBB] =	sst s0  }
0x18: {  	s0 =	sld [smem:$0x3F9E];
	_ =	swait.ge [sflag:s4], $0x0  }
0x19: {  	s7 =	sld [smem:$0x3F9F]  }
0x1a: {  	s8 =	sadd.s32 $0xFFFFE003, lr  }
0x1b: {  	s9 =	sadd.s32 $0xFFFFFEF7, lr;
	s5 =	simm.s32 $0xFFFFFFFF;
	p2 =	slt.u32 s8, $0xFFFFF086  }
0x1c: {  	p1 =	slt.u32 s9, $0xF7A;
	s5 =	simm.s32 @!p2 $0x0  }
0x1d: {  	s5 =	simm.s32 @p1 $0x1;
	p0 =	seq.s32 s7, s2  }
0x1e: {  	s7 =	smul.u32 @!p0 $0xF7A, s2;
	p2 =	seq.s32 @!p0 s5, $0x0  }
0x1f: {  	s9 =	smul.u32 $0xF7A, s1;
	s8 =	simm.s32 @!p0 $0x1BF5;
	p2 =	por !p2, p0  }
0x20: {  	[sflag:s8] =	ssyncset.s32 @!p0 $0xFFFFF086;
	s6 =	sadd.s32 @!p0 s3, s7;
	s7 =	simm.s32 @!p0 $0x108  }
0x21: {  	s3 =	sadd.s32 s3, s9;
	s6 =	sadd.s32 @!p0 $0x88, s6;
	s7 =	simm.s32 @p2 $0x1082  }
0x22: {  	[simem:s7], [sflag:s8] =	dma.local @!p0 [hbm:s6], $0xF7A  }
0x23: {  	s9 =	sor.u32 $0xD0000000, s2;
	s6 =	simm.s32 $0x108;
	_ =	swait.ge @!p0 [sflag:s8], $0x0  }
0x24: {  	s3 =	sadd.s32 $0x88, s3;
	s6 =	simm.s32 @!p1 $0x1082;
	[sflag:s4] =	ssyncset.s32 $0xFFFFF086  }
0x25: {  	[simem:s6], [sflag:s4] =	dma.local [hbm:s3], $0xF7A  }
0x26: {  	[smem:$0x3F9F] =	sst s1;
	(tag) =	ssettag s2;
	_ =	strace s9  }
0x27: {  	s1 =	sld [smem:$0x3FAF]  }
0x28: {  	s2 =	sld [smem:$0x3FB0]  }
0x29: {  	s4 =	sld [smem:$0x3FB2]  }
0x2a: {  	p0 =	seq.s32 s5, $0x0;
	s5 =	sld [smem:$0x3FB3]  }
0x2b: {  	s6 =	sld [smem:$0x3FB4]  }
0x2c: {  	s7 =	sld [smem:$0x3FB5]  }
0x2d: {  	s3 =	simm.s32 $0x108;
	s8 =	sld [smem:$0x3FB6]  }
0x2e: {  	s3 =	simm.s32 @!p0 $0x1082;
	s9 =	sld [smem:$0x3FB7]  }
0x2f: {  	lr =	sadd.s32 s0, s3;
	s0 =	sld [smem:$0x3FAE]  }
0x30: {  	s3 =	sld [smem:$0x3FB1]  }
0x31: {  	[smem:$0x3FBA] =	sst s10  }
0x32: {  	s10 =	sld [smem:$0x3FB8];
	_ =	sdelay $0x3  }
0x33: {  	p0 =	seq.s32 s10, $0x1;
	s10 =	sld [smem:$0x3FBA];
	_ =	sdelay $0x3  }
0x34: {  	[smem:$0x3FBA] =	sst s10  }
0x35: {  	s10 =	sld [smem:$0x3FB9];
	_ =	sdelay $0x3  }
0x36: {  	p1 =	seq.s32 s10, $0x1;
	s10 =	sld [smem:$0x3FBA];
	_ =	sdelay $0x3  }
0x37: {  	[smem:$0x3FBA] =	sst s10  }
0x38: {  	s10 =	sld [smem:$0x3FBB]  }
0x39: {  	_ = 	snop;
	(pc) =	sbr.ind lr, $3  }
0x3a: {  	_ = 	snop  }
0x3b: {  	_ = 	snop  }
0x3c: {  	p2 =	seq.s32 s10, $0x1;
	s10 =	sld [smem:$0x3FBA]  }
0x3d: {  	_ =	shalt  }
0x3e: {  	_ =	shalt  }
0x3f: {  	_ =	shalt  }
0x40: {  	_ =	shalt  }
0x41: {  	_ =	shalt  }
0x42: {  	_ =	shalt  }
0x43: {  	_ =	shalt  }
0x44: {  	_ =	shalt  }
0x45: {  	_ =	shalt  }
0x46: {  	_ =	shalt  }
0x47: {  	_ =	shalt  }
0x48: {  	_ =	shalt  }
0x49: {  	_ =	shalt  }
0x4a: {  	_ =	shalt  }
0x4b: {  	_ =	shalt  }
0x4c: {  	_ =	shalt  }
0x4d: {  	_ =	shalt  }
0x4e: {  	_ =	shalt  }
0x4f: {  	_ =	shalt  }
0x50: {  	_ =	shalt  }
0x51: {  	_ =	shalt  }
0x52: {  	_ =	shalt  }
0x53: {  	_ =	shalt  }
0x54: {  	_ =	shalt  }
0x55: {  	_ =	shalt  }
0x56: {  	_ =	shalt  }
0x57: {  	_ =	shalt  }
0x58: {  	_ =	shalt  }
0x59: {  	_ =	shalt  }
0x5a: {  	_ =	shalt  }
0x5b: {  	_ =	shalt  }
0x5c: {  	_ =	shalt  }
0x5d: {  	_ =	shalt  }
0x5e: {  	_ =	shalt  }
0x5f: {  	_ =	shalt  }
0x60: {  	_ =	shalt  }
0x61: {  	_ =	shalt  }
0x62: {  	_ =	shalt  }
0x63: {  	_ =	shalt  }
0x64: {  	_ =	shalt  }
0x65: {  	_ =	shalt  }
0x66: {  	_ =	shalt  }
0x67: {  	_ =	shalt  }
0x68: {  	_ =	shalt  }
0x69: {  	_ =	shalt  }
0x6a: {  	_ =	shalt  }
0x6b: {  	_ =	shalt  }
0x6c: {  	_ =	shalt  }
0x6d: {  	_ =	shalt  }
0x6e: {  	_ =	shalt  }
0x6f: {  	_ =	shalt  }
0x70: {  	_ =	shalt  }
0x71: {  	_ =	shalt  }
0x72: {  	_ =	shalt  }
0x73: {  	_ =	shalt  }
0x74: {  	_ =	shalt  }
0x75: {  	_ =	shalt  }
0x76: {  	_ =	shalt  }
0x77: {  	_ =	shalt  }
0x78: {  	_ =	shalt  }
0x79: {  	_ =	shalt  }
0x7a: {  	_ =	shalt  }
0x7b: {  	_ =	shalt  }
0x7c: {  	_ =	shalt  }
0x7d: {  	_ =	shalt  }
0x7e: {  	_ =	shalt  }
0x7f: {  	_ =	shalt  }
0x80: {  	_ =	shalt  }
0x81: {  	_ =	shalt  }
0x82: {  	_ =	shalt  }
0x83: {  	_ =	shalt  }
0x84: {  	_ =	shalt  }
0x85: {  	_ =	shalt  }
0x86: {  	_ =	shalt  }
0x87: {  	_ =	shalt  }
.Lfunc_end0:
.L_simem_size_0:
called_computation_lowered:
.L_overlay_start_0:
0x88: {  	s2 =	sld [smem:$0x3FD9]  }
0x89: {  	s3 =	sld [smem:$0x3FFE];
	_ =	sdelay $0x1  }
0x8a: {  	s1 =	srdreg.scid  }
0x8b: {  	s0 =	sand.u32 $0x1, s1  }
0x8c: {  	s17 =	sshll.u32 s0, $0xA;
	s2 =	sadd.s32 s3, s2  }
0x8d: {  	s2 =	sadd.s32 s2, s17  }
0x8e: {  	[smem:$0x3FC6] =	sst s2  }
0x8f: {  	_ = 	snop  }
0x90: {  	s2 =	sld [smem:$0x3FD0];
	(tm) =	ssettm $0x1  }
0x91: {  	s18 =	sld [smem:$0x3FFB];
	_ =	sdelay $0x3  }
0x92: {  	_ =	strace s18  }
0x93: {  	s3 =	sld [smem:$0x3FFC];
	_ =	sdelay $0x3  }
0x94: {  	_ =	strace s3  }
0x95: {  	s3 =	sld [smem:$0x3FFD];
	_ =	sdelay $0x3  }
0x96: {  	_ =	strace s3  }
0x97: {  	_ =	strace $0x8FFFFFFF  }
0x98: {  	s19 =	sld [smem:$0x3FDB];
	_ =	sdelay $0x1  }
0x99: {  	s4 =	simm.s32 $_scs_section_size  }
0x9a: {  	s5 =	simm.s32 $_size__tile_overlayer_lowered;
	s6 =	simm.s32 $_tile_overlayer_lowered  }
0x9b: {  	s22 =	simm.s32 $0x1BFF;
	s21 =	sshll.u32 s6, $0x1;
	s3 =	sadd.s32 s4, s19  }
0x9c: {  	s7 =	simm.s32 $0x0;
	s20 =	sshll.u32 s5, $0x1;
	s5 =	sadd.s32 s21, s3  }
0x9d: {  	[timem:s7], [sflag:s22] =	dma.local [hbm:s5], s20  }
0x9e: {  	_ =	swait.ge [sflag:s22], s20  }
0x9f: {  	s4 =	ssub.s32 $0x0, s20;
	[sflag:s22] =	ssyncset.done $0x0  }
0xa0: {  	[sflag:s22] =	ssyncadd.s32 s4;
	_ =	sdelay $0x1  }
0xa1: {  	s23 =	simm.s32 $0x1B8B  }
0xa2: {  	_ =	swait.ge [sflag:s23], $0x1  }
0xa3: {  	[sflag:s23] =	ssyncset.done $0x0  }
0xa4: {  	s25 =	simm.s32 $0x1B8E;
	s24 =	sld [smem:$0x3FFE];
	[sflag:s23] =	ssyncadd.s32 $0xFFFFFFFF  }
0xa5: {  	s26 =	simm.s32 $execute0_lowered;
	[smem:$0x3FD2] =	sst s25  }
0xa6: {  	s5 =	sshll.u32 s26, $0x1;
	_ =	strace $0x80000046;
	[dreg:$0x1] =	wrdreg $0xFFFFFFFF  }
0xa7: {  	s28 =	simm.s32 $_size_execute0_lowered;
	s3 =	sadd.s32 s3, s5;
	[dreg:$0x0] =	wrdreg $0x0  }
0xa8: {  	s5 =	sshll.u32 s28, $0x1;
	[dreg:$0x2] =	wrdreg s3  }
0xa9: {  	[dreg:$0x3] =	wrdreg s5  }
0xaa: {  	[dreg:$0x4] =	wrdreg $0xC0  }
0xab: {  	_ =	task [dreg:s7], $0x5FFFF  }
0xac: {  	[dreg:$0x1] =	wrdreg $0xFFFFFFFF  }
0xad: {  	[dreg:$0x0] =	wrdreg $0x60  }
0xae: {  	[dreg:$0x2] =	wrdreg s24  }
0xaf: {  	[dreg:$0x3] =	wrdreg s2  }
0xb0: {  	[dreg:$0x4] =	wrdreg $0x9  }
0xb1: {  	_ =	task.clear_ibuf [dreg:s7], $0x5FFFF;
	_ =	strace $0x90000046  }
0xb2: {  	s29 =	simm.s32 $0x9;
	_ =	strace $0x80000048  }
0xb3: {  	_ =	swait.ge [sflag:s29], $0x1  }
0xb4: {  	[sflag:s29] =	ssyncadd.s32 $0xFFFFFFFF  }
0xb5: {  	_ =	strace $0x90000048  }
0xb6: {  	_ =	sfence  }
0xb7: {  	s30 =	sld [smem:$0x0];
	_ =	sdelay $0x2  }
0xb8: {  	s31 =	sshll.u32 s1, $0xD;
	s1 =	sshrl.u32 s1, $0x2  }
0xb9: {  	s3 =	sand.u32 $0x4000, s31;
	s1 =	sadd.s32 s1, s30  }
0xba: {  	s0 =	sor.u32 s3, s0;
	s1 =	sshll.u32 s1, $0x11  }
0xbb: {  	s0 =	sor.u32 s1, s0  }
0xbc: {  	s0 =	sadd.s32 $0x8F2B, s0  }
0xbd: {  	[sflag:s0] =	ssyncadd.remote.s32 $0x1  }
0xbe: {  	_ =	sfence.sel $0xFFFF  }
0xbf: {  	[dreg:$0x0] =	wrdreg $0xFFFFFFFF;
	(pc) =	sbr.abs _section_cstart, $3  }
0xc0: {  	[dreg:$0x1] =	wrdreg $0xFFFFFFFF  }
0xc1: {  	_ =	task.clear_ibuf [dreg:s7], $0x2FFFF;
	_ =	strace $0x9FFFFFFF  }
0xc2: {  	(tm) =	ssettm $0x7FFFFFFF  }
0xc3: {  	_ =	shalt  }
tec
execute0_lowered:
.L_overlay_start_1:
0x0: {  	(tag) =	ssettag $0x1  }
0x1: {  	v0 =	vimm.s32 $0x1380  }
0x2: {  	vm14 =	vcmask $0x300;
	vm13 =	vcmask $0x704;
	vm12 =	vcmask $0xB08  }
0x3: {  	vm11 =	vcmask $0xF0C;
	vm10 =	vcmask $0x1310;
	vm9 =	vcmask $0x1714  }
0x4: {  	vm8 =	vcmask $0x1B18;
	vm7 =	vcmask $0x1F1C;
	vm6 =	vcmask $0x2320  }
0x5: {  	vm5 =	vcmask $0x2724;
	vm4 =	vcmask $0x2B28;
	vm3 =	vcmask $0x2F2C  }
0x6: {  	vm2 =	vcmask $0x3330;
	vm1 =	vcmask $0x3734;
	vm0 =	vcmask $0x3B38  }
0x7: {  	v1 =	vimm.s32 $0x3380;
	v2 =	vimm.s32 $0x5380;
	v3 =	vimm.s32 $0x7380  }
0x8: {  	v0 =	vsel vm14, $0x0, v0;
	v1 =	vsel vm14, $0x2000, v1;
	v2 =	vsel vm14, $0x4000, v2  }
0x9: {  	v3 =	vsel vm14, $0x6000, v3;
	v0 =	vsel vm13, $0x80, v0;
	v1 =	vsel vm13, $0x2080, v1  }
0xa: {  	v2 =	vsel vm13, $0x4080, v2;
	v3 =	vsel vm13, $0x6080, v3;
	v0 =	vsel vm12, $0x100, v0  }
0xb: {  	v1 =	vsel vm12, $0x2100, v1;
	v2 =	vsel vm12, $0x4100, v2;
	v3 =	vsel vm12, $0x6100, v3  }
0xc: {  	v0 =	vsel vm11, $0x180, v0;
	v1 =	vsel vm11, $0x2180, v1;
	v2 =	vsel vm11, $0x4180, v2  }
0xd: {  	v3 =	vsel vm11, $0x6180, v3;
	v0 =	vsel vm10, $0x200, v0;
	v1 =	vsel vm10, $0x2200, v1  }
0xe: {  	v2 =	vsel vm10, $0x4200, v2;
	v3 =	vsel vm10, $0x6200, v3;
	v0 =	vsel vm9, $0x280, v0  }
0xf: {  	v1 =	vsel vm9, $0x2280, v1;
	v2 =	vsel vm9, $0x4280, v2;
	v3 =	vsel vm9, $0x6280, v3  }
0x10: {  	s0 =	rddreg [dreg:$0x0];
	v0 =	vsel vm8, $0x300, v0;
	v1 =	vsel vm8, $0x2300, v1;
	v2 =	vsel vm8, $0x4300, v2  }
0x11: {  	s1 =	rddreg [dreg:$0x1];
	s2 =	srdreg.scid;
	v3 =	vsel vm8, $0x6300, v3;
	v0 =	vsel vm7, $0x380, v0;
	v1 =	vsel vm7, $0x2380, v1  }
0x12: {  	s4 =	stileid.u32;
	s3 =	simm.s32 $0x0;
	s18 =	simm.s32 $0x80;
	v2 =	vsel vm7, $0x4380, v2;
	v3 =	vsel vm7, $0x6380, v3;
	v0 =	vsel vm6, $0x1000, v0  }
0x13: {  	s20 =	simm.s32 $0xA400;
	s21 =	simm.s32 $0x1;
	s22 =	simm.s32 $0x2;
	v1 =	vsel vm6, $0x3000, v1;
	v2 =	vsel vm6, $0x5000, v2;
	v3 =	vsel vm6, $0x7000, v3  }
0x14: {  	s2 =	sand.u32 $0x1, s2;
	s4 =	sshll.u32 s4, $0x1;
	[smem:$0x7FF] =	sst s3;
	v0 =	vsel vm5, $0x1080, v0;
	v1 =	vsel vm5, $0x3080, v1;
	v2 =	vsel vm5, $0x5080, v2  }
0x15: {  	s7 =	sadd.s32 $0x4000, s1;
	s8 =	sadd.s32 $0x8000, s1;
	s9 =	sadd.s32 $0xC000, s1;
	v3 =	vsel vm5, $0x7080, v3;
	v0 =	vsel vm4, $0x1100, v0;
	v1 =	vsel vm4, $0x3100, v1  }
0x16: {  	s10 =	sadd.s32 $0x10000, s1;
	s11 =	sadd.s32 $0x14000, s1;
	s5 =	sor.u32 s2, s4;
	v2 =	vsel vm4, $0x5100, v2;
	v3 =	vsel vm4, $0x7100, v3;
	v0 =	vsel vm3, $0x1180, v0  }
0x17: {  	s12 =	sadd.s32 $0x18000, s1;
	s2 =	ssub.s32 $0x2, s2;
	s4 =	sshll.u32 s5, $0x6;
	v1 =	vsel vm3, $0x3180, v1;
	v2 =	vsel vm3, $0x5180, v2;
	v3 =	vsel vm3, $0x7180, v3  }
0x18: {  	s30 =	sshrl.u32 s2, $0x1;
	s6 =	sadd.s32 s4, s0;
	s4 =	sadd.s32 $0xF5BA00, s0;
	v0 =	vsel vm2, $0x1200, v0;
	v1 =	vsel vm2, $0x3200, v1;
	v2 =	vsel vm2, $0x5200, v2  }
0x19: {  	s13 =	sadd.s32 $0x1C000, s1;
	s0 =	ssub.s32 s2, s30;
	s31 =	sadd.s32 $0xF42A00, s6;
	v3 =	vsel vm2, $0x7200, v3;
	v0 =	vsel vm1, $0x1280, v0;
	v1 =	vsel vm1, $0x3280, v1  }
0x1a: {  	_ =	strace $0x80000047;
	s0 =	smax.u32 s0, $0x1;
	[dreg:$0x3] =	wrdreg s31;
	v2 =	vsel vm1, $0x5280, v2;
	v3 =	vsel vm1, $0x7280, v3;
	v0 =	vsel vm0, $0x1300, v0  }
0x1b: {  	s6 =	sshll.u32 s5, $0x9;
	s5 =	simm.s32 $0x0;
	[dreg:$0x4] =	wrdreg s0;
	v1 =	vsel vm0, $0x3300, v1;
	v2 =	vsel vm0, $0x5300, v2;
	v3 =	vsel vm0, $0x7300, v3  }
.LBB2_1:
0x1c: {  	[dreg:$0x5] =	wrdreg s5  }
0x1d: {  	s0 =	rddreg [dreg:$0x3]  }
0x1e: {  	s2 =	simm.s32 $0x200;
	s29 =	simm.s32 $0x4000;
	s30 =	simm.s32 $0x5  }
0x1f: {  	[tilespmem:s3], [sflag:$0x5] =	stream.strided.gather [hbm4b:s0+s2], $0x6400, s29, s2, $0x38;
	[tilespmem:$0x1E400] =	vst v63  }
0x20: {  	_ =	swait.ge [sflag:s30], $0x6400  }
0x21: {  	[sflag:s30] =	ssyncset.done $0x0  }
0x22: {  	s31 =	simm.s32 $0x6400;
	[sflag:s30] =	ssyncadd.s32 $0xFFFF9C00  }
0x23: {  	[tilespmem:s31], [sflag:$0x1] =	stream.indirect.gather [hbm4b:s4+s18], $0x80, s3, s18, $0xb8;
	[tilespmem:$0x1E400] =	vst v63  }
0x24: {  	s16 =	simm.s32 $0x0  }
0x25: {  	[tilespmem:s20], [sflag:$0x2] =	stream.indirect.gather [hbm4b:s4+s18], $0x80, s18, s18, $0xb8;
	[tilespmem:$0x1E400] =	vst v63  }
.LBB2_2:
0x26: {  	s5 =	sand.u32 $0x1, s16;
	p1 =	slt.u32 s16, $0x2  }
0x27: {  	p0 =	sne.s32 @!p1 s5, $0x0  }
0x28: {  	p2 =	por p0, p1  }
0x29: {  	s0 =	simm.s32 @!p2 $0x3  }
0x2a: {  	_ =	swait.ge @!p2 [sflag:s0], $0x1000  }
0x2b: {  	[sflag:s0] =	ssyncset.done @!p2 $0x0  }
0x2c: {  	[sflag:s0] =	ssyncadd.s32 @!p2 $0xFFFFF000  }
0x2d: {  	_ =	swait.ge @!p2 [sflag:s0], $0x1000  }
0x2e: {  	[sflag:s0] =	ssyncset.done @!p2 $0x0  }
0x2f: {  	[sflag:s0] =	ssyncadd.s32 @!p2 $0xFFFFF000  }
0x30: {  	_ =	swait.ge @!p2 [sflag:s0], $0x1000  }
0x31: {  	[sflag:s0] =	ssyncset.done @!p2 $0x0  }
0x32: {  	[sflag:s0] =	ssyncadd.s32 @!p2 $0xFFFFF000  }
0x33: {  	_ =	swait.ge @!p2 [sflag:s0], $0x1000  }
0x34: {  	[sflag:s0] =	ssyncset.done @!p2 $0x0  }
0x35: {  	[sflag:s0] =	ssyncadd.s32 @!p2 $0xFFFFF000  }
0x36: {  	_ =	swait.ge @!p2 [sflag:s0], $0x1000  }
0x37: {  	[sflag:s0] =	ssyncset.done @!p2 $0x0  }
0x38: {  	[sflag:s0] =	ssyncadd.s32 @!p2 $0xFFFFF000  }
0x39: {  	_ =	swait.ge @!p2 [sflag:s0], $0x1000  }
0x3a: {  	[sflag:s0] =	ssyncset.done @!p2 $0x0  }
0x3b: {  	[sflag:s0] =	ssyncadd.s32 @!p2 $0xFFFFF000  }
0x3c: {  	_ =	swait.ge @!p2 [sflag:s0], $0x1000  }
0x3d: {  	[sflag:s0] =	ssyncset.done @!p2 $0x0  }
0x3e: {  	[sflag:s0] =	ssyncadd.s32 @!p2 $0xFFFFF000  }
0x3f: {  	p0 =	seq.s32 s5, $0x1;
	_ =	swait.ge @!p2 [sflag:s0], $0x1000  }
0x40: {  	p1 =	por !p0, p1;
	[sflag:s0] =	ssyncset.done @!p2 $0x0  }
0x41: {  	[sflag:s0] =	ssyncadd.s32 @!p2 $0xFFFFF000;
	s0 =	simm.s32 @!p1 $0x4  }
0x42: {  	_ =	swait.ge @!p1 [sflag:s0], $0x1000  }
0x43: {  	[sflag:s0] =	ssyncset.done @!p1 $0x0  }
0x44: {  	[sflag:s0] =	ssyncadd.s32 @!p1 $0xFFFFF000  }
0x45: {  	_ =	swait.ge @!p1 [sflag:s0], $0x1000  }
0x46: {  	[sflag:s0] =	ssyncset.done @!p1 $0x0  }
0x47: {  	[sflag:s0] =	ssyncadd.s32 @!p1 $0xFFFFF000  }
0x48: {  	_ =	swait.ge @!p1 [sflag:s0], $0x1000  }
0x49: {  	[sflag:s0] =	ssyncset.done @!p1 $0x0  }
0x4a: {  	[sflag:s0] =	ssyncadd.s32 @!p1 $0xFFFFF000  }
0x4b: {  	_ =	swait.ge @!p1 [sflag:s0], $0x1000  }
0x4c: {  	[sflag:s0] =	ssyncset.done @!p1 $0x0  }
0x4d: {  	[sflag:s0] =	ssyncadd.s32 @!p1 $0xFFFFF000  }
0x4e: {  	_ =	swait.ge @!p1 [sflag:s0], $0x1000  }
0x4f: {  	[sflag:s0] =	ssyncset.done @!p1 $0x0  }
0x50: {  	[sflag:s0] =	ssyncadd.s32 @!p1 $0xFFFFF000  }
0x51: {  	_ =	swait.ge @!p1 [sflag:s0], $0x1000  }
0x52: {  	[sflag:s0] =	ssyncset.done @!p1 $0x0  }
0x53: {  	[sflag:s0] =	ssyncadd.s32 @!p1 $0xFFFFF000  }
0x54: {  	_ =	swait.ge @!p1 [sflag:s0], $0x1000  }
0x55: {  	[sflag:s0] =	ssyncset.done @!p1 $0x0  }
0x56: {  	[sflag:s0] =	ssyncadd.s32 @!p1 $0xFFFFF000  }
0x57: {  	_ =	swait.ge @!p1 [sflag:s0], $0x1000  }
0x58: {  	[sflag:s0] =	ssyncset.done @!p1 $0x0  }
0x59: {  	[sflag:s0] =	ssyncadd.s32 @!p1 $0xFFFFF000  }
0x5a: {  	_ =	swait.ge [sflag:s21], $0x4000  }
0x5b: {  	[sflag:s21] =	ssyncset.done $0x0  }
0x5c: {  	s19 =	simm.s32 $0x6500;
	[sflag:s21] =	ssyncadd.s32 $0xFFFFC000  }
0x5d: {  	v4 =	vld [tilespmem:s19+$0x80]  }
0x5e: {  	s2 =	simm.s32 $0x3  }
0x5f: {  	v5 =	vor.u32 s2, v0;
	_ =	sdelay $0x1  }
0x60: {  	v6 =	vld [tilespmem:s19+$0xFFFFFF00]  }
0x61: {  	s28 =	simm.s32 $0x0;
	s14 =	sshll.u32 s5, $0xF;
	v7 =	vld [tilespmem:s19+$0xFFFFFF80];
	v4 =	vmul.f32 $8.000000000e+00, v4  }
0x62: {  	s29 =	simm.s32 $0x1;
	v9 =	vor.u32 s28, v0;
	s14 =	sadd.s32 $0xE400, s14;
	v8 =	vld [tilespmem:s19+$0x0]  }
0x63: {  	s31 =	simm.s32 $0x2;
	v10 =	vor.u32 s29, v0;
	[tilespmem:v5+s14+$0x0] =	vst.idx.msk $0xffff, v4  }
0x64: {  	v4 =	vor.u32 s31, v0;
	v5 =	vld [tilespmem:s19+$0x90]  }
0x65: {  	v6 =	vmul.f32 $8.000000000e+00, v6  }
0x66: {  	v11 =	vor.u32 s2, v1;
	v7 =	vmul.f32 $8.000000000e+00, v7  }
0x67: {  	v8 =	vmul.f32 $8.000000000e+00, v8;
	[tilespmem:v9+s14+$0x0] =	vst.idx.msk $0xffff, v6  }
0x68: {  	[tilespmem:v10+s14+$0x0] =	vst.idx.msk $0xffff, v7;
	v6 =	vld [tilespmem:s19+$0xFFFFFF10]  }
0x69: {  	v7 =	vld [tilespmem:s19+$0xFFFFFF90];
	[tilespmem:v4+s14+$0x0] =	vst.idx.msk $0xffff, v8;
	v4 =	vmul.f32 $8.000000000e+00, v5  }
0x6a: {  	s17 =	simm.s32 $0x6700;
	v8 =	vor.u32 s28, v1;
	v5 =	vld [tilespmem:s19+$0x10]  }
0x6b: {  	v9 =	vor.u32 s29, v1;
	[tilespmem:v11+s14+$0x0] =	vst.idx.msk $0xffff, v4;
	v4 =	vld [tilespmem:s17+$0x80]  }
0x6c: {  	s23 =	simm.s32 $0x7;
	v10 =	vor.u32 s31, v1;
	v11 =	vld [tilespmem:s19+$0xA0]  }
0x6d: {  	v13 =	vor.u32 s23, v0;
	v12 =	vld [tilespmem:s17+$0xFFFFFF80];
	v6 =	vmul.f32 $8.000000000e+00, v6  }
0x6e: {  	s15 =	simm.s32 $0x5;
	v15 =	vor.u32 s2, v2;
	v14 =	vld [tilespmem:s17+$0x0];
	v7 =	vmul.f32 $8.000000000e+00, v7  }
0x6f: {  	s24 =	simm.s32 $0x6;
	[tilespmem:v8+s14+$0x0] =	vst.idx.msk $0xffff, v6;
	v6 =	vld [tilespmem:s17+$0xFFFFFF00];
	v8 =	vor.u32 s15, v0;
	v5 =	vmul.f32 $8.000000000e+00, v5  }
0x70: {  	s25 =	simm.s32 $0x4;
	[tilespmem:v9+s14+$0x0] =	vst.idx.msk $0xffff, v7;
	v7 =	vor.u32 s24, v0;
	v9 =	vld [tilespmem:s19+$0xFFFFFF20];
	v4 =	vmul.f32 $8.000000000e+00, v4  }
0x71: {  	[tilespmem:v10+s14+$0x0] =	vst.idx.msk $0xffff, v5;
	v5 =	vor.u32 s25, v0;
	v10 =	vld [tilespmem:s19+$0xFFFFFFA0];
	v11 =	vmul.f32 $8.000000000e+00, v11  }
0x72: {  	v12 =	vmul.f32 $8.000000000e+00, v12;
	[tilespmem:v13+s14+$0x0] =	vst.idx.msk $0xffff, v4;
	v4 =	vor.u32 s28, v2;
	v13 =	vld [tilespmem:s19+$0x20]  }
0x73: {  	v17 =	vor.u32 s29, v2;
	v14 =	vmul.f32 $8.000000000e+00, v14;
	v16 =	vld [tilespmem:s17+$0x90];
	[tilespmem:v15+s14+$0x0] =	vst.idx.msk $0xffff, v11  }
0x74: {  	v6 =	vmul.f32 $8.000000000e+00, v6;
	[tilespmem:v8+s14+$0x0] =	vst.idx.msk $0xffff, v12;
	v8 =	vor.u32 s31, v2;
	v11 =	vld [tilespmem:s19+$0xB0]  }
0x75: {  	[tilespmem:v7+s14+$0x0] =	vst.idx.msk $0xffff, v14;
	v7 =	vor.u32 s23, v1;
	v15 =	vld [tilespmem:s17+$0xFFFFFF90];
	v9 =	vmul.f32 $8.000000000e+00, v9  }
0x76: {  	v14 =	vld [tilespmem:s17+$0x10];
	[tilespmem:v5+s14+$0x0] =	vst.idx.msk $0xffff, v6;
	v5 =	vmul.f32 $8.000000000e+00, v10;
	v10 =	vor.u32 s2, v3  }
0x77: {  	v19 =	vor.u32 s15, v1;
	v18 =	vld [tilespmem:s17+$0xFFFFFF10];
	[tilespmem:v4+s14+$0x0] =	vst.idx.msk $0xffff, v9;
	v9 =	vmul.f32 $8.000000000e+00, v13  }
0x78: {  	v12 =	vor.u32 s24, v1;
	[tilespmem:v17+s14+$0x0] =	vst.idx.msk $0xffff, v5;
	v13 =	vmul.f32 $8.000000000e+00, v16;
	v6 =	vld [tilespmem:s19+$0xFFFFFF30]  }
0x79: {  	v4 =	vld [tilespmem:s19+$0xFFFFFFB0];
	[tilespmem:v8+s14+$0x0] =	vst.idx.msk $0xffff, v9;
	v11 =	vmul.f32 $8.000000000e+00, v11;
	v9 =	vor.u32 s25, v1  }
0x7a: {  	s26 =	simm.s32 $0x6900;
	v16 =	vmul.f32 $8.000000000e+00, v15;
	v8 =	vor.u32 s28, v3;
	[tilespmem:v7+s14+$0x0] =	vst.idx.msk $0xffff, v13;
	v5 =	vld [tilespmem:s19+$0x30]  }
0x7b: {  	v15 =	vmul.f32 $8.000000000e+00, v14;
	v13 =	vld [tilespmem:s26+$0x80];
	[tilespmem:v10+s14+$0x0] =	vst.idx.msk $0xffff, v11;
	v10 =	vor.u32 s29, v3  }
0x7c: {  	s30 =	simm.s32 $0xC;
	s28 =	simm.s32 $0x8;
	[tilespmem:v19+s14+$0x0] =	vst.idx.msk $0xffff, v16;
	s29 =	simm.s32 $0xB;
	v14 =	vmul.f32 $8.000000000e+00, v18;
	v7 =	vld [tilespmem:s17+$0xA0];
	v11 =	vor.u32 s31, v3  }
.LBB2_3:
0x7d: {  	p1 =	slt.u32 s30, $0x7C;
	v16 =	vld [tilespmem:s26+$0xFFFFFF80];
	v17 =	vor.u32 s29, v0;
	[tilespmem:v12+s14+$0x0] =	vst.idx.msk $0xffff, v15;
	v6 =	vmul.f32 $8.000000000e+00, v6  }
0x7e: {  	s2 =	sadd.s32 $0x1, s28;
	v12 =	vld [tilespmem:s26+$0x0];
	[tilespmem:v9+s14+$0x0] =	vst.idx.msk $0xffff, v14;
	v9 =	vor.u32 s23, v2;
	v4 =	vmul.f32 $8.000000000e+00, v4  }
0x7f: {  	s0 =	sadd.s32 $0x2, s28;
	v15 =	vor.u32 s2, v0;
	v14 =	vld [tilespmem:s26+$0xFFFFFF00];
	[tilespmem:v8+s14+$0x0] =	vst.idx.msk $0xffff, v6;
	v5 =	vmul.f32 $8.000000000e+00, v5  }
0x80: {  	v6 =	vor.u32 s0, v0;
	v8 =	vmul.f32 $8.000000000e+00, v13;
	v13 =	vld [tilespmem:s17+$0xFFFFFF20];
	[tilespmem:v10+s14+$0x0] =	vst.idx.msk $0xffff, v4  }
0x81: {  	v4 =	vor.u32 s28, v0;
	v10 =	vld [tilespmem:s17+$0xFFFFFFA0];
	v7 =	vmul.f32 $8.000000000e+00, v7;
	[tilespmem:v11+s14+$0x0] =	vst.idx.msk $0xffff, v5  }
0x82: {  	v5 =	vmul.f32 $8.000000000e+00, v16;
	[tilespmem:v17+s14+$0x0] =	vst.idx.msk $0xffff, v8;
	v8 =	vor.u32 s25, v2;
	v11 =	vld [tilespmem:s17+$0x20]  }
0x83: {  	v17 =	vor.u32 s15, v2;
	v12 =	vmul.f32 $8.000000000e+00, v12;
	v16 =	vld [tilespmem:s26+$0x90];
	[tilespmem:v9+s14+$0x0] =	vst.idx.msk $0xffff, v7  }
0x84: {  	v7 =	vmul.f32 $8.000000000e+00, v14;
	[tilespmem:v15+s14+$0x0] =	vst.idx.msk $0xffff, v5;
	v5 =	vor.u32 s24, v2;
	v14 =	vld [tilespmem:s17+$0xB0]  }
0x85: {  	v18 =	vor.u32 s29, v1;
	v15 =	vld [tilespmem:s26+$0xFFFFFF90];
	[tilespmem:v6+s14+$0x0] =	vst.idx.msk $0xffff, v12;
	v6 =	vmul.f32 $8.000000000e+00, v13  }
0x86: {  	v19 =	vor.u32 s23, v3;
	s23 =	smov.u32 s29;
	[tilespmem:v4+s14+$0x0] =	vst.idx.msk $0xffff, v7;
	v7 =	vld [tilespmem:s26+$0x10];
	v4 =	vmul.f32 $8.000000000e+00, v10  }
0x87: {  	v21 =	vor.u32 s2, v1;
	v20 =	vld [tilespmem:s26+$0xFFFFFF10];
	[tilespmem:v8+s14+$0x0] =	vst.idx.msk $0xffff, v6;
	v8 =	vmul.f32 $8.000000000e+00, v11  }
.Ltmp0:
0x88: {  	v12 =	vor.u32 s0, v1;
	v10 =	vmul.f32 $8.000000000e+00, v16;
	v6 =	vld [tilespmem:s17+$0xFFFFFF30];
	[tilespmem:v17+s14+$0x0] =	vst.idx.msk $0xffff, v4;
	(pc) =	sbr.rel @p1 .LBB2_3-.Ltmp0, $4  }
0x89: {  	v9 =	vor.u32 s28, v1;
	v4 =	vld [tilespmem:s17+$0xFFFFFFB0];
	[tilespmem:v5+s14+$0x0] =	vst.idx.msk $0xffff, v8;
	v11 =	vmul.f32 $8.000000000e+00, v14  }
0x8a: {  	v8 =	vor.u32 s25, v3;
	s25 =	smov.u32 s28;
	v16 =	vmul.f32 $8.000000000e+00, v15;
	[tilespmem:v18+s14+$0x0] =	vst.idx.msk $0xffff, v10;
	v5 =	vld [tilespmem:s17+$0x30];
	s17 =	smov.u32 s26;
	s26 =	sadd.s32 $0x200, s26  }
0x8b: {  	s28 =	smov.u32 s30;
	v10 =	vor.u32 s15, v3;
	s15 =	smov.u32 s2;
	v13 =	vld [tilespmem:s26+$0x80];
	v15 =	vmul.f32 $8.000000000e+00, v7;
	[tilespmem:v19+s14+$0x0] =	vst.idx.msk $0xffff, v11  }
0x8c: {  	s30 =	sadd.s32 $0x4, s30;
	s29 =	sadd.s32 $0x3, s28;
	v11 =	vor.u32 s24, v3;
	s24 =	smov.u32 s0;
	v14 =	vmul.f32 $8.000000000e+00, v20;
	[tilespmem:v21+s14+$0x0] =	vst.idx.msk $0xffff, v16;
	v7 =	vld [tilespmem:s17+$0xA0]  }
0x8d: {  	v16 =	vld [tilespmem:s26+$0xFFFFFF00]  }
0x8e: {  	v17 =	vld [tilespmem:s26+$0xFFFFFF80];
	v18 =	vor.u32 s29, v0  }
0x8f: {  	s0 =	sadd.s32 $0x1, s28;
	v19 =	vld [tilespmem:s26+$0x0];
	v20 =	vor.u32 s28, v0  }
0x90: {  	s30 =	sadd.s32 $0x2, s28;
	v21 =	vor.u32 s0, v0  }
0x91: {  	v22 =	vor.u32 s30, v0;
	v13 =	vmul.f32 $8.000000000e+00, v13  }
0x92: {  	[tilespmem:v12+s14+$0x0] =	vst.idx.msk $0xffff, v15;
	v12 =	vmul.f32 $8.000000000e+00, v16  }
0x93: {  	[tilespmem:v18+s14+$0x0] =	vst.idx.msk $0xffff, v13;
	v13 =	vmul.f32 $8.000000000e+00, v17  }
0x94: {  	v15 =	vld [tilespmem:s26+$0x90];
	[tilespmem:v20+s14+$0x0] =	vst.idx.msk $0xffff, v12;
	v12 =	vmul.f32 $8.000000000e+00, v19  }
0x95: {  	[tilespmem:v21+s14+$0x0] =	vst.idx.msk $0xffff, v13;
	v13 =	vld [tilespmem:s26+$0xFFFFFF10]  }
0x96: {  	v6 =	vmul.f32 $8.000000000e+00, v6;
	v16 =	vld [tilespmem:s26+$0xFFFFFF90];
	[tilespmem:v22+s14+$0x0] =	vst.idx.msk $0xffff, v12;
	v12 =	vor.u32 s29, v1  }
0x97: {  	[tilespmem:v9+s14+$0x0] =	vst.idx.msk $0xffff, v14;
	v4 =	vmul.f32 $8.000000000e+00, v4;
	v14 =	vor.u32 s28, v1;
	v9 =	vld [tilespmem:s26+$0x10]  }
0x98: {  	[tilespmem:v8+s14+$0x0] =	vst.idx.msk $0xffff, v6;
	v5 =	vmul.f32 $8.000000000e+00, v5;
	v6 =	vor.u32 s0, v1  }
0x99: {  	v8 =	vld [tilespmem:s17+$0xFFFFFF20];
	[tilespmem:v10+s14+$0x0] =	vst.idx.msk $0xffff, v4;
	v4 =	vor.u32 s30, v1;
	v10 =	vmul.f32 $8.000000000e+00, v15  }
0x9a: {  	[tilespmem:v11+s14+$0x0] =	vst.idx.msk $0xffff, v5;
	v17 =	vld [tilespmem:s17+$0xFFFFFFA0];
	v15 =	vor.u32 s23, v2;
	v5 =	vmul.f32 $8.000000000e+00, v13  }
0x9b: {  	v11 =	vor.u32 s25, v2;
	v13 =	vld [tilespmem:s17+$0x20];
	v16 =	vmul.f32 $8.000000000e+00, v16;
	[tilespmem:v12+s14+$0x0] =	vst.idx.msk $0xffff, v10  }
0x9c: {  	v10 =	vor.u32 s15, v2;
	v9 =	vmul.f32 $8.000000000e+00, v9;
	v12 =	vld [tilespmem:s26+$0xA0];
	[tilespmem:v14+s14+$0x0] =	vst.idx.msk $0xffff, v5  }
0x9d: {  	v5 =	vmul.f32 $8.000000000e+00, v7;
	v7 =	vor.u32 s24, v2;
	[tilespmem:v6+s14+$0x0] =	vst.idx.msk $0xffff, v16;
	v6 =	vld [tilespmem:s26+$0xFFFFFF20]  }
0x9e: {  	v8 =	vmul.f32 $8.000000000e+00, v8;
	[tilespmem:v4+s14+$0x0] =	vst.idx.msk $0xffff, v9;
	v4 =	vor.u32 s29, v2;
	v9 =	vld [tilespmem:s26+$0xFFFFFFA0]  }
0x9f: {  	v14 =	vor.u32 s28, v2;
	[tilespmem:v15+s14+$0x0] =	vst.idx.msk $0xffff, v5;
	v5 =	vmul.f32 $8.000000000e+00, v17;
	v15 =	vld [tilespmem:s26+$0x20]  }
0xa0: {  	[tilespmem:v11+s14+$0x0] =	vst.idx.msk $0xffff, v8;
	v11 =	vor.u32 s0, v2;
	v16 =	vld [tilespmem:s17+$0xB0];
	v8 =	vmul.f32 $8.000000000e+00, v13  }
0xa1: {  	v13 =	vld [tilespmem:s17+$0xFFFFFF30];
	[tilespmem:v10+s14+$0x0] =	vst.idx.msk $0xffff, v5;
	v10 =	vor.u32 s30, v2;
	v5 =	vmul.f32 $8.000000000e+00, v12  }
0xa2: {  	v12 =	vor.u32 s23, v3;
	v17 =	vld [tilespmem:s17+$0xFFFFFFB0];
	[tilespmem:v7+s14+$0x0] =	vst.idx.msk $0xffff, v8;
	v6 =	vmul.f32 $8.000000000e+00, v6  }
0xa3: {  	v7 =	vor.u32 s25, v3;
	v8 =	vld [tilespmem:s17+$0x30];
	[tilespmem:v4+s14+$0x0] =	vst.idx.msk $0xffff, v5;
	v4 =	vmul.f32 $8.000000000e+00, v9  }
0xa4: {  	v5 =	vor.u32 s15, v3;
	v9 =	vld [tilespmem:s26+$0xB0];
	[tilespmem:v14+s14+$0x0] =	vst.idx.msk $0xffff, v6;
	v6 =	vmul.f32 $8.000000000e+00, v15  }
0xa5: {  	v14 =	vmul.f32 $8.000000000e+00, v16;
	v15 =	vor.u32 s24, v3;
	v16 =	vld [tilespmem:s26+$0xFFFFFF30];
	[tilespmem:v11+s14+$0x0] =	vst.idx.msk $0xffff, v4  }
0xa6: {  	v4 =	vmul.f32 $8.000000000e+00, v13;
	v11 =	vor.u32 s29, v3;
	v13 =	vld [tilespmem:s26+$0xFFFFFFB0];
	[tilespmem:v10+s14+$0x0] =	vst.idx.msk $0xffff, v6  }
0xa7: {  	[tilespmem:v12+s14+$0x0] =	vst.idx.msk $0xffff, v14;
	v6 =	vmul.f32 $8.000000000e+00, v17;
	v10 =	vor.u32 s28, v3;
	v12 =	vld [tilespmem:s26+$0x30]  }
0xa8: {  	[tilespmem:v7+s14+$0x0] =	vst.idx.msk $0xffff, v4;
	v4 =	vmul.f32 $8.000000000e+00, v8;
	v7 =	vor.u32 s0, v3  }
0xa9: {  	[tilespmem:v5+s14+$0x0] =	vst.idx.msk $0xffff, v6;
	v6 =	vor.u32 s30, v3;
	v5 =	vmul.f32 $8.000000000e+00, v9  }
0xaa: {  	[tilespmem:v15+s14+$0x0] =	vst.idx.msk $0xffff, v4;
	v4 =	vmul.f32 $8.000000000e+00, v16  }
0xab: {  	[tilespmem:v11+s14+$0x0] =	vst.idx.msk $0xffff, v5;
	v5 =	vmul.f32 $8.000000000e+00, v13  }
0xac: {  	s17 =	sshll.u32 s16, $0x9;
	[tilespmem:v10+s14+$0x0] =	vst.idx.msk $0xffff, v4;
	v4 =	vmul.f32 $8.000000000e+00, v12  }
0xad: {  	s17 =	sand.u32 $0x3FFFFE00, s17;
	[tilespmem:v7+s14+$0x0] =	vst.idx.msk $0xffff, v5  }
0xae: {  	s2 =	simm.s32 $0x6400;
	s0 =	sor.u32 $0x100, s17;
	[tilespmem:v6+s14+$0x0] =	vst.idx.msk $0xffff, v4  }
0xaf: {  	[tilespmem:s2], [sflag:$0x1] =	stream.indirect.gather [hbm4b:s4+s18], $0x80, s0, s18, $0xb8;
	[tilespmem:$0x1E400] =	vst v63  }
0xb0: {  	_ =	swait.ge [sflag:s22], $0x4000  }
0xb1: {  	[sflag:s22] =	ssyncset.done $0x0  }
0xb2: {  	s0 =	simm.s32 $0xA400;
	[sflag:s22] =	ssyncadd.s32 $0xFFFFC000  }
0xb3: {  	v4 =	vld [tilespmem:s0+$0x180]  }
0xb4: {  	s30 =	simm.s32 $0x403  }
0xb5: {  	v5 =	vor.u32 s30, v0;
	_ =	sdelay $0x1  }
0xb6: {  	v6 =	vld [tilespmem:s0+$0x0]  }
0xb7: {  	s19 =	simm.s32 $0x400;
	v7 =	vld [tilespmem:s0+$0x80];
	v4 =	vmul.f32 $8.000000000e+00, v4  }
0xb8: {  	s23 =	simm.s32 $0x401;
	v8 =	vor.u32 s19, v0;
	v9 =	vld [tilespmem:s0+$0x100]  }
0xb9: {  	s15 =	simm.s32 $0x402;
	v10 =	vor.u32 s23, v0;
	[tilespmem:v5+s14+$0x0] =	vst.idx.msk $0xffff, v4  }
0xba: {  	v4 =	vor.u32 s15, v0;
	v5 =	vld [tilespmem:s0+$0x190]  }
0xbb: {  	v6 =	vmul.f32 $8.000000000e+00, v6  }
0xbc: {  	v11 =	vor.u32 s30, v1;
	v7 =	vmul.f32 $8.000000000e+00, v7  }
0xbd: {  	[tilespmem:v8+s14+$0x0] =	vst.idx.msk $0xffff, v6;
	v6 =	vmul.f32 $8.000000000e+00, v9  }
0xbe: {  	[tilespmem:v10+s14+$0x0] =	vst.idx.msk $0xffff, v7;
	v8 =	vld [tilespmem:s0+$0x10]  }
0xbf: {  	v7 =	vld [tilespmem:s0+$0x90];
	[tilespmem:v4+s14+$0x0] =	vst.idx.msk $0xffff, v6;
	v4 =	vmul.f32 $8.000000000e+00, v5  }
0xc0: {  	s24 =	simm.s32 $0xA600;
	v5 =	vor.u32 s19, v1;
	v6 =	vld [tilespmem:s0+$0x110]  }
0xc1: {  	v9 =	vor.u32 s23, v1;
	[tilespmem:v11+s14+$0x0] =	vst.idx.msk $0xffff, v4;
	v4 =	vld [tilespmem:s24+$0x180]  }
0xc2: {  	s25 =	simm.s32 $0x407;
	v10 =	vor.u32 s15, v1;
	v11 =	vld [tilespmem:s0+$0x1A0]  }
0xc3: {  	v13 =	vor.u32 s25, v0;
	v12 =	vld [tilespmem:s24+$0x0];
	v8 =	vmul.f32 $8.000000000e+00, v8  }
0xc4: {  	s26 =	simm.s32 $0x404;
	v15 =	vor.u32 s30, v2;
	v14 =	vld [tilespmem:s24+$0x80];
	v7 =	vmul.f32 $8.000000000e+00, v7  }
0xc5: {  	s29 =	simm.s32 $0x405;
	[tilespmem:v5+s14+$0x0] =	vst.idx.msk $0xffff, v8;
	v5 =	vmul.f32 $8.000000000e+00, v6;
	v6 =	vor.u32 s26, v0;
	v8 =	vld [tilespmem:s24+$0x100]  }
0xc6: {  	s28 =	simm.s32 $0x406;
	[tilespmem:v9+s14+$0x0] =	vst.idx.msk $0xffff, v7;
	v7 =	vor.u32 s29, v0;
	v9 =	vld [tilespmem:s0+$0x20];
	v4 =	vmul.f32 $8.000000000e+00, v4  }
0xc7: {  	v16 =	vld [tilespmem:s0+$0xA0];
	[tilespmem:v10+s14+$0x0] =	vst.idx.msk $0xffff, v5;
	v5 =	vor.u32 s28, v0;
	v10 =	vmul.f32 $8.000000000e+00, v11  }
0xc8: {  	v11 =	vmul.f32 $8.000000000e+00, v12;
	v12 =	vld [tilespmem:s0+$0x120];
	[tilespmem:v13+s14+$0x0] =	vst.idx.msk $0xffff, v4;
	v4 =	vor.u32 s19, v2  }
0xc9: {  	v17 =	vor.u32 s23, v2;
	v13 =	vmul.f32 $8.000000000e+00, v14;
	v14 =	vld [tilespmem:s24+$0x190];
	[tilespmem:v15+s14+$0x0] =	vst.idx.msk $0xffff, v10  }
0xca: {  	[tilespmem:v6+s14+$0x0] =	vst.idx.msk $0xffff, v11;
	v6 =	vmul.f32 $8.000000000e+00, v8;
	v8 =	vor.u32 s15, v2;
	v15 =	vld [tilespmem:s0+$0x1B0]  }
0xcb: {  	v61 =	vld [tilespmem:s24+$0x10];
	[tilespmem:v7+s14+$0x0] =	vst.idx.msk $0xffff, v13;
	v7 =	vor.u32 s25, v1;
	v11 =	vmul.f32 $8.000000000e+00, v9  }
0xcc: {  	v16 =	vmul.f32 $8.000000000e+00, v16;
	v10 =	vld [tilespmem:s24+$0x90];
	[tilespmem:v5+s14+$0x0] =	vst.idx.msk $0xffff, v6;
	v5 =	vor.u32 s30, v3  }
0xcd: {  	v13 =	vor.u32 s26, v1;
	v9 =	vld [tilespmem:s24+$0x110];
	v62 =	vmul.f32 $8.000000000e+00, v12;
	[tilespmem:v4+s14+$0x0] =	vst.idx.msk $0xffff, v11  }
0xce: {  	[tilespmem:v17+s14+$0x0] =	vst.idx.msk $0xffff, v16;
	v12 =	vor.u32 s29, v1;
	v63 =	vmul.f32 $8.000000000e+00, v14;
	v6 =	vld [tilespmem:s0+$0x30]  }
0xcf: {  	v11 =	vor.u32 s28, v1;
	v4 =	vld [tilespmem:s0+$0xB0];
	[tilespmem:v8+s14+$0x0] =	vst.idx.msk $0xffff, v62;
	v14 =	vmul.f32 $8.000000000e+00, v15  }
0xd0: {  	s31 =	simm.s32 $0xA800;
	s30 =	simm.s32 $0x4;
	v15 =	vmul.f32 $8.000000000e+00, v61;
	v8 =	vld [tilespmem:s0+$0x130];
	[tilespmem:v7+s14+$0x0] =	vst.idx.msk $0xffff, v63;
	v7 =	vor.u32 s19, v3  }
.LBB2_5:
0xd1: {  	v16 =	vld [tilespmem:s31+$0x180];
	v10 =	vmul.f32 $8.000000000e+00, v10;
	v17 =	vor.u32 s23, v3;
	[tilespmem:v5+s14+$0x0] =	vst.idx.msk $0xffff, v14;
	s2 =	smov.u32 s30;
	s23 =	smov.u32 s29  }
0xd2: {  	s30 =	sadd.s32 $0x4, s30;
	s19 =	sadd.s32 $0x407, s2;
	[tilespmem:v13+s14+$0x0] =	vst.idx.msk $0xffff, v15;
	v5 =	vmul.f32 $8.000000000e+00, v9;
	v9 =	vld [tilespmem:s24+$0x1A0];
	v13 =	vor.u32 s15, v3;
	s15 =	smov.u32 s28  }
0xd3: {  	p1 =	slt.u32 s30, $0x7C;
	v14 =	vld [tilespmem:s31+$0x0];
	v15 =	vor.u32 s19, v0;
	[tilespmem:v12+s14+$0x0] =	vst.idx.msk $0xffff, v10;
	v6 =	vmul.f32 $8.000000000e+00, v6  }
0xd4: {  	s0 =	sadd.s32 $0x404, s2;
	v10 =	vld [tilespmem:s31+$0x80];
	[tilespmem:v11+s14+$0x0] =	vst.idx.msk $0xffff, v5;
	v5 =	vor.u32 s25, v2;
	v4 =	vmul.f32 $8.000000000e+00, v4  }
0xd5: {  	s29 =	sadd.s32 $0x405, s2;
	v11 =	vor.u32 s0, v0;
	v12 =	vld [tilespmem:s31+$0x100];
	[tilespmem:v7+s14+$0x0] =	vst.idx.msk $0xffff, v6;
	v6 =	vmul.f32 $8.000000000e+00, v8  }
0xd6: {  	s28 =	sadd.s32 $0x406, s2;
	v7 =	vor.u32 s29, v0;
	v8 =	vmul.f32 $8.000000000e+00, v16;
	v16 =	vld [tilespmem:s24+$0x20];
	[tilespmem:v17+s14+$0x0] =	vst.idx.msk $0xffff, v4  }
0xd7: {  	v4 =	vor.u32 s28, v0;
	v17 =	vld [tilespmem:s24+$0xA0];
	v9 =	vmul.f32 $8.000000000e+00, v9;
	[tilespmem:v13+s14+$0x0] =	vst.idx.msk $0xffff, v6  }
0xd8: {  	v6 =	vmul.f32 $8.000000000e+00, v14;
	[tilespmem:v15+s14+$0x0] =	vst.idx.msk $0xffff, v8;
	v8 =	vor.u32 s26, v2;
	v14 =	vld [tilespmem:s24+$0x120]  }
0xd9: {  	v18 =	vor.u32 s23, v2;
	v10 =	vmul.f32 $8.000000000e+00, v10;
	v15 =	vld [tilespmem:s31+$0x190];
	[tilespmem:v5+s14+$0x0] =	vst.idx.msk $0xffff, v9  }
0xda: {  	v19 =	vor.u32 s15, v2;
	[tilespmem:v11+s14+$0x0] =	vst.idx.msk $0xffff, v6;
	v5 =	vmul.f32 $8.000000000e+00, v12;
	v20 =	vld [tilespmem:s24+$0x1B0]  }
0xdb: {  	v21 =	vld [tilespmem:s31+$0x10];
	[tilespmem:v7+s14+$0x0] =	vst.idx.msk $0xffff, v10;
	v7 =	vor.u32 s19, v1;
	v6 =	vmul.f32 $8.000000000e+00, v16  }
.Ltmp1:
0xdc: {  	v10 =	vld [tilespmem:s31+$0x90];
	[tilespmem:v4+s14+$0x0] =	vst.idx.msk $0xffff, v5;
	v4 =	vmul.f32 $8.000000000e+00, v17;
	v5 =	vor.u32 s25, v3;
	s25 =	smov.u32 s19;
	(pc) =	sbr.rel @p1 .LBB2_5-.Ltmp1, $4  }
0xdd: {  	v13 =	vor.u32 s0, v1;
	v9 =	vld [tilespmem:s31+$0x110];
	[tilespmem:v8+s14+$0x0] =	vst.idx.msk $0xffff, v6;
	v8 =	vmul.f32 $8.000000000e+00, v14  }
0xde: {  	v12 =	vor.u32 s29, v1;
	v16 =	vmul.f32 $8.000000000e+00, v15;
	v6 =	vld [tilespmem:s24+$0x30];
	[tilespmem:v18+s14+$0x0] =	vst.idx.msk $0xffff, v4  }
0xdf: {  	v11 =	vor.u32 s28, v1;
	v4 =	vld [tilespmem:s24+$0xB0];
	[tilespmem:v19+s14+$0x0] =	vst.idx.msk $0xffff, v8;
	v14 =	vmul.f32 $8.000000000e+00, v20  }
0xe0: {  	v15 =	vmul.f32 $8.000000000e+00, v21;
	[tilespmem:v7+s14+$0x0] =	vst.idx.msk $0xffff, v16;
	v7 =	vor.u32 s26, v3;
	v8 =	vld [tilespmem:s24+$0x130];
	s26 =	smov.u32 s0;
	s24 =	smov.u32 s31;
	s31 =	sadd.s32 $0x200, s31  }
0xe1: {  	_ =	sdelay $0x2  }
0xe2: {  	v10 =	vmul.f32 $8.000000000e+00, v10  }
0xe3: {  	[tilespmem:v13+s14+$0x0] =	vst.idx.msk $0xffff, v15;
	v9 =	vmul.f32 $8.000000000e+00, v9;
	v13 =	vld [tilespmem:s24+$0x1A0]  }
0xe4: {  	[tilespmem:v12+s14+$0x0] =	vst.idx.msk $0xffff, v10;
	v10 =	vld [tilespmem:s24+$0x20]  }
0xe5: {  	[tilespmem:v11+s14+$0x0] =	vst.idx.msk $0xffff, v9;
	v9 =	vor.u32 s25, v2;
	v11 =	vld [tilespmem:s24+$0xA0]  }
0xe6: {  	v12 =	vor.u32 s26, v2;
	v15 =	vld [tilespmem:s24+$0x120]  }
0xe7: {  	v16 =	vor.u32 s29, v2  }
0xe8: {  	v17 =	vor.u32 s28, v2;
	v13 =	vmul.f32 $8.000000000e+00, v13  }
0xe9: {  	v10 =	vmul.f32 $8.000000000e+00, v10  }
0xea: {  	[tilespmem:v9+s14+$0x0] =	vst.idx.msk $0xffff, v13;
	v9 =	vmul.f32 $8.000000000e+00, v11  }
0xeb: {  	v11 =	vor.u32 s23, v3;
	v13 =	vld [tilespmem:s24+$0x1B0];
	[tilespmem:v12+s14+$0x0] =	vst.idx.msk $0xffff, v10;
	v10 =	vmul.f32 $8.000000000e+00, v15  }
0xec: {  	v12 =	vor.u32 s15, v3;
	v15 =	vld [tilespmem:s24+$0x30];
	[tilespmem:v16+s14+$0x0] =	vst.idx.msk $0xffff, v9  }
0xed: {  	v6 =	vmul.f32 $8.000000000e+00, v6;
	v9 =	vor.u32 s25, v3;
	v16 =	vld [tilespmem:s24+$0xB0];
	[tilespmem:v17+s14+$0x0] =	vst.idx.msk $0xffff, v10  }
0xee: {  	[tilespmem:v5+s14+$0x0] =	vst.idx.msk $0xffff, v14;
	v5 =	vor.u32 s26, v3;
	v4 =	vmul.f32 $8.000000000e+00, v4;
	v10 =	vld [tilespmem:s24+$0x130]  }
0xef: {  	[tilespmem:v7+s14+$0x0] =	vst.idx.msk $0xffff, v6;
	v6 =	vmul.f32 $8.000000000e+00, v8;
	v7 =	vor.u32 s29, v3  }
0xf0: {  	v8 =	vor.u32 s28, v3;
	[tilespmem:v11+s14+$0x0] =	vst.idx.msk $0xffff, v4;
	v4 =	vmul.f32 $8.000000000e+00, v13  }
0xf1: {  	[tilespmem:v12+s14+$0x0] =	vst.idx.msk $0xffff, v6;
	v6 =	vmul.f32 $8.000000000e+00, v15  }
0xf2: {  	[tilespmem:v9+s14+$0x0] =	vst.idx.msk $0xffff, v4;
	v4 =	vmul.f32 $8.000000000e+00, v16  }
0xf3: {  	[tilespmem:v5+s14+$0x0] =	vst.idx.msk $0xffff, v6;
	v5 =	vmul.f32 $8.000000000e+00, v10  }
0xf4: {  	[tilespmem:v7+s14+$0x0] =	vst.idx.msk $0xffff, v4  }
0xf5: {  	s0 =	sadd.s32 $0x180, s17;
	[tilespmem:v8+s14+$0x0] =	vst.idx.msk $0xffff, v5  }
0xf6: {  	[tilespmem:s20], [sflag:$0x2] =	stream.indirect.gather [hbm4b:s4+s18], $0x80, s0, s18, $0xb8;
	[tilespmem:$0x1E400] =	vst v63  }
0xf7: {  	_ =	swait.ge [sflag:s21], $0x4000  }
0xf8: {  	[sflag:s21] =	ssyncset.done $0x0  }
0xf9: {  	s19 =	simm.s32 $0x6500;
	[sflag:s21] =	ssyncadd.s32 $0xFFFFC000  }
0xfa: {  	v4 =	vld [tilespmem:s19+$0x80]  }
0xfb: {  	s30 =	simm.s32 $0x803  }
0xfc: {  	v5 =	vor.u32 s30, v0;
	_ =	sdelay $0x1  }
0xfd: {  	v6 =	vld [tilespmem:s19+$0xFFFFFF00]  }
0xfe: {  	s2 =	simm.s32 $0x800;
	v7 =	vld [tilespmem:s19+$0xFFFFFF80];
	v4 =	vmul.f32 $8.000000000e+00, v4  }
0xff: {  	s23 =	simm.s32 $0x801;
	v8 =	vor.u32 s2, v0;
	v9 =	vld [tilespmem:s19+$0x0]  }
0x100: {  	s15 =	simm.s32 $0x802;
	v10 =	vor.u32 s23, v0;
	[tilespmem:v5+s14+$0x0] =	vst.idx.msk $0xffff, v4  }
0x101: {  	v4 =	vor.u32 s15, v0;
	v5 =	vld [tilespmem:s19+$0x90]  }
0x102: {  	v6 =	vmul.f32 $8.000000000e+00, v6  }
0x103: {  	v11 =	vor.u32 s30, v1;
	v7 =	vmul.f32 $8.000000000e+00, v7  }
0x104: {  	[tilespmem:v8+s14+$0x0] =	vst.idx.msk $0xffff, v6;
	v6 =	vmul.f32 $8.000000000e+00, v9  }
0x105: {  	[tilespmem:v10+s14+$0x0] =	vst.idx.msk $0xffff, v7;
	v8 =	vld [tilespmem:s19+$0xFFFFFF10]  }
0x106: {  	v7 =	vld [tilespmem:s19+$0xFFFFFF90];
	[tilespmem:v4+s14+$0x0] =	vst.idx.msk $0xffff, v6;
	v4 =	vmul.f32 $8.000000000e+00, v5  }
0x107: {  	s24 =	simm.s32 $0x6700;
	v5 =	vor.u32 s2, v1;
	v6 =	vld [tilespmem:s19+$0x10]  }
0x108: {  	v9 =	vor.u32 s23, v1;
	[tilespmem:v11+s14+$0x0] =	vst.idx.msk $0xffff, v4;
	v4 =	vld [tilespmem:s24+$0x80]  }
0x109: {  	s25 =	simm.s32 $0x807;
	v10 =	vor.u32 s15, v1;
	v11 =	vld [tilespmem:s19+$0xA0]  }
0x10a: {  	v13 =	vor.u32 s25, v0;
	v12 =	vld [tilespmem:s24+$0xFFFFFF00];
	v8 =	vmul.f32 $8.000000000e+00, v8  }
0x10b: {  	s26 =	simm.s32 $0x804;
	v15 =	vor.u32 s30, v2;
	v14 =	vld [tilespmem:s24+$0xFFFFFF80];
	v7 =	vmul.f32 $8.000000000e+00, v7  }
0x10c: {  	s29 =	simm.s32 $0x805;
	[tilespmem:v5+s14+$0x0] =	vst.idx.msk $0xffff, v8;
	v5 =	vmul.f32 $8.000000000e+00, v6;
	v6 =	vor.u32 s26, v0;
	v8 =	vld [tilespmem:s24+$0x0]  }
0x10d: {  	s28 =	simm.s32 $0x806;
	[tilespmem:v9+s14+$0x0] =	vst.idx.msk $0xffff, v7;
	v7 =	vor.u32 s29, v0;
	v9 =	vld [tilespmem:s19+$0xFFFFFF20];
	v4 =	vmul.f32 $8.000000000e+00, v4  }
0x10e: {  	v16 =	vld [tilespmem:s19+$0xFFFFFFA0];
	[tilespmem:v10+s14+$0x0] =	vst.idx.msk $0xffff, v5;
	v5 =	vor.u32 s28, v0;
	v10 =	vmul.f32 $8.000000000e+00, v11  }
0x10f: {  	v11 =	vmul.f32 $8.000000000e+00, v12;
	v12 =	vld [tilespmem:s19+$0x20];
	[tilespmem:v13+s14+$0x0] =	vst.idx.msk $0xffff, v4;
	v4 =	vor.u32 s2, v2  }
0x110: {  	v17 =	vor.u32 s23, v2;
	v13 =	vmul.f32 $8.000000000e+00, v14;
	v14 =	vld [tilespmem:s24+$0x90];
	[tilespmem:v15+s14+$0x0] =	vst.idx.msk $0xffff, v10  }
0x111: {  	[tilespmem:v6+s14+$0x0] =	vst.idx.msk $0xffff, v11;
	v6 =	vmul.f32 $8.000000000e+00, v8;
	v8 =	vor.u32 s15, v2;
	v15 =	vld [tilespmem:s19+$0xB0]  }
0x112: {  	v18 =	vld [tilespmem:s24+$0xFFFFFF10];
	[tilespmem:v7+s14+$0x0] =	vst.idx.msk $0xffff, v13;
	v7 =	vor.u32 s25, v1;
	v11 =	vmul.f32 $8.000000000e+00, v9  }
0x113: {  	v16 =	vmul.f32 $8.000000000e+00, v16;
	v10 =	vld [tilespmem:s24+$0xFFFFFF90];
	[tilespmem:v5+s14+$0x0] =	vst.idx.msk $0xffff, v6;
	v5 =	vor.u32 s30, v3  }
0x114: {  	v13 =	vor.u32 s26, v1;
	v9 =	vld [tilespmem:s24+$0x10];
	v19 =	vmul.f32 $8.000000000e+00, v12;
	[tilespmem:v4+s14+$0x0] =	vst.idx.msk $0xffff, v11  }
0x115: {  	[tilespmem:v17+s14+$0x0] =	vst.idx.msk $0xffff, v16;
	v12 =	vor.u32 s29, v1;
	v20 =	vmul.f32 $8.000000000e+00, v14;
	v6 =	vld [tilespmem:s19+$0xFFFFFF30]  }
0x116: {  	v11 =	vor.u32 s28, v1;
	v4 =	vld [tilespmem:s19+$0xFFFFFFB0];
	[tilespmem:v8+s14+$0x0] =	vst.idx.msk $0xffff, v19;
	v14 =	vmul.f32 $8.000000000e+00, v15  }
0x117: {  	s31 =	simm.s32 $0x6900;
	s30 =	simm.s32 $0x4;
	v15 =	vmul.f32 $8.000000000e+00, v18;
	v8 =	vld [tilespmem:s19+$0x30];
	[tilespmem:v7+s14+$0x0] =	vst.idx.msk $0xffff, v20;
	v7 =	vor.u32 s2, v3  }
.LBB2_7:
0x118: {  	v16 =	vld [tilespmem:s31+$0x80];
	v10 =	vmul.f32 $8.000000000e+00, v10;
	v17 =	vor.u32 s23, v3;
	[tilespmem:v5+s14+$0x0] =	vst.idx.msk $0xffff, v14;
	s2 =	smov.u32 s30;
	s23 =	smov.u32 s29  }
0x119: {  	s30 =	sadd.s32 $0x4, s30;
	s19 =	sadd.s32 $0x807, s2;
	[tilespmem:v13+s14+$0x0] =	vst.idx.msk $0xffff, v15;
	v5 =	vmul.f32 $8.000000000e+00, v9;
	v9 =	vld [tilespmem:s24+$0xA0];
	v13 =	vor.u32 s15, v3;
	s15 =	smov.u32 s28  }
0x11a: {  	p1 =	slt.u32 s30, $0x7C;
	v14 =	vld [tilespmem:s31+$0xFFFFFF00];
	v15 =	vor.u32 s19, v0;
	[tilespmem:v12+s14+$0x0] =	vst.idx.msk $0xffff, v10;
	v6 =	vmul.f32 $8.000000000e+00, v6  }
0x11b: {  	s0 =	sadd.s32 $0x804, s2;
	v10 =	vld [tilespmem:s31+$0xFFFFFF80];
	[tilespmem:v11+s14+$0x0] =	vst.idx.msk $0xffff, v5;
	v5 =	vor.u32 s25, v2;
	v4 =	vmul.f32 $8.000000000e+00, v4  }
0x11c: {  	s29 =	sadd.s32 $0x805, s2;
	v11 =	vor.u32 s0, v0;
	v12 =	vld [tilespmem:s31+$0x0];
	[tilespmem:v7+s14+$0x0] =	vst.idx.msk $0xffff, v6;
	v6 =	vmul.f32 $8.000000000e+00, v8  }
0x11d: {  	s28 =	sadd.s32 $0x806, s2;
	v7 =	vor.u32 s29, v0;
	v8 =	vmul.f32 $8.000000000e+00, v16;
	v16 =	vld [tilespmem:s24+$0xFFFFFF20];
	[tilespmem:v17+s14+$0x0] =	vst.idx.msk $0xffff, v4  }
0x11e: {  	v4 =	vor.u32 s28, v0;
	v17 =	vld [tilespmem:s24+$0xFFFFFFA0];
	v9 =	vmul.f32 $8.000000000e+00, v9;
	[tilespmem:v13+s14+$0x0] =	vst.idx.msk $0xffff, v6  }
0x11f: {  	v6 =	vmul.f32 $8.000000000e+00, v14;
	[tilespmem:v15+s14+$0x0] =	vst.idx.msk $0xffff, v8;
	v8 =	vor.u32 s26, v2;
	v14 =	vld [tilespmem:s24+$0x20]  }
0x120: {  	v18 =	vor.u32 s23, v2;
	v10 =	vmul.f32 $8.000000000e+00, v10;
	v15 =	vld [tilespmem:s31+$0x90];
	[tilespmem:v5+s14+$0x0] =	vst.idx.msk $0xffff, v9  }
0x121: {  	v19 =	vor.u32 s15, v2;
	[tilespmem:v11+s14+$0x0] =	vst.idx.msk $0xffff, v6;
	v5 =	vmul.f32 $8.000000000e+00, v12;
	v20 =	vld [tilespmem:s24+$0xB0]  }
0x122: {  	v21 =	vld [tilespmem:s31+$0xFFFFFF10];
	[tilespmem:v7+s14+$0x0] =	vst.idx.msk $0xffff, v10;
	v7 =	vor.u32 s19, v1;
	v6 =	vmul.f32 $8.000000000e+00, v16  }
.Ltmp2:
0x123: {  	v10 =	vld [tilespmem:s31+$0xFFFFFF90];
	[tilespmem:v4+s14+$0x0] =	vst.idx.msk $0xffff, v5;
	v4 =	vmul.f32 $8.000000000e+00, v17;
	v5 =	vor.u32 s25, v3;
	s25 =	smov.u32 s19;
	(pc) =	sbr.rel @p1 .LBB2_7-.Ltmp2, $4  }
0x124: {  	v13 =	vor.u32 s0, v1;
	v9 =	vld [tilespmem:s31+$0x10];
	[tilespmem:v8+s14+$0x0] =	vst.idx.msk $0xffff, v6;
	v8 =	vmul.f32 $8.000000000e+00, v14  }
0x125: {  	v12 =	vor.u32 s29, v1;
	v16 =	vmul.f32 $8.000000000e+00, v15;
	v6 =	vld [tilespmem:s24+$0xFFFFFF30];
	[tilespmem:v18+s14+$0x0] =	vst.idx.msk $0xffff, v4  }
0x126: {  	v11 =	vor.u32 s28, v1;
	v4 =	vld [tilespmem:s24+$0xFFFFFFB0];
	[tilespmem:v19+s14+$0x0] =	vst.idx.msk $0xffff, v8;
	v14 =	vmul.f32 $8.000000000e+00, v20  }
0x127: {  	v15 =	vmul.f32 $8.000000000e+00, v21;
	[tilespmem:v7+s14+$0x0] =	vst.idx.msk $0xffff, v16;
	v7 =	vor.u32 s26, v3;
	v8 =	vld [tilespmem:s24+$0x30];
	s26 =	smov.u32 s0;
	s24 =	smov.u32 s31;
	s31 =	sadd.s32 $0x200, s31  }
0x128: {  	_ =	sdelay $0x2  }
0x129: {  	v10 =	vmul.f32 $8.000000000e+00, v10  }
0x12a: {  	[tilespmem:v13+s14+$0x0] =	vst.idx.msk $0xffff, v15;
	v9 =	vmul.f32 $8.000000000e+00, v9;
	v13 =	vld [tilespmem:s24+$0xA0]  }
0x12b: {  	[tilespmem:v12+s14+$0x0] =	vst.idx.msk $0xffff, v10;
	v10 =	vld [tilespmem:s24+$0xFFFFFF20]  }
0x12c: {  	[tilespmem:v11+s14+$0x0] =	vst.idx.msk $0xffff, v9;
	v9 =	vor.u32 s25, v2;
	v11 =	vld [tilespmem:s24+$0xFFFFFFA0]  }
0x12d: {  	v12 =	vor.u32 s26, v2;
	v15 =	vld [tilespmem:s24+$0x20]  }
0x12e: {  	v16 =	vor.u32 s29, v2  }
0x12f: {  	v17 =	vor.u32 s28, v2;
	v13 =	vmul.f32 $8.000000000e+00, v13  }
0x130: {  	v10 =	vmul.f32 $8.000000000e+00, v10  }
0x131: {  	[tilespmem:v9+s14+$0x0] =	vst.idx.msk $0xffff, v13;
	v9 =	vmul.f32 $8.000000000e+00, v11  }
0x132: {  	v11 =	vor.u32 s23, v3;
	v13 =	vld [tilespmem:s24+$0xB0];
	[tilespmem:v12+s14+$0x0] =	vst.idx.msk $0xffff, v10;
	v10 =	vmul.f32 $8.000000000e+00, v15  }
0x133: {  	v12 =	vor.u32 s15, v3;
	v15 =	vld [tilespmem:s24+$0xFFFFFF30];
	[tilespmem:v16+s14+$0x0] =	vst.idx.msk $0xffff, v9  }
0x134: {  	v6 =	vmul.f32 $8.000000000e+00, v6;
	v9 =	vor.u32 s25, v3;
	v16 =	vld [tilespmem:s24+$0xFFFFFFB0];
	[tilespmem:v17+s14+$0x0] =	vst.idx.msk $0xffff, v10  }
0x135: {  	[tilespmem:v5+s14+$0x0] =	vst.idx.msk $0xffff, v14;
	v5 =	vor.u32 s26, v3;
	v4 =	vmul.f32 $8.000000000e+00, v4;
	v10 =	vld [tilespmem:s24+$0x30]  }
0x136: {  	[tilespmem:v7+s14+$0x0] =	vst.idx.msk $0xffff, v6;
	v6 =	vmul.f32 $8.000000000e+00, v8;
	v7 =	vor.u32 s29, v3  }
0x137: {  	v8 =	vor.u32 s28, v3;
	[tilespmem:v11+s14+$0x0] =	vst.idx.msk $0xffff, v4;
	v4 =	vmul.f32 $8.000000000e+00, v13  }
0x138: {  	[tilespmem:v12+s14+$0x0] =	vst.idx.msk $0xffff, v6;
	v6 =	vmul.f32 $8.000000000e+00, v15  }
0x139: {  	[tilespmem:v9+s14+$0x0] =	vst.idx.msk $0xffff, v4;
	v4 =	vmul.f32 $8.000000000e+00, v16  }
0x13a: {  	[tilespmem:v5+s14+$0x0] =	vst.idx.msk $0xffff, v6;
	v5 =	vmul.f32 $8.000000000e+00, v10  }
0x13b: {  	p1 =	seq.s32 s16, $0x31;
	[tilespmem:v7+s14+$0x0] =	vst.idx.msk $0xffff, v4  }
0x13c: {  	s0 =	sadd.s32 @!p1 $0x200, s17;
	s2 =	simm.s32 @!p1 $0x80;
	s15 =	simm.s32 @!p1 $0x6400;
	[tilespmem:v8+s14+$0x0] =	vst.idx.msk $0xffff, v5  }
0x13d: {  	[tilespmem:s15], [sflag:$0x1] =	stream.indirect.gather @!p1 [hbm4b:s4+s2], $0x80, s0, s2, $0xb8;
	[tilespmem:$0x1E400] =	vst v63  }
0x13e: {  	_ =	swait.ge [sflag:s22], $0x4000  }
0x13f: {  	[sflag:s22] =	ssyncset.done $0x0  }
0x140: {  	s0 =	simm.s32 $0xA400;
	[sflag:s22] =	ssyncadd.s32 $0xFFFFC000  }
0x141: {  	v4 =	vld [tilespmem:s0+$0x180]  }
0x142: {  	s30 =	simm.s32 $0xC03  }
0x143: {  	v5 =	vor.u32 s30, v0;
	_ =	sdelay $0x1  }
0x144: {  	v6 =	vld [tilespmem:s0+$0x0]  }
0x145: {  	s19 =	simm.s32 $0xC00;
	v7 =	vld [tilespmem:s0+$0x80];
	v4 =	vmul.f32 $8.000000000e+00, v4  }
0x146: {  	s23 =	simm.s32 $0xC01;
	v8 =	vor.u32 s19, v0;
	v9 =	vld [tilespmem:s0+$0x100]  }
0x147: {  	v10 =	vor.u32 s23, v0;
	s15 =	simm.s32 $0xC02;
	[tilespmem:v5+s14+$0x0] =	vst.idx.msk $0xffff, v4  }
0x148: {  	v4 =	vor.u32 s15, v0;
	v5 =	vld [tilespmem:s0+$0x190]  }
0x149: {  	v6 =	vmul.f32 $8.000000000e+00, v6  }
0x14a: {  	v11 =	vor.u32 s30, v1;
	v7 =	vmul.f32 $8.000000000e+00, v7  }
0x14b: {  	[tilespmem:v8+s14+$0x0] =	vst.idx.msk $0xffff, v6;
	v6 =	vmul.f32 $8.000000000e+00, v9  }
0x14c: {  	[tilespmem:v10+s14+$0x0] =	vst.idx.msk $0xffff, v7;
	v8 =	vld [tilespmem:s0+$0x10]  }
0x14d: {  	v7 =	vld [tilespmem:s0+$0x90];
	[tilespmem:v4+s14+$0x0] =	vst.idx.msk $0xffff, v6;
	v4 =	vmul.f32 $8.000000000e+00, v5  }
0x14e: {  	s24 =	simm.s32 $0xA600;
	v5 =	vor.u32 s19, v1;
	v6 =	vld [tilespmem:s0+$0x110]  }
0x14f: {  	v9 =	vor.u32 s23, v1;
	[tilespmem:v11+s14+$0x0] =	vst.idx.msk $0xffff, v4;
	v4 =	vld [tilespmem:s24+$0x180]  }
0x150: {  	s25 =	simm.s32 $0xC07;
	v10 =	vor.u32 s15, v1;
	v11 =	vld [tilespmem:s0+$0x1A0]  }
0x151: {  	v13 =	vor.u32 s25, v0;
	v12 =	vld [tilespmem:s24+$0x0];
	v8 =	vmul.f32 $8.000000000e+00, v8  }
0x152: {  	s26 =	simm.s32 $0xC04;
	v15 =	vor.u32 s30, v2;
	v14 =	vld [tilespmem:s24+$0x80];
	v7 =	vmul.f32 $8.000000000e+00, v7  }
0x153: {  	s29 =	simm.s32 $0xC05;
	[tilespmem:v5+s14+$0x0] =	vst.idx.msk $0xffff, v8;
	v5 =	vmul.f32 $8.000000000e+00, v6;
	v6 =	vor.u32 s26, v0;
	v8 =	vld [tilespmem:s24+$0x100]  }
0x154: {  	s28 =	simm.s32 $0xC06;
	[tilespmem:v9+s14+$0x0] =	vst.idx.msk $0xffff, v7;
	v7 =	vor.u32 s29, v0;
	v9 =	vld [tilespmem:s0+$0x20];
	v4 =	vmul.f32 $8.000000000e+00, v4  }
0x155: {  	v16 =	vld [tilespmem:s0+$0xA0];
	[tilespmem:v10+s14+$0x0] =	vst.idx.msk $0xffff, v5;
	v5 =	vor.u32 s28, v0;
	v10 =	vmul.f32 $8.000000000e+00, v11  }
0x156: {  	v11 =	vmul.f32 $8.000000000e+00, v12;
	v12 =	vld [tilespmem:s0+$0x120];
	[tilespmem:v13+s14+$0x0] =	vst.idx.msk $0xffff, v4;
	v4 =	vor.u32 s19, v2  }
0x157: {  	v17 =	vor.u32 s23, v2;
	v13 =	vmul.f32 $8.000000000e+00, v14;
	v14 =	vld [tilespmem:s24+$0x190];
	[tilespmem:v15+s14+$0x0] =	vst.idx.msk $0xffff, v10  }
0x158: {  	[tilespmem:v6+s14+$0x0] =	vst.idx.msk $0xffff, v11;
	v6 =	vmul.f32 $8.000000000e+00, v8;
	v8 =	vor.u32 s15, v2;
	v15 =	vld [tilespmem:s0+$0x1B0]  }
0x159: {  	v18 =	vld [tilespmem:s24+$0x10];
	[tilespmem:v7+s14+$0x0] =	vst.idx.msk $0xffff, v13;
	v7 =	vor.u32 s25, v1;
	v11 =	vmul.f32 $8.000000000e+00, v9  }
0x15a: {  	v16 =	vmul.f32 $8.000000000e+00, v16;
	v10 =	vld [tilespmem:s24+$0x90];
	[tilespmem:v5+s14+$0x0] =	vst.idx.msk $0xffff, v6;
	v5 =	vor.u32 s30, v3  }
0x15b: {  	v13 =	vor.u32 s26, v1;
	v9 =	vld [tilespmem:s24+$0x110];
	v19 =	vmul.f32 $8.000000000e+00, v12;
	[tilespmem:v4+s14+$0x0] =	vst.idx.msk $0xffff, v11  }
0x15c: {  	[tilespmem:v17+s14+$0x0] =	vst.idx.msk $0xffff, v16;
	v12 =	vor.u32 s29, v1;
	v20 =	vmul.f32 $8.000000000e+00, v14;
	v6 =	vld [tilespmem:s0+$0x30]  }
0x15d: {  	v11 =	vor.u32 s28, v1;
	v4 =	vld [tilespmem:s0+$0xB0];
	[tilespmem:v8+s14+$0x0] =	vst.idx.msk $0xffff, v19;
	v14 =	vmul.f32 $8.000000000e+00, v15  }
0x15e: {  	s31 =	simm.s32 $0xA800;
	s30 =	simm.s32 $0x4;
	v15 =	vmul.f32 $8.000000000e+00, v18;
	v8 =	vld [tilespmem:s0+$0x130];
	[tilespmem:v7+s14+$0x0] =	vst.idx.msk $0xffff, v20;
	v7 =	vor.u32 s19, v3  }
.LBB2_9:
0x15f: {  	v16 =	vld [tilespmem:s31+$0x180];
	v10 =	vmul.f32 $8.000000000e+00, v10;
	v17 =	vor.u32 s23, v3;
	[tilespmem:v5+s14+$0x0] =	vst.idx.msk $0xffff, v14;
	s2 =	smov.u32 s30;
	s23 =	smov.u32 s29  }
0x160: {  	s30 =	sadd.s32 $0x4, s30;
	s19 =	sadd.s32 $0xC07, s2;
	[tilespmem:v13+s14+$0x0] =	vst.idx.msk $0xffff, v15;
	v5 =	vmul.f32 $8.000000000e+00, v9;
	v9 =	vld [tilespmem:s24+$0x1A0];
	v13 =	vor.u32 s15, v3;
	s15 =	smov.u32 s28  }
0x161: {  	p2 =	slt.u32 s30, $0x7C;
	v14 =	vld [tilespmem:s31+$0x0];
	v15 =	vor.u32 s19, v0;
	[tilespmem:v12+s14+$0x0] =	vst.idx.msk $0xffff, v10;
	v6 =	vmul.f32 $8.000000000e+00, v6  }
0x162: {  	s0 =	sadd.s32 $0xC04, s2;
	v10 =	vld [tilespmem:s31+$0x80];
	[tilespmem:v11+s14+$0x0] =	vst.idx.msk $0xffff, v5;
	v5 =	vor.u32 s25, v2;
	v4 =	vmul.f32 $8.000000000e+00, v4  }
0x163: {  	s29 =	sadd.s32 $0xC05, s2;
	v11 =	vor.u32 s0, v0;
	v12 =	vld [tilespmem:s31+$0x100];
	[tilespmem:v7+s14+$0x0] =	vst.idx.msk $0xffff, v6;
	v6 =	vmul.f32 $8.000000000e+00, v8  }
0x164: {  	s28 =	sadd.s32 $0xC06, s2;
	v7 =	vor.u32 s29, v0;
	v8 =	vmul.f32 $8.000000000e+00, v16;
	v16 =	vld [tilespmem:s24+$0x20];
	[tilespmem:v17+s14+$0x0] =	vst.idx.msk $0xffff, v4  }
0x165: {  	v4 =	vor.u32 s28, v0;
	v17 =	vld [tilespmem:s24+$0xA0];
	v9 =	vmul.f32 $8.000000000e+00, v9;
	[tilespmem:v13+s14+$0x0] =	vst.idx.msk $0xffff, v6  }
0x166: {  	v6 =	vmul.f32 $8.000000000e+00, v14;
	[tilespmem:v15+s14+$0x0] =	vst.idx.msk $0xffff, v8;
	v8 =	vor.u32 s26, v2;
	v14 =	vld [tilespmem:s24+$0x120]  }
0x167: {  	v18 =	vor.u32 s23, v2;
	v10 =	vmul.f32 $8.000000000e+00, v10;
	v15 =	vld [tilespmem:s31+$0x190];
	[tilespmem:v5+s14+$0x0] =	vst.idx.msk $0xffff, v9  }
0x168: {  	v19 =	vor.u32 s15, v2;
	[tilespmem:v11+s14+$0x0] =	vst.idx.msk $0xffff, v6;
	v5 =	vmul.f32 $8.000000000e+00, v12;
	v20 =	vld [tilespmem:s24+$0x1B0]  }
0x169: {  	v21 =	vld [tilespmem:s31+$0x10];
	[tilespmem:v7+s14+$0x0] =	vst.idx.msk $0xffff, v10;
	v7 =	vor.u32 s19, v1;
	v6 =	vmul.f32 $8.000000000e+00, v16  }
.Ltmp3:
0x16a: {  	v10 =	vld [tilespmem:s31+$0x90];
	[tilespmem:v4+s14+$0x0] =	vst.idx.msk $0xffff, v5;
	v4 =	vmul.f32 $8.000000000e+00, v17;
	v5 =	vor.u32 s25, v3;
	s25 =	smov.u32 s19;
	(pc) =	sbr.rel @p2 .LBB2_9-.Ltmp3, $4  }
0x16b: {  	v13 =	vor.u32 s0, v1;
	v9 =	vld [tilespmem:s31+$0x110];
	[tilespmem:v8+s14+$0x0] =	vst.idx.msk $0xffff, v6;
	v8 =	vmul.f32 $8.000000000e+00, v14  }
0x16c: {  	v12 =	vor.u32 s29, v1;
	v16 =	vmul.f32 $8.000000000e+00, v15;
	v6 =	vld [tilespmem:s24+$0x30];
	[tilespmem:v18+s14+$0x0] =	vst.idx.msk $0xffff, v4  }
0x16d: {  	v11 =	vor.u32 s28, v1;
	v4 =	vld [tilespmem:s24+$0xB0];
	[tilespmem:v19+s14+$0x0] =	vst.idx.msk $0xffff, v8;
	v14 =	vmul.f32 $8.000000000e+00, v20  }
0x16e: {  	v15 =	vmul.f32 $8.000000000e+00, v21;
	[tilespmem:v7+s14+$0x0] =	vst.idx.msk $0xffff, v16;
	v7 =	vor.u32 s26, v3;
	v8 =	vld [tilespmem:s24+$0x130];
	s26 =	smov.u32 s0;
	s24 =	smov.u32 s31;
	s31 =	sadd.s32 $0x200, s31  }
0x16f: {  	_ =	sdelay $0x2  }
0x170: {  	v10 =	vmul.f32 $8.000000000e+00, v10  }
0x171: {  	v45 =	vld [tilespmem:s24+$0x1A0];
	[tilespmem:v13+s14+$0x0] =	vst.idx.msk $0xffff, v15;
	v9 =	vmul.f32 $8.000000000e+00, v9  }
0x172: {  	[tilespmem:v12+s14+$0x0] =	vst.idx.msk $0xffff, v10;
	v46 =	vld [tilespmem:s24+$0x20]  }
0x173: {  	v47 =	vor.u32 s25, v2;
	[tilespmem:v11+s14+$0x0] =	vst.idx.msk $0xffff, v9;
	v48 =	vld [tilespmem:s24+$0xA0]  }
0x174: {  	v49 =	vor.u32 s26, v2;
	v50 =	vld [tilespmem:s24+$0x120]  }
0x175: {  	v16 =	vor.u32 s29, v2  }
0x176: {  	v17 =	vor.u32 s28, v2;
	v13 =	vmul.f32 $8.000000000e+00, v45  }
0x177: {  	v10 =	vmul.f32 $8.000000000e+00, v46  }
0x178: {  	[tilespmem:v47+s14+$0x0] =	vst.idx.msk $0xffff, v13;
	v51 =	vmul.f32 $8.000000000e+00, v48  }
0x179: {  	v52 =	vor.u32 s23, v3;
	v53 =	vld [tilespmem:s24+$0x1B0];
	[tilespmem:v49+s14+$0x0] =	vst.idx.msk $0xffff, v10;
	v54 =	vmul.f32 $8.000000000e+00, v50  }
0x17a: {  	v55 =	vor.u32 s15, v3;
	[tilespmem:v16+s14+$0x0] =	vst.idx.msk $0xffff, v51;
	v56 =	vld [tilespmem:s24+$0x30]  }
0x17b: {  	v57 =	vor.u32 s25, v3;
	v6 =	vmul.f32 $8.000000000e+00, v6;
	[tilespmem:v17+s14+$0x0] =	vst.idx.msk $0xffff, v54;
	v58 =	vld [tilespmem:s24+$0xB0]  }
0x17c: {  	[tilespmem:v5+s14+$0x0] =	vst.idx.msk $0xffff, v14;
	v5 =	vor.u32 s26, v3;
	v4 =	vmul.f32 $8.000000000e+00, v4;
	v59 =	vld [tilespmem:s24+$0x130]  }
0x17d: {  	v61 =	vor.u32 s29, v3;
	[tilespmem:v7+s14+$0x0] =	vst.idx.msk $0xffff, v6;
	v60 =	vmul.f32 $8.000000000e+00, v8  }
0x17e: {  	v62 =	vor.u32 s28, v3;
	[tilespmem:v52+s14+$0x0] =	vst.idx.msk $0xffff, v4;
	v4 =	vmul.f32 $8.000000000e+00, v53  }
0x17f: {  	[tilespmem:v55+s14+$0x0] =	vst.idx.msk $0xffff, v60;
	v63 =	vmul.f32 $8.000000000e+00, v56  }
0x180: {  	[tilespmem:v57+s14+$0x0] =	vst.idx.msk $0xffff, v4;
	v4 =	vmul.f32 $8.000000000e+00, v58  }
0x181: {  	[tilespmem:v5+s14+$0x0] =	vst.idx.msk $0xffff, v63;
	v5 =	vmul.f32 $8.000000000e+00, v59  }
0x182: {  	p2 =	sne.s32 @!p1 s5, $0x0;
	s0 =	sadd.s32 @!p1 $0x280, s17;
	[tilespmem:v61+s14+$0x0] =	vst.idx.msk $0xffff, v4  }
0x183: {  	s2 =	simm.s32 @!p1 $0x80;
	s5 =	simm.s32 @!p1 $0xA400;
	p2 =	por p2, p1;
	[tilespmem:v62+s14+$0x0] =	vst.idx.msk $0xffff, v5  }
0x184: {  	[tilespmem:s5], [sflag:$0x2] =	stream.indirect.gather @!p1 [hbm4b:s4+s2], $0x80, s0, s2, $0xb8;
	[tilespmem:$0x1E400] =	vst v63  }
0x185: {  	s0 =	sshll.u32 @!p2 s16, $0x11  }
0x186: {  	s0 =	sor.u32 @!p2 s6, s0  }
0x187: {  	s14 =	simm.s32 @!p2 $0xE400;
	s5 =	simm.s32 @!p2 $0x0;
	s2 =	sadd.s32 @!p2 s1, s0  }
0x188: {  	[hbm4b:s2+s5] =	stream.linear.scatter @!p2 [tilespmem:s14], [sflag:$0x3], $0x1000, $0x38;
	[tilespmem:$0x1E400] =	vst v63  }
0x189: {  	s2 =	sadd.s32 @!p2 s0, s7;
	s14 =	simm.s32 @!p2 $0xF400  }
0x18a: {  	[hbm4b:s2+s5] =	stream.linear.scatter @!p2 [tilespmem:s14], [sflag:$0x3], $0x1000, $0x38;
	[tilespmem:$0x1E400] =	vst v63  }
0x18b: {  	s2 =	sadd.s32 @!p2 s0, s8;
	s14 =	simm.s32 @!p2 $0x10400  }
0x18c: {  	[hbm4b:s2+s5] =	stream.linear.scatter @!p2 [tilespmem:s14], [sflag:$0x3], $0x1000, $0x38;
	[tilespmem:$0x1E400] =	vst v63  }
0x18d: {  	s2 =	sadd.s32 @!p2 s0, s9;
	s14 =	simm.s32 @!p2 $0x11400  }
0x18e: {  	[hbm4b:s2+s5] =	stream.linear.scatter @!p2 [tilespmem:s14], [sflag:$0x3], $0x1000, $0x38;
	[tilespmem:$0x1E400] =	vst v63  }
0x18f: {  	s2 =	sadd.s32 @!p2 s0, s10;
	s14 =	simm.s32 @!p2 $0x12400  }
0x190: {  	[hbm4b:s2+s5] =	stream.linear.scatter @!p2 [tilespmem:s14], [sflag:$0x3], $0x1000, $0x38;
	[tilespmem:$0x1E400] =	vst v63  }
0x191: {  	s2 =	sadd.s32 @!p2 s0, s11;
	s14 =	simm.s32 @!p2 $0x13400  }
0x192: {  	[hbm4b:s2+s5] =	stream.linear.scatter @!p2 [tilespmem:s14], [sflag:$0x3], $0x1000, $0x38;
	[tilespmem:$0x1E400] =	vst v63  }
0x193: {  	s2 =	sadd.s32 @!p2 s0, s12;
	s14 =	simm.s32 @!p2 $0x14400  }
0x194: {  	[hbm4b:s2+s5] =	stream.linear.scatter @!p2 [tilespmem:s14], [sflag:$0x3], $0x1000, $0x38;
	[tilespmem:$0x1E400] =	vst v63  }
0x195: {  	p0 =	por p1, p0;
	s0 =	sadd.s32 @!p2 s0, s13;
	s2 =	simm.s32 @!p2 $0x15400  }
0x196: {  	[hbm4b:s0+s5] =	stream.linear.scatter @!p2 [tilespmem:s2], [sflag:$0x3], $0x1000, $0x38;
	[tilespmem:$0x1E400] =	vst v63  }
0x197: {  	s0 =	sshll.u32 @p0 s16, $0x11  }
0x198: {  	s0 =	sor.u32 @p0 s6, s0  }
0x199: {  	s5 =	simm.s32 @p0 $0x16400;
	s2 =	sadd.s32 @p0 s1, s0  }
0x19a: {  	[hbm4b:s2+s3] =	stream.linear.scatter @p0 [tilespmem:s5], [sflag:$0x4], $0x1000, $0x38;
	[tilespmem:$0x1E400] =	vst v63  }
0x19b: {  	s2 =	sadd.s32 @p0 s0, s7;
	s5 =	simm.s32 @p0 $0x17400  }
0x19c: {  	[hbm4b:s2+s3] =	stream.linear.scatter @p0 [tilespmem:s5], [sflag:$0x4], $0x1000, $0x38;
	[tilespmem:$0x1E400] =	vst v63  }
0x19d: {  	s2 =	sadd.s32 @p0 s0, s8;
	s5 =	simm.s32 @p0 $0x18400  }
0x19e: {  	[hbm4b:s2+s3] =	stream.linear.scatter @p0 [tilespmem:s5], [sflag:$0x4], $0x1000, $0x38;
	[tilespmem:$0x1E400] =	vst v63  }
0x19f: {  	s2 =	sadd.s32 @p0 s0, s9;
	s5 =	simm.s32 @p0 $0x19400  }
0x1a0: {  	[hbm4b:s2+s3] =	stream.linear.scatter @p0 [tilespmem:s5], [sflag:$0x4], $0x1000, $0x38;
	[tilespmem:$0x1E400] =	vst v63  }
0x1a1: {  	s2 =	sadd.s32 @p0 s0, s10;
	s5 =	simm.s32 @p0 $0x1A400  }
0x1a2: {  	[hbm4b:s2+s3] =	stream.linear.scatter @p0 [tilespmem:s5], [sflag:$0x4], $0x1000, $0x38;
	[tilespmem:$0x1E400] =	vst v63  }
0x1a3: {  	s2 =	sadd.s32 @p0 s0, s11;
	s5 =	simm.s32 @p0 $0x1B400  }
0x1a4: {  	[hbm4b:s2+s3] =	stream.linear.scatter @p0 [tilespmem:s5], [sflag:$0x4], $0x1000, $0x38;
	[tilespmem:$0x1E400] =	vst v63  }
0x1a5: {  	s2 =	sadd.s32 @p0 s0, s12;
	s5 =	simm.s32 @p0 $0x1C400  }
0x1a6: {  	[hbm4b:s2+s3] =	stream.linear.scatter @p0 [tilespmem:s5], [sflag:$0x4], $0x1000, $0x38;
	[tilespmem:$0x1E400] =	vst v63  }
0x1a7: {  	s16 =	sadd.s32 $0x1, s16;
	s0 =	sadd.s32 @p0 s0, s13;
	s2 =	simm.s32 @p0 $0x1D400  }
0x1a8: {  	[hbm4b:s0+s3] =	stream.linear.scatter @p0 [tilespmem:s2], [sflag:$0x4], $0x1000, $0x38;
	[tilespmem:$0x1E400] =	vst v63  }
0x1a9: {  	p0 =	sne.s32 s16, $0x32  }
.Ltmp4:
0x1aa: {  	_ = 	snop;
	(pc) =	sbr.rel @p0 .LBB2_2-.Ltmp4, $1  }
0x1ab: {  	_ =	sdelay $0x3  }
0x1ac: {  	s0 =	simm.s32 $0x3  }
0x1ad: {  	_ =	swait.ge [sflag:s0], $0x1000  }
0x1ae: {  	[sflag:s0] =	ssyncset.done $0x0  }
0x1af: {  	[sflag:s0] =	ssyncadd.s32 $0xFFFFF000  }
0x1b0: {  	_ =	swait.ge [sflag:s0], $0x1000  }
0x1b1: {  	[sflag:s0] =	ssyncset.done $0x0  }
0x1b2: {  	[sflag:s0] =	ssyncadd.s32 $0xFFFFF000  }
0x1b3: {  	_ =	swait.ge [sflag:s0], $0x1000  }
0x1b4: {  	[sflag:s0] =	ssyncset.done $0x0  }
0x1b5: {  	[sflag:s0] =	ssyncadd.s32 $0xFFFFF000  }
0x1b6: {  	_ =	swait.ge [sflag:s0], $0x1000  }
0x1b7: {  	[sflag:s0] =	ssyncset.done $0x0  }
0x1b8: {  	[sflag:s0] =	ssyncadd.s32 $0xFFFFF000  }
0x1b9: {  	_ =	swait.ge [sflag:s0], $0x1000  }
0x1ba: {  	[sflag:s0] =	ssyncset.done $0x0  }
0x1bb: {  	[sflag:s0] =	ssyncadd.s32 $0xFFFFF000  }
0x1bc: {  	_ =	swait.ge [sflag:s0], $0x1000  }
0x1bd: {  	[sflag:s0] =	ssyncset.done $0x0  }
0x1be: {  	[sflag:s0] =	ssyncadd.s32 $0xFFFFF000  }
0x1bf: {  	_ =	swait.ge [sflag:s0], $0x1000  }
0x1c0: {  	[sflag:s0] =	ssyncset.done $0x0  }
0x1c1: {  	[sflag:s0] =	ssyncadd.s32 $0xFFFFF000  }
0x1c2: {  	_ =	swait.ge [sflag:s0], $0x1000  }
0x1c3: {  	[sflag:s0] =	ssyncset.done $0x0  }
0x1c4: {  	s2 =	simm.s32 $0x4;
	[sflag:s0] =	ssyncadd.s32 $0xFFFFF000  }
0x1c5: {  	_ =	swait.ge [sflag:s2], $0x1000  }
0x1c6: {  	[sflag:s2] =	ssyncset.done $0x0  }
0x1c7: {  	[sflag:s2] =	ssyncadd.s32 $0xFFFFF000  }
0x1c8: {  	_ =	swait.ge [sflag:s2], $0x1000  }
0x1c9: {  	[sflag:s2] =	ssyncset.done $0x0  }
0x1ca: {  	[sflag:s2] =	ssyncadd.s32 $0xFFFFF000  }
0x1cb: {  	_ =	swait.ge [sflag:s2], $0x1000  }
0x1cc: {  	[sflag:s2] =	ssyncset.done $0x0  }
0x1cd: {  	[sflag:s2] =	ssyncadd.s32 $0xFFFFF000  }
0x1ce: {  	_ =	swait.ge [sflag:s2], $0x1000  }
0x1cf: {  	[sflag:s2] =	ssyncset.done $0x0  }
0x1d0: {  	[sflag:s2] =	ssyncadd.s32 $0xFFFFF000  }
0x1d1: {  	_ =	swait.ge [sflag:s2], $0x1000  }
0x1d2: {  	[sflag:s2] =	ssyncset.done $0x0  }
0x1d3: {  	[sflag:s2] =	ssyncadd.s32 $0xFFFFF000  }
0x1d4: {  	_ =	swait.ge [sflag:s2], $0x1000  }
0x1d5: {  	[sflag:s2] =	ssyncset.done $0x0  }
0x1d6: {  	[sflag:s2] =	ssyncadd.s32 $0xFFFFF000  }
0x1d7: {  	_ =	swait.ge [sflag:s2], $0x1000  }
0x1d8: {  	[sflag:s2] =	ssyncset.done $0x0  }
0x1d9: {  	[sflag:s2] =	ssyncadd.s32 $0xFFFFF000  }
0x1da: {  	_ =	swait.ge [sflag:s2], $0x1000  }
0x1db: {  	s5 =	rddreg [dreg:$0x5]  }
0x1dc: {  	s31 =	rddreg [dreg:$0x4];
	s5 =	sadd.s32 $0x1, s5  }
0x1dd: {  	p0 =	sne.s32 s5, s31  }
.Ltmp5:
0x1de: {  	_ = 	snop;
	(pc) =	sbr.rel @p0 .LBB2_1-.Ltmp5, $3  }
0x1df: {  	_ =	sdelay $0x1  }
0x1e0: {  	[sflag:s2] =	ssyncset.done $0x0  }
0x1e1: {  	[sflag:s2] =	ssyncadd.s32 $0xFFFFF000  }
0x1e2: {  	_ =	sfence.sel $0x180000  }
0x1e3: {  	[bflag:$0x0] =	sbarrier.arrive $0xFFFF  }
0x1e4: {  	_ =	strace $0x90000047  }
0x1e5: {  	s0 =	stileid.u32;
	[bflag:$0x2] =	sbarrier.arrive $0xFFFF  }
0x1e6: {  	p0 =	sne.s32 s0, $0x0;
	s0 =	rddreg [dreg:$0x2]  }
0x1e7: {  	s0 =	sadd.s32 @!p0 $0x100000, s0  }
0x1e8: {  	[sflag:s0] =	ssyncadd.tile.s32 @!p0 $0x1;
	_ =	shalt  }
.Lfunc_end2:
_tile_overlayer_lowered:
.L_overlay_start_2:
0x1e9: {  	(tag) =	ssettag $0x2  }
0x1ea: {  	s0 =	rddreg [dreg:$0x0];
	s2 =	stileid.u32  }
0x1eb: {  	s1 =	rddreg [dreg:$0x1];
	p0 =	sne.s32 s2, $0x0  }
0x1ec: {  	s3 =	rddreg [dreg:$0x2];
	[bflag:$0x3] =	sbarrier.arrive $0xFFFF;
	s2 =	simm.s32 @!p0 $0x1C05  }
0x1ed: {  	[timem:s3], [sflag:s2] =	dma.local @!p0 [hbm:s0], s1  }
0x1ee: {  	s0 =	simm.s32 @!p0 $0x5  }
0x1ef: {  	_ =	swait.ge @!p0 [sflag:s0], s1  }
0x1f0: {  	s1 =	ssub.s32 @!p0 $0x0, s1;
	[sflag:s0] =	ssyncset.done @!p0 $0x0  }
0x1f1: {  	[sflag:s0] =	ssyncadd.s32 @!p0 s1  }
0x1f2: {  	[bflag:$0x3] =	sbarrier.arrive $0xFFFF  }
0x1f3: {  	_ =	shalt  }

</sc_bundles>
